<compile_context>
chip_gen: v7x
topology: tpu7x:2x2x1
jax: 0.10.2.dev20260603
libtpu: 0.0.44.dev20260713+nightly
codegen_flags: <defaults>
</compile_context>

<pallas_src>
import functools

import jax
import jax.numpy as jnp
from jax import lax
from jax.experimental import pallas as pl
from jax.experimental.pallas import tpu as pltpu
from jax.experimental.pallas import tpu_sc as plsc

N = 10000
E = 320000
G = 64
D_IN = 128

NC = 2
NS = 16
CH = 128
_NCH0 = (E // NS + CH - 1) // CH
NCH = _NCH0 + (_NCH0 % 2)
EPAD = NS * NCH * CH
NA = 10240
RPW = NA // NS
TRASH = N
NCH_HALF = (NCH + 1) // 2

_f32 = jnp.float32
_sc_params = pltpu.CompilerParams(use_tc_tiling_on_sc=False)


def _sc_mesh():
  return plsc.VectorSubcoreMesh(
      core_axis_name="c", subcore_axis_name="s", num_cores=NC, num_subcores=NS)


def _zero_rows(buf, nrows, ncols):
  zero = jnp.zeros((16,), _f32)

  def body(i, _):
    for j in range(ncols // 16):
      buf[i, pl.ds(j * 16, 16)] = zero
    return 0

  lax.fori_loop(0, nrows, body, 0)


def _make_sc_edge_scatter(DH, NB):

  @functools.partial(
      pl.kernel,
      out_type=jax.ShapeDtypeStruct((NC, NA, DH), _f32),
      mesh=_sc_mesh(),
      scratch_types=[
          pltpu.VMEM((NCH, CH), jnp.int32),
          pltpu.VMEM((NCH, CH), jnp.int32),
      ] + [pltpu.VMEM((CH, DH), _f32)] * NB + [
          pltpu.VMEM_SHARED((NA, DH), _f32),
      ] + [pltpu.SemaphoreType.DMA] * NB,
      compiler_params=_sc_params,
  )
  def k(table_h, row_h, col_h, out_h, ridx, cidx, *rest):
    rbuf = rest[:NB]
    acc = rest[NB]
    gs = rest[NB + 1:]
    c = lax.axis_index("c")
    s = lax.axis_index("s")

    _zero_rows(rbuf[0], CH, DH)
    for z in range(RPW // CH):
      pltpu.sync_copy(rbuf[0], acc.at[pl.ds(s * RPW + z * CH, CH)])
    plsc.subcore_barrier()

    pltpu.sync_copy(row_h.at[s], ridx)
    pltpu.sync_copy(col_h.at[s], cidx)
    half = table_h.at[c]

    for b in range(NB - 1):
      pltpu.async_copy(half.at[ridx.at[b]], rbuf[b], gs[b])

    def body(jj, _):
      base = NB * jj
      jtop = lax.min(base + NB - 1, NCH - 1)
      pltpu.async_copy(half.at[ridx.at[jtop]], rbuf[NB - 1], gs[NB - 1])
      for b in range(NB):
        j = base + b
        pltpu.make_async_copy(half.at[ridx.at[j]], rbuf[b], gs[b]).wait()
        pltpu.sync_copy(rbuf[b], acc.at[cidx.at[j]], add=True)
        if b < NB - 1:
          jn = lax.min(j + NB, NCH - 1)
          pltpu.async_copy(half.at[ridx.at[jn]], rbuf[b], gs[b])
      return 0

    lax.fori_loop(0, NCH // NB, body, 0)
    for b in range(NB - 1):
      pltpu.make_async_copy(half.at[ridx.at[0]], rbuf[b], gs[b]).wait()
    plsc.subcore_barrier()

    pltpu.sync_copy(acc.at[pl.ds(s * RPW, RPW)], out_h.at[c, pl.ds(s * RPW, RPW)])

  return k


def _make_sc_degree():
  D = 16

  @functools.partial(
      pl.kernel,
      out_type=jax.ShapeDtypeStruct((NC, NA, D), _f32),
      mesh=_sc_mesh(),
      scratch_types=[
          pltpu.VMEM((NCH, CH), jnp.int32),
          pltpu.VMEM((CH, D), _f32),
          pltpu.VMEM_SHARED((NA, D), _f32),
      ],
      compiler_params=_sc_params,
  )
  def k(col_h, out_h, cidx, ones_buf, acc):
    c = lax.axis_index("c")
    s = lax.axis_index("s")

    _zero_rows(ones_buf, CH, D)
    for z in range(RPW // CH):
      pltpu.sync_copy(ones_buf, acc.at[pl.ds(s * RPW + z * CH, CH)])
    plsc.subcore_barrier()

    one = jnp.ones((16,), _f32)

    def fill(i, _):
      ones_buf[i, pl.ds(0, 16)] = one
      return 0

    lax.fori_loop(0, CH, fill, 0)

    pltpu.sync_copy(col_h.at[s], cidx)

    lo = c * NCH_HALF
    hi = lax.min(jnp.int32(NCH), lo + NCH_HALF)

    def body(j, _):
      pltpu.sync_copy(ones_buf, acc.at[cidx.at[j]], add=True)
      return 0

    lax.fori_loop(lo, hi, body, 0)
    plsc.subcore_barrier()

    pltpu.sync_copy(acc.at[pl.ds(s * RPW, RPW)], out_h.at[c, pl.ds(s * RPW, RPW)])

  return k



BN = 1000
GRID = N // BN


def _row_spec(d):
  return pl.BlockSpec((BN, d), lambda i: (i, 0))


def _half_spec(c, d):
  return pl.BlockSpec((1, BN, d), lambda i, c=c: (c, i, 0))


def _full_spec(*shape):
  ndim = len(shape)
  return pl.BlockSpec(shape, lambda i: (0,) * ndim)


def _split_store(o_ref, full, dh):
  o_ref[0] = full[:, 0:dh]
  o_ref[1] = full[:, dh:2 * dh]


def _stage_a_body(x_ref, w1_ref, aw1_ref, dp0_ref, dp1_ref, t1_ref, dinv_ref):
  deg = 1.0 + dp0_ref[0, :, 0:1] + dp1_ref[0, :, 0:1]
  dinv = lax.rsqrt(deg)
  dinv_ref[...] = dinv
  xb = x_ref[...]
  full = jnp.concatenate(
      [dinv * jnp.dot(xb, w1_ref[...], preferred_element_type=_f32),
       dinv * jnp.dot(xb, aw1_ref[...], preferred_element_type=_f32)], axis=1)
  _split_store(t1_ref, full, 96)


def _tc_stage_a(x, W1, aW1, degp):
  return pl.pallas_call(
      _stage_a_body,
      grid=(GRID,),
      in_specs=[
          _row_spec(D_IN),
          _full_spec(D_IN, 128),
          _full_spec(D_IN, 64),
          _half_spec(0, 16),
          _half_spec(1, 16),
      ],
      out_specs=[
          pl.BlockSpec((NC, BN, 96), lambda i: (0, i, 0)),
          _row_spec(1),
      ],
      out_shape=[
          jax.ShapeDtypeStruct((NC, N, 96), _f32),
          jax.ShapeDtypeStruct((N, 1), _f32),
      ],
  )(x, W1, aW1, degp, degp)


def _stage_bc_body(dh_in, dw_in, dh_out, p0_ref, p1_ref, t0_ref, t1_ref,
                   dinv_ref, bf_ref, bw_ref, wf_ref, ww_ref, o_ref):
  s = jnp.concatenate(
      [p0_ref[0] + t0_ref[0], p1_ref[0] + t1_ref[0]], axis=1)
  dinv = dinv_ref[...]
  f = jax.nn.relu(dinv * s[:, 0:128] + bf_ref[...])
  w = jax.nn.relu(dinv * s[:, 128:128 + dw_in] + bw_ref[...])
  full = jnp.concatenate(
      [dinv * jnp.dot(f, wf_ref[...], preferred_element_type=_f32),
       dinv * jnp.dot(w, ww_ref[...], preferred_element_type=_f32)], axis=1)
  _split_store(o_ref, full, dh_out)


def _tc_stage_bc(p, t, dinv, bf, bw, wf, ww, dh_in, dw_in, dw_out):
  dh_out = (128 + dw_out) // 2
  body = functools.partial(_stage_bc_body, dh_in, dw_in, dh_out)
  return pl.pallas_call(
      body,
      grid=(GRID,),
      in_specs=[
          _half_spec(0, dh_in),
          _half_spec(1, dh_in),
          _half_spec(0, dh_in),
          _half_spec(1, dh_in),
          _row_spec(1),
          _full_spec(1, 128),
          _full_spec(1, dw_in),
          _full_spec(128, 128),
          _full_spec(dw_in, dw_out),
      ],
      out_specs=pl.BlockSpec((NC, BN, dh_out), lambda i: (0, i, 0)),
      out_shape=jax.ShapeDtypeStruct((NC, N, dh_out), _f32),
  )(p, p, t, t, dinv, bf, bw, wf, ww)


def _stage_d1_body(p0_ref, p1_ref, t0_ref, t1_ref, dinv_ref, bf_ref, bw_ref,
                   f_ref, w_ref):
  s = jnp.concatenate(
      [p0_ref[0] + t0_ref[0], p1_ref[0] + t1_ref[0]], axis=1)
  dinv = dinv_ref[...]
  f_ref[...] = jax.nn.relu(dinv * s[:, 0:128] + bf_ref[...])
  w_ref[...] = jax.nn.relu(dinv * s[:, 128:129] + bw_ref[...])


def _tc_stage_d1(p, t, dinv, b3, ab3):
  return pl.pallas_call(
      _stage_d1_body,
      grid=(GRID,),
      in_specs=[
          _half_spec(0, 80),
          _half_spec(1, 80),
          _half_spec(0, 80),
          _half_spec(1, 80),
          _row_spec(1),
          _full_spec(1, 128),
          _full_spec(1, 1),
      ],
      out_specs=[_row_spec(128), _row_spec(1)],
      out_shape=[
          jax.ShapeDtypeStruct((N, 128), _f32),
          jax.ShapeDtypeStruct((N, 1), _f32),
      ],
  )(p, p, t, t, dinv, b3, ab3)


def _stage_d2_body(f_ref, w_ref, batch_ref, mw1_ref, mb1_ref, mw2_ref, mb2_ref,
                   o_ref):
  b = batch_ref[...]
  gid = lax.broadcasted_iota(jnp.int32, (N, G), 1)
  mask = jnp.where(gid == b, 1.0, 0.0)
  w = w_ref[...]
  neg = jnp.float32(-jnp.inf)
  masked = jnp.where(mask > 0.5, w, neg)
  m = jnp.max(masked, axis=0, keepdims=True)
  m = jnp.where(jnp.isfinite(m), m, 0.0)
  m_n = jnp.sum(mask * m, axis=1, keepdims=True)
  e = jnp.exp(w - m_n)
  dn0 = (((0,), (0,)), ((), ()))
  denom = lax.dot_general(e, mask, dn0, preferred_element_type=_f32)
  denom_n = jnp.sum(mask * denom, axis=1, keepdims=True)
  wsm = e / (denom_n + 1e-16)
  pooled = lax.dot_general(mask * wsm, f_ref[...], dn0,
                           preferred_element_type=_f32)
  h = jax.nn.relu(
      jnp.dot(pooled, mw1_ref[...], preferred_element_type=_f32) + mb1_ref[...])
  o_ref[...] = jnp.dot(h, mw2_ref[...], preferred_element_type=_f32) + mb2_ref[...]


def _tc_stage_d2(f, w, batch2d, mW1, mb1, mW2, mb2):
  return pl.pallas_call(
      _stage_d2_body,
      out_shape=jax.ShapeDtypeStruct((G, 256), _f32),
  )(f, w, batch2d, mW1, mb1, mW2, mb2)


def kernel(x, edge_index, batch, W1, b1, W2, b2, W3, b3, aW1, ab1, aW2, ab2,
           aW3, ab3, mW1, mb1, mW2, mb2):
  pad = EPAD - E
  row = jnp.concatenate([edge_index[0], jnp.zeros((pad,), jnp.int32)])
  col = jnp.concatenate([edge_index[1], jnp.full((pad,), TRASH, jnp.int32)])
  row_r = row.reshape(NS, NCH, CH)
  col_r = col.reshape(NS, NCH, CH)
  batch2d = batch.reshape(N, 1)
  aW3p = jnp.pad(aW3, ((0, 0), (0, 31)))
  b1r, b2r, b3r = b1.reshape(1, -1), b2.reshape(1, -1), b3.reshape(1, -1)
  ab1r, ab2r = ab1.reshape(1, -1), ab2.reshape(1, -1)
  ab3r = ab3.reshape(1, 1)
  mb1r, mb2r = mb1.reshape(1, -1), mb2.reshape(1, -1)

  degp = _make_sc_degree()(col_r)

  t1, dinv = _tc_stage_a(x, W1, aW1, degp)

  p1 = _make_sc_edge_scatter(96, 2)(t1, row_r, col_r)
  t2 = _tc_stage_bc(p1, t1, dinv, b1r, ab1r, W2, aW2, 96, 64, 32)
  p2 = _make_sc_edge_scatter(80, 2)(t2, row_r, col_r)
  t3 = _tc_stage_bc(p2, t2, dinv, b2r, ab2r, W3, aW3p, 80, 32, 32)
  p3 = _make_sc_edge_scatter(80, 2)(t3, row_r, col_r)

  f3, w3 = _tc_stage_d1(p3, t3, dinv, b3r, ab3r)
  return _tc_stage_d2(f3, w3, batch2d, mW1, mb1r, mW2, mb2r)

# --- scband reference (transcript-rebuilt; emitter-appended) ---
"""Pipeline reference for scband-samr-37546604102404 (READ-ONLY COPY).

The authoritative reference and input builder live on the scoring server;
editing this copy changes nothing except your own understanding.
"""

import jax, jax.numpy as jnp
import numpy as np

N = 10000
E = 320000
G = 64
D_IN = 128
D_OUT = 256

def gcn_conv(x, edge_index, W, b):
    n = x.shape[0]
    xw = x @ W
    loop = jnp.arange(n, dtype=edge_index.dtype)
    row = jnp.concatenate([edge_index[0], loop])
    col = jnp.concatenate([edge_index[1], loop])
    deg = jax.ops.segment_sum(jnp.ones(row.shape[0], dtype=xw.dtype), col, num_segments=n)
    dinv = jnp.where(deg > 0, 1.0 / jnp.sqrt(deg), 0.0)
    norm = dinv[row] * dinv[col]
    out = jax.ops.segment_sum(xw[row] * norm[:, None], col, num_segments=n)
    return out + b

def segment_softmax(w, batch, num_segments):
    m = jax.ops.segment_max(w, batch, num_segments=num_segments)
    m = jnp.where(jnp.isfinite(m), m, jnp.zeros_like(m))
    e = jnp.exp(w - m[batch])
    denom = jax.ops.segment_sum(e, batch, num_segments=num_segments)
    return e / (denom[batch] + 1e-16)

def setup_inputs(seed: int = 0):
    key = jax.random.key(seed)
    ks = jax.random.split(key, 32)
    def p(i, shape, scale=0.05):
        return jax.random.normal(ks[i], shape, dtype=jnp.float32) * scale
    x = jax.random.normal(ks[0], (N, D_IN), dtype=jnp.float32)
    edge_index = jax.random.randint(ks[1], (2, E), 0, N, dtype=jnp.int32)
    batch = jnp.sort(jax.random.randint(ks[2], (N,), 0, G, dtype=jnp.int32))
    return {
        "x": x, "edge_index": edge_index, "batch": batch,
        "W1": p(3, (D_IN, 128)), "b1": jnp.zeros((128,), jnp.float32),
        "W2": p(4, (128, 128)), "b2": jnp.zeros((128,), jnp.float32),
        "W3": p(5, (128, 128)), "b3": jnp.zeros((128,), jnp.float32),
        "aW1": p(6, (D_IN, 64)), "ab1": jnp.zeros((64,), jnp.float32),
        "aW2": p(7, (64, 32)), "ab2": jnp.zeros((32,), jnp.float32),
        "aW3": p(8, (32, 1)), "ab3": jnp.zeros((1,), jnp.float32),
        "mW1": p(9, (128, 128)), "mb1": jnp.zeros((128,), jnp.float32),
        "mW2": p(10, (128, D_OUT)), "mb2": jnp.zeros((D_OUT,), jnp.float32),
    }

def reference(x, edge_index, batch, W1, b1, W2, b2, W3, b3, aW1, ab1, aW2, ab2, aW3, ab3, mW1, mb1, mW2, mb2):
    f = jax.nn.relu(gcn_conv(x, edge_index, W1, b1))
    f = jax.nn.relu(gcn_conv(f, edge_index, W2, b2))
    f = jax.nn.relu(gcn_conv(f, edge_index, W3, b3))
    w = jax.nn.relu(gcn_conv(x, edge_index, aW1, ab1))
    w = jax.nn.relu(gcn_conv(w, edge_index, aW2, ab2))
    w = jax.nn.relu(gcn_conv(w, edge_index, aW3, ab3))
    w = segment_softmax(w, batch, G)
    g = jax.ops.segment_sum(f * w, batch, num_segments=G)
    h = jax.nn.relu(g @ mW1 + mb1)
    return h @ mW2 + mb2

if __name__ == "__main__":
    import jax
    _d = setup_inputs()
    print(jax.jit(kernel)(*tuple(_d.values())))

</pallas_src>

<mosaic_0001>
#map = affine_map<(d0, d1) -> (0, 0, 0)>
module attributes {stable_mosaic.version = 14 : i64} {
  func.func @k(%arg0: i32, %arg1: i32, %arg2: memref<2x10000x80xf32, #tpu.memory_space<hbm>>, %arg3: memref<16x158x128xi32, #tpu.memory_space<hbm>>, %arg4: memref<16x158x128xi32, #tpu.memory_space<hbm>>, %arg5: memref<2x10240x80xf32, #tpu.memory_space<hbm>>, %arg6: memref<158x128xi32, #tpu.memory_space<vmem>>, %arg7: memref<158x128xi32, #tpu.memory_space<vmem>>, %arg8: memref<128x80xf32, #tpu.memory_space<vmem>>, %arg9: memref<128x80xf32, #tpu.memory_space<vmem>>, %arg10: memref<10240x80xf32, #tpu.memory_space<vmem_shared>>, %arg11: memref<!tpu.dma_semaphore, #tpu.memory_space<semaphore_mem>>, %arg12: memref<!tpu.dma_semaphore, #tpu.memory_space<semaphore_mem>>) attributes {dimension_semantics = [#tpu.dimension_semantics<core_parallel>, #tpu.dimension_semantics<subcore_parallel>], iteration_bounds = array<i64: 2, 16>, scalar_prefetch = 0 : i64, scratch_operands = 7 : i64, tpu.core_type = #tpu.core_type<sc_vector_subcore>, window_params = [{transform_indices = #map}, {transform_indices = #map}, {transform_indices = #map}, {transform_indices = #map}]} {
    %broadcast_in_dim3A = arith.constant 0.000000e+00 : f32
    %broadcast_in_dim3A_0 = vector.broadcast %broadcast_in_dim3A : f32 to vector<16xf32>
    %scan3A = arith.constant 0 : i32
    %scan3A_1 = arith.constant 0 : i32
    %scan3A_2 = arith.constant 128 : i32
    %scan3A_3 = arith.addi %scan3A_1, %scan3A_2 : i32
    %scan3A_4 = arith.constant 1 : i32
    %scan3A_5 = scf.for %scan3A_57 = %scan3A_1 to %scan3A_3 step %scan3A_4 iter_args(%scan3A_58 = %scan3A) -> (i32)  : i32 {
      %swap3A = arith.index_cast %scan3A_57 : i32 to index
      %swap3A_59 = arith.constant 0 : index
      %swap3A_60 = tpu.vector_load %arg8[%swap3A, %swap3A_59] {strides = array<i32>} : memref<128x80xf32, #tpu.memory_space<vmem>>, vector<1x16xf32>,
      %swap3A_61 = vector.shape_cast %swap3A_60 : vector<1x16xf32> to vector<16xf32>
      %swap3A_62 = vector.shape_cast %broadcast_in_dim3A_0 : vector<16xf32> to vector<1x16xf32>
      tpu.vector_store %arg8[%swap3A, %swap3A_59], %swap3A_62 {strides = array<i32>} : memref<128x80xf32, #tpu.memory_space<vmem>>, vector<1x16xf32>,
      %swap3A_63 = arith.index_cast %scan3A_57 : i32 to index
      %swap3A_64 = arith.constant 16 : index
      %swap3A_65 = tpu.vector_load %arg8[%swap3A_63, %swap3A_64] {strides = array<i32>} : memref<128x80xf32, #tpu.memory_space<vmem>>, vector<1x16xf32>,
      %swap3A_66 = vector.shape_cast %swap3A_65 : vector<1x16xf32> to vector<16xf32>
      %swap3A_67 = vector.shape_cast %broadcast_in_dim3A_0 : vector<16xf32> to vector<1x16xf32>
      tpu.vector_store %arg8[%swap3A_63, %swap3A_64], %swap3A_67 {strides = array<i32>} : memref<128x80xf32, #tpu.memory_space<vmem>>, vector<1x16xf32>,
      %swap3A_68 = arith.index_cast %scan3A_57 : i32 to index
      %swap3A_69 = arith.constant 32 : index
      %swap3A_70 = tpu.vector_load %arg8[%swap3A_68, %swap3A_69] {strides = array<i32>} : memref<128x80xf32, #tpu.memory_space<vmem>>, vector<1x16xf32>,
      %swap3A_71 = vector.shape_cast %swap3A_70 : vector<1x16xf32> to vector<16xf32>
      %swap3A_72 = vector.shape_cast %broadcast_in_dim3A_0 : vector<16xf32> to vector<1x16xf32>
      tpu.vector_store %arg8[%swap3A_68, %swap3A_69], %swap3A_72 {strides = array<i32>} : memref<128x80xf32, #tpu.memory_space<vmem>>, vector<1x16xf32>,
      %swap3A_73 = arith.index_cast %scan3A_57 : i32 to index
      %swap3A_74 = arith.constant 48 : index
      %swap3A_75 = tpu.vector_load %arg8[%swap3A_73, %swap3A_74] {strides = array<i32>} : memref<128x80xf32, #tpu.memory_space<vmem>>, vector<1x16xf32>,
      %swap3A_76 = vector.shape_cast %swap3A_75 : vector<1x16xf32> to vector<16xf32>
      %swap3A_77 = vector.shape_cast %broadcast_in_dim3A_0 : vector<16xf32> to vector<1x16xf32>
      tpu.vector_store %arg8[%swap3A_73, %swap3A_74], %swap3A_77 {strides = array<i32>} : memref<128x80xf32, #tpu.memory_space<vmem>>, vector<1x16xf32>,
      %swap3A_78 = arith.index_cast %scan3A_57 : i32 to index
      %swap3A_79 = arith.constant 64 : index
      %swap3A_80 = tpu.vector_load %arg8[%swap3A_78, %swap3A_79] {strides = array<i32>} : memref<128x80xf32, #tpu.memory_space<vmem>>, vector<1x16xf32>,
      %swap3A_81 = vector.shape_cast %swap3A_80 : vector<1x16xf32> to vector<16xf32>
      %swap3A_82 = vector.shape_cast %broadcast_in_dim3A_0 : vector<16xf32> to vector<1x16xf32>
      tpu.vector_store %arg8[%swap3A_78, %swap3A_79], %swap3A_82 {strides = array<i32>} : memref<128x80xf32, #tpu.memory_space<vmem>>, vector<1x16xf32>,
      %scan3A_83 = arith.constant 0 : i32
      scf.yield %scan3A_83 : i32
    }
    %scan3A_6 = arith.constant 128 : i32
    %mul3A = arith.constant 640 : i32
    %mul3A_7 = arith.muli %arg1, %mul3A : i32
    %add3A = arith.constant 0 : i32
    %add3A_8 = arith.addi %mul3A_7, %add3A : i32
    "tpu.region"() ({
      %run_scoped3A = tpu.sem_alloc : memref<!tpu.dma_semaphore, #tpu.memory_space<semaphore_mem>>
      %dma_start3A_57 = arith.constant 0 : i32
      %dma_start3A_58 = tpu.memref_slice %arg10[%add3A_8, %dma_start3A_57] : memref<10240x80xf32, #tpu.memory_space<vmem_shared>> -> memref<128x80xf32, #tpu.memory_space<vmem_shared>>
      %dma_start3A_59 = arith.constant 0 : i32
      %dma_start3A_60 = tpu.memref_slice %arg10[%add3A_8, %dma_start3A_59] : memref<10240x80xf32, #tpu.memory_space<vmem_shared>> -> memref<128x80xf32, #tpu.memory_space<vmem_shared>>
      tpu.enqueue_dma source(%arg8 : memref<128x80xf32, #tpu.memory_space<vmem>>) target(%dma_start3A_60 : memref<128x80xf32, #tpu.memory_space<vmem_shared>>) target_semaphore(%run_scoped3A : memref<!tpu.dma_semaphore, #tpu.memory_space<semaphore_mem>>)
      %dma_wait3A_61 = arith.constant 0 : i32
      %dma_wait3A_62 = tpu.memref_slice %arg10[%add3A_8, %dma_wait3A_61] : memref<10240x80xf32, #tpu.memory_space<vmem_shared>> -> memref<128x80xf32, #tpu.memory_space<vmem_shared>>
      %dma_wait3A_63 = arith.constant 0 : i32
      %dma_wait3A_64 = tpu.memref_slice %arg10[%add3A_8, %dma_wait3A_63] : memref<10240x80xf32, #tpu.memory_space<vmem_shared>> -> memref<128x80xf32, #tpu.memory_space<vmem_shared>>
      tpu.wait_dma2 semaphore(%run_scoped3A : memref<!tpu.dma_semaphore, #tpu.memory_space<semaphore_mem>>) src(%arg8 : memref<128x80xf32, #tpu.memory_space<vmem>>) dst(%dma_wait3A_64 : memref<128x80xf32, #tpu.memory_space<vmem_shared>>)
      tpu.yield
    }) : () -> ()
    %mul3A_9 = arith.constant 640 : i32
    %mul3A_10 = arith.muli %arg1, %mul3A_9 : i32
    %add3A_11 = arith.constant 128 : i32
    %add3A_12 = arith.addi %mul3A_10, %add3A_11 : i32
    "tpu.region"() ({
      %run_scoped3A = tpu.sem_alloc : memref<!tpu.dma_semaphore, #tpu.memory_space<semaphore_mem>>
      %dma_start3A_57 = arith.constant 0 : i32
      %dma_start3A_58 = tpu.memref_slice %arg10[%add3A_12, %dma_start3A_57] : memref<10240x80xf32, #tpu.memory_space<vmem_shared>> -> memref<128x80xf32, #tpu.memory_space<vmem_shared>>
      %dma_start3A_59 = arith.constant 0 : i32
      %dma_start3A_60 = tpu.memref_slice %arg10[%add3A_12, %dma_start3A_59] : memref<10240x80xf32, #tpu.memory_space<vmem_shared>> -> memref<128x80xf32, #tpu.memory_space<vmem_shared>>
      tpu.enqueue_dma source(%arg8 : memref<128x80xf32, #tpu.memory_space<vmem>>) target(%dma_start3A_60 : memref<128x80xf32, #tpu.memory_space<vmem_shared>>) target_semaphore(%run_scoped3A : memref<!tpu.dma_semaphore, #tpu.memory_space<semaphore_mem>>)
      %dma_wait3A_61 = arith.constant 0 : i32
      %dma_wait3A_62 = tpu.memref_slice %arg10[%add3A_12, %dma_wait3A_61] : memref<10240x80xf32, #tpu.memory_space<vmem_shared>> -> memref<128x80xf32, #tpu.memory_space<vmem_shared>>
      %dma_wait3A_63 = arith.constant 0 : i32
      %dma_wait3A_64 = tpu.memref_slice %arg10[%add3A_12, %dma_wait3A_63] : memref<10240x80xf32, #tpu.memory_space<vmem_shared>> -> memref<128x80xf32, #tpu.memory_space<vmem_shared>>
      tpu.wait_dma2 semaphore(%run_scoped3A : memref<!tpu.dma_semaphore, #tpu.memory_space<semaphore_mem>>) src(%arg8 : memref<128x80xf32, #tpu.memory_space<vmem>>) dst(%dma_wait3A_64 : memref<128x80xf32, #tpu.memory_space<vmem_shared>>)
      tpu.yield
    }) : () -> ()
    %mul3A_13 = arith.constant 640 : i32
    %mul3A_14 = arith.muli %arg1, %mul3A_13 : i32
    %add3A_15 = arith.constant 256 : i32
    %add3A_16 = arith.addi %mul3A_14, %add3A_15 : i32
    "tpu.region"() ({
      %run_scoped3A = tpu.sem_alloc : memref<!tpu.dma_semaphore, #tpu.memory_space<semaphore_mem>>
      %dma_start3A_57 = arith.constant 0 : i32
      %dma_start3A_58 = tpu.memref_slice %arg10[%add3A_16, %dma_start3A_57] : memref<10240x80xf32, #tpu.memory_space<vmem_shared>> -> memref<128x80xf32, #tpu.memory_space<vmem_shared>>
      %dma_start3A_59 = arith.constant 0 : i32
      %dma_start3A_60 = tpu.memref_slice %arg10[%add3A_16, %dma_start3A_59] : memref<10240x80xf32, #tpu.memory_space<vmem_shared>> -> memref<128x80xf32, #tpu.memory_space<vmem_shared>>
      tpu.enqueue_dma source(%arg8 : memref<128x80xf32, #tpu.memory_space<vmem>>) target(%dma_start3A_60 : memref<128x80xf32, #tpu.memory_space<vmem_shared>>) target_semaphore(%run_scoped3A : memref<!tpu.dma_semaphore, #tpu.memory_space<semaphore_mem>>)
      %dma_wait3A_61 = arith.constant 0 : i32
      %dma_wait3A_62 = tpu.memref_slice %arg10[%add3A_16, %dma_wait3A_61] : memref<10240x80xf32, #tpu.memory_space<vmem_shared>> -> memref<128x80xf32, #tpu.memory_space<vmem_shared>>
      %dma_wait3A_63 = arith.constant 0 : i32
      %dma_wait3A_64 = tpu.memref_slice %arg10[%add3A_16, %dma_wait3A_63] : memref<10240x80xf32, #tpu.memory_space<vmem_shared>> -> memref<128x80xf32, #tpu.memory_space<vmem_shared>>
      tpu.wait_dma2 semaphore(%run_scoped3A : memref<!tpu.dma_semaphore, #tpu.memory_space<semaphore_mem>>) src(%arg8 : memref<128x80xf32, #tpu.memory_space<vmem>>) dst(%dma_wait3A_64 : memref<128x80xf32, #tpu.memory_space<vmem_shared>>)
      tpu.yield
    }) : () -> ()
    %mul3A_17 = arith.constant 640 : i32
    %mul3A_18 = arith.muli %arg1, %mul3A_17 : i32
    %add3A_19 = arith.constant 384 : i32
    %add3A_20 = arith.addi %mul3A_18, %add3A_19 : i32
    "tpu.region"() ({
      %run_scoped3A = tpu.sem_alloc : memref<!tpu.dma_semaphore, #tpu.memory_space<semaphore_mem>>
      %dma_start3A_57 = arith.constant 0 : i32
      %dma_start3A_58 = tpu.memref_slice %arg10[%add3A_20, %dma_start3A_57] : memref<10240x80xf32, #tpu.memory_space<vmem_shared>> -> memref<128x80xf32, #tpu.memory_space<vmem_shared>>
      %dma_start3A_59 = arith.constant 0 : i32
      %dma_start3A_60 = tpu.memref_slice %arg10[%add3A_20, %dma_start3A_59] : memref<10240x80xf32, #tpu.memory_space<vmem_shared>> -> memref<128x80xf32, #tpu.memory_space<vmem_shared>>
      tpu.enqueue_dma source(%arg8 : memref<128x80xf32, #tpu.memory_space<vmem>>) target(%dma_start3A_60 : memref<128x80xf32, #tpu.memory_space<vmem_shared>>) target_semaphore(%run_scoped3A : memref<!tpu.dma_semaphore, #tpu.memory_space<semaphore_mem>>)
      %dma_wait3A_61 = arith.constant 0 : i32
      %dma_wait3A_62 = tpu.memref_slice %arg10[%add3A_20, %dma_wait3A_61] : memref<10240x80xf32, #tpu.memory_space<vmem_shared>> -> memref<128x80xf32, #tpu.memory_space<vmem_shared>>
      %dma_wait3A_63 = arith.constant 0 : i32
      %dma_wait3A_64 = tpu.memref_slice %arg10[%add3A_20, %dma_wait3A_63] : memref<10240x80xf32, #tpu.memory_space<vmem_shared>> -> memref<128x80xf32, #tpu.memory_space<vmem_shared>>
      tpu.wait_dma2 semaphore(%run_scoped3A : memref<!tpu.dma_semaphore, #tpu.memory_space<semaphore_mem>>) src(%arg8 : memref<128x80xf32, #tpu.memory_space<vmem>>) dst(%dma_wait3A_64 : memref<128x80xf32, #tpu.memory_space<vmem_shared>>)
      tpu.yield
    }) : () -> ()
    %mul3A_21 = arith.constant 640 : i32
    %mul3A_22 = arith.muli %arg1, %mul3A_21 : i32
    %add3A_23 = arith.constant 512 : i32
    %add3A_24 = arith.addi %mul3A_22, %add3A_23 : i32
    "tpu.region"() ({
      %run_scoped3A = tpu.sem_alloc : memref<!tpu.dma_semaphore, #tpu.memory_space<semaphore_mem>>
      %dma_start3A_57 = arith.constant 0 : i32
      %dma_start3A_58 = tpu.memref_slice %arg10[%add3A_24, %dma_start3A_57] : memref<10240x80xf32, #tpu.memory_space<vmem_shared>> -> memref<128x80xf32, #tpu.memory_space<vmem_shared>>
      %dma_start3A_59 = arith.constant 0 : i32
      %dma_start3A_60 = tpu.memref_slice %arg10[%add3A_24, %dma_start3A_59] : memref<10240x80xf32, #tpu.memory_space<vmem_shared>> -> memref<128x80xf32, #tpu.memory_space<vmem_shared>>
      tpu.enqueue_dma source(%arg8 : memref<128x80xf32, #tpu.memory_space<vmem>>) target(%dma_start3A_60 : memref<128x80xf32, #tpu.memory_space<vmem_shared>>) target_semaphore(%run_scoped3A : memref<!tpu.dma_semaphore, #tpu.memory_space<semaphore_mem>>)
      %dma_wait3A_61 = arith.constant 0 : i32
      %dma_wait3A_62 = tpu.memref_slice %arg10[%add3A_24, %dma_wait3A_61] : memref<10240x80xf32, #tpu.memory_space<vmem_shared>> -> memref<128x80xf32, #tpu.memory_space<vmem_shared>>
      %dma_wait3A_63 = arith.constant 0 : i32
      %dma_wait3A_64 = tpu.memref_slice %arg10[%add3A_24, %dma_wait3A_63] : memref<10240x80xf32, #tpu.memory_space<vmem_shared>> -> memref<128x80xf32, #tpu.memory_space<vmem_shared>>
      tpu.wait_dma2 semaphore(%run_scoped3A : memref<!tpu.dma_semaphore, #tpu.memory_space<semaphore_mem>>) src(%arg8 : memref<128x80xf32, #tpu.memory_space<vmem>>) dst(%dma_wait3A_64 : memref<128x80xf32, #tpu.memory_space<vmem_shared>>)
      tpu.yield
    }) : () -> ()
    %barrier3A = arith.constant 0 : index
    tpu.barrier barrier_id(%barrier3A)
    "tpu.region"() ({
      %run_scoped3A = tpu.sem_alloc : memref<!tpu.dma_semaphore, #tpu.memory_space<semaphore_mem>>
      %dma_start3A_57 = arith.constant 0 : i32
      %dma_start3A_58 = arith.constant 0 : i32
      %dma_start3A_59 = tpu.memref_slice %arg3[%arg1, %dma_start3A_57, %dma_start3A_58] : memref<16x158x128xi32, #tpu.memory_space<hbm>> -> memref<1x158x128xi32, #tpu.memory_space<hbm>>
      %dma_start3A_60 = tpu.memref_squeeze %dma_start3A_59 : memref<1x158x128xi32, #tpu.memory_space<hbm>> -> memref<158x128xi32, #tpu.memory_space<hbm>>
      %dma_start3A_61 = arith.constant 0 : i32
      %dma_start3A_62 = arith.constant 0 : i32
      %dma_start3A_63 = tpu.memref_slice %arg3[%arg1, %dma_start3A_61, %dma_start3A_62] : memref<16x158x128xi32, #tpu.memory_space<hbm>> -> memref<1x158x128xi32, #tpu.memory_space<hbm>>
      %dma_start3A_64 = tpu.memref_squeeze %dma_start3A_63 : memref<1x158x128xi32, #tpu.memory_space<hbm>> -> memref<158x128xi32, #tpu.memory_space<hbm>>
      tpu.enqueue_dma source(%dma_start3A_64 : memref<158x128xi32, #tpu.memory_space<hbm>>) target(%arg6 : memref<158x128xi32, #tpu.memory_space<vmem>>) target_semaphore(%run_scoped3A : memref<!tpu.dma_semaphore, #tpu.memory_space<semaphore_mem>>)
      %dma_wait3A_65 = arith.constant 0 : i32
      %dma_wait3A_66 = arith.constant 0 : i32
      %dma_wait3A_67 = tpu.memref_slice %arg3[%arg1, %dma_wait3A_65, %dma_wait3A_66] : memref<16x158x128xi32, #tpu.memory_space<hbm>> -> memref<1x158x128xi32, #tpu.memory_space<hbm>>
      %dma_wait3A_68 = tpu.memref_squeeze %dma_wait3A_67 : memref<1x158x128xi32, #tpu.memory_space<hbm>> -> memref<158x128xi32, #tpu.memory_space<hbm>>
      %dma_wait3A_69 = arith.constant 0 : i32
      %dma_wait3A_70 = arith.constant 0 : i32
      %dma_wait3A_71 = tpu.memref_slice %arg3[%arg1, %dma_wait3A_69, %dma_wait3A_70] : memref<16x158x128xi32, #tpu.memory_space<hbm>> -> memref<1x158x128xi32, #tpu.memory_space<hbm>>
      %dma_wait3A_72 = tpu.memref_squeeze %dma_wait3A_71 : memref<1x158x128xi32, #tpu.memory_space<hbm>> -> memref<158x128xi32, #tpu.memory_space<hbm>>
      tpu.wait_dma2 semaphore(%run_scoped3A : memref<!tpu.dma_semaphore, #tpu.memory_space<semaphore_mem>>) src(%dma_wait3A_72 : memref<158x128xi32, #tpu.memory_space<hbm>>) dst(%arg6 : memref<158x128xi32, #tpu.memory_space<vmem>>)
      tpu.yield
    }) : () -> ()
    "tpu.region"() ({
      %run_scoped3A = tpu.sem_alloc : memref<!tpu.dma_semaphore, #tpu.memory_space<semaphore_mem>>
      %dma_start3A_57 = arith.constant 0 : i32
      %dma_start3A_58 = arith.constant 0 : i32
      %dma_start3A_59 = tpu.memref_slice %arg4[%arg1, %dma_start3A_57, %dma_start3A_58] : memref<16x158x128xi32, #tpu.memory_space<hbm>> -> memref<1x158x128xi32, #tpu.memory_space<hbm>>
      %dma_start3A_60 = tpu.memref_squeeze %dma_start3A_59 : memref<1x158x128xi32, #tpu.memory_space<hbm>> -> memref<158x128xi32, #tpu.memory_space<hbm>>
      %dma_start3A_61 = arith.constant 0 : i32
      %dma_start3A_62 = arith.constant 0 : i32
      %dma_start3A_63 = tpu.memref_slice %arg4[%arg1, %dma_start3A_61, %dma_start3A_62] : memref<16x158x128xi32, #tpu.memory_space<hbm>> -> memref<1x158x128xi32, #tpu.memory_space<hbm>>
      %dma_start3A_64 = tpu.memref_squeeze %dma_start3A_63 : memref<1x158x128xi32, #tpu.memory_space<hbm>> -> memref<158x128xi32, #tpu.memory_space<hbm>>
      tpu.enqueue_dma source(%dma_start3A_64 : memref<158x128xi32, #tpu.memory_space<hbm>>) target(%arg7 : memref<158x128xi32, #tpu.memory_space<vmem>>) target_semaphore(%run_scoped3A : memref<!tpu.dma_semaphore, #tpu.memory_space<semaphore_mem>>)
      %dma_wait3A_65 = arith.constant 0 : i32
      %dma_wait3A_66 = arith.constant 0 : i32
      %dma_wait3A_67 = tpu.memref_slice %arg4[%arg1, %dma_wait3A_65, %dma_wait3A_66] : memref<16x158x128xi32, #tpu.memory_space<hbm>> -> memref<1x158x128xi32, #tpu.memory_space<hbm>>
      %dma_wait3A_68 = tpu.memref_squeeze %dma_wait3A_67 : memref<1x158x128xi32, #tpu.memory_space<hbm>> -> memref<158x128xi32, #tpu.memory_space<hbm>>
      %dma_wait3A_69 = arith.constant 0 : i32
      %dma_wait3A_70 = arith.constant 0 : i32
      %dma_wait3A_71 = tpu.memref_slice %arg4[%arg1, %dma_wait3A_69, %dma_wait3A_70] : memref<16x158x128xi32, #tpu.memory_space<hbm>> -> memref<1x158x128xi32, #tpu.memory_space<hbm>>
      %dma_wait3A_72 = tpu.memref_squeeze %dma_wait3A_71 : memref<1x158x128xi32, #tpu.memory_space<hbm>> -> memref<158x128xi32, #tpu.memory_space<hbm>>
      tpu.wait_dma2 semaphore(%run_scoped3A : memref<!tpu.dma_semaphore, #tpu.memory_space<semaphore_mem>>) src(%dma_wait3A_72 : memref<158x128xi32, #tpu.memory_space<hbm>>) dst(%arg7 : memref<158x128xi32, #tpu.memory_space<vmem>>)
      tpu.yield
    }) : () -> ()
    %dma_start3A = arith.constant 0 : i32
    %dma_start3A_25 = arith.constant 0 : i32
    %dma_start3A_26 = tpu.memref_slice %arg6[%dma_start3A, %dma_start3A_25] : memref<158x128xi32, #tpu.memory_space<vmem>> -> memref<1x128xi32, #tpu.memory_space<vmem>>
    %dma_start3A_27 = tpu.memref_squeeze %dma_start3A_26 : memref<1x128xi32, #tpu.memory_space<vmem>> -> memref<128xi32, #tpu.memory_space<vmem>>
    %dma_start3A_28 = arith.constant 0 : i32
    %dma_start3A_29 = arith.constant 0 : i32
    %dma_start3A_30 = tpu.memref_slice %arg2[%arg0, %dma_start3A_28, %dma_start3A_29] : memref<2x10000x80xf32, #tpu.memory_space<hbm>> -> memref<1x10000x80xf32, #tpu.memory_space<hbm>>
    %dma_start3A_31 = tpu.memref_squeeze %dma_start3A_30 : memref<1x10000x80xf32, #tpu.memory_space<hbm>> -> memref<10000x80xf32, #tpu.memory_space<hbm>>
    %dma_start3A_32 = arith.constant 0 : i32
    %dma_start3A_33 = arith.constant 0 : i32
    %dma_start3A_34 = tpu.memref_slice %dma_start3A_31[%dma_start3A_32, %dma_start3A_33] : memref<10000x80xf32, #tpu.memory_space<hbm>> -> memref<10000x80xf32, #tpu.memory_space<hbm>>
    tpu.enqueue_indirect_dma source(%dma_start3A_34 : memref<10000x80xf32, #tpu.memory_space<hbm>>) target(%arg8 : memref<128x80xf32, #tpu.memory_space<vmem>>) offsets(%dma_start3A_27 : memref<128xi32, #tpu.memory_space<vmem>>) semaphore(%arg11 : memref<!tpu.dma_semaphore, #tpu.memory_space<semaphore_mem>>)
    %scan3A_35 = arith.constant 0 : i32
    %scan3A_36 = arith.constant 0 : i32
    %scan3A_37 = arith.constant 79 : i32
    %scan3A_38 = arith.addi %scan3A_36, %scan3A_37 : i32
    %scan3A_39 = arith.constant 1 : i32
    %scan3A_40 = scf.for %scan3A_57 = %scan3A_36 to %scan3A_38 step %scan3A_39 iter_args(%scan3A_58 = %scan3A_35) -> (i32)  : i32 {
      %mul3A_59 = arith.constant 2 : i32
      %mul3A_60 = arith.muli %mul3A_59, %scan3A_57 : i32
      %add3A_61 = arith.constant 2 : i32
      %add3A_62 = arith.addi %mul3A_60, %add3A_61 : i32
      %sub3A = arith.constant 1 : i32
      %sub3A_63 = arith.subi %add3A_62, %sub3A : i32
      %min3A = arith.constant 157 : i32
      %min3A_64 = arith.minsi %sub3A_63, %min3A : i32
      %dma_start3A_65 = arith.constant 0 : i32
      %dma_start3A_66 = tpu.memref_slice %arg6[%min3A_64, %dma_start3A_65] : memref<158x128xi32, #tpu.memory_space<vmem>> -> memref<1x128xi32, #tpu.memory_space<vmem>>
      %dma_start3A_67 = tpu.memref_squeeze %dma_start3A_66 : memref<1x128xi32, #tpu.memory_space<vmem>> -> memref<128xi32, #tpu.memory_space<vmem>>
      %dma_start3A_68 = arith.constant 0 : i32
      %dma_start3A_69 = arith.constant 0 : i32
      %dma_start3A_70 = tpu.memref_slice %arg2[%arg0, %dma_start3A_68, %dma_start3A_69] : memref<2x10000x80xf32, #tpu.memory_space<hbm>> -> memref<1x10000x80xf32, #tpu.memory_space<hbm>>
      %dma_start3A_71 = tpu.memref_squeeze %dma_start3A_70 : memref<1x10000x80xf32, #tpu.memory_space<hbm>> -> memref<10000x80xf32, #tpu.memory_space<hbm>>
      %dma_start3A_72 = arith.constant 0 : i32
      %dma_start3A_73 = arith.constant 0 : i32
      %dma_start3A_74 = tpu.memref_slice %dma_start3A_71[%dma_start3A_72, %dma_start3A_73] : memref<10000x80xf32, #tpu.memory_space<hbm>> -> memref<10000x80xf32, #tpu.memory_space<hbm>>
      tpu.enqueue_indirect_dma source(%dma_start3A_74 : memref<10000x80xf32, #tpu.memory_space<hbm>>) target(%arg9 : memref<128x80xf32, #tpu.memory_space<vmem>>) offsets(%dma_start3A_67 : memref<128xi32, #tpu.memory_space<vmem>>) semaphore(%arg12 : memref<!tpu.dma_semaphore, #tpu.memory_space<semaphore_mem>>)
      %add3A_75 = arith.constant 0 : i32
      %add3A_76 = arith.addi %mul3A_60, %add3A_75 : i32
      %dma_wait3A_77 = arith.constant 0 : i32
      %dma_wait3A_78 = tpu.memref_slice %arg6[%add3A_76, %dma_wait3A_77] : memref<158x128xi32, #tpu.memory_space<vmem>> -> memref<1x128xi32, #tpu.memory_space<vmem>>
      %dma_wait3A_79 = tpu.memref_squeeze %dma_wait3A_78 : memref<1x128xi32, #tpu.memory_space<vmem>> -> memref<128xi32, #tpu.memory_space<vmem>>
      %dma_wait3A_80 = arith.constant 0 : i32
      %dma_wait3A_81 = arith.constant 0 : i32
      %dma_wait3A_82 = tpu.memref_slice %arg2[%arg0, %dma_wait3A_80, %dma_wait3A_81] : memref<2x10000x80xf32, #tpu.memory_space<hbm>> -> memref<1x10000x80xf32, #tpu.memory_space<hbm>>
      %dma_wait3A_83 = tpu.memref_squeeze %dma_wait3A_82 : memref<1x10000x80xf32, #tpu.memory_space<hbm>> -> memref<10000x80xf32, #tpu.memory_space<hbm>>
      %dma_wait3A_84 = arith.constant 0 : i32
      %dma_wait3A_85 = arith.constant 0 : i32
      %dma_wait3A_86 = tpu.memref_slice %dma_wait3A_83[%dma_wait3A_84, %dma_wait3A_85] : memref<10000x80xf32, #tpu.memory_space<hbm>> -> memref<10000x80xf32, #tpu.memory_space<hbm>>
      tpu.wait_indirect_dma semaphore(%arg11 : memref<!tpu.dma_semaphore, #tpu.memory_space<semaphore_mem>>) src(%dma_wait3A_86 : memref<10000x80xf32, #tpu.memory_space<hbm>>) dst(%arg8 : memref<128x80xf32, #tpu.memory_space<vmem>>)
      "tpu.region"() ({
        %run_scoped3A = tpu.sem_alloc : memref<!tpu.dma_semaphore, #tpu.memory_space<semaphore_mem>>
        %dma_start3A_114 = arith.constant 0 : i32
        %dma_start3A_115 = tpu.memref_slice %arg7[%add3A_76, %dma_start3A_114] : memref<158x128xi32, #tpu.memory_space<vmem>> -> memref<1x128xi32, #tpu.memory_space<vmem>>
        %dma_start3A_116 = tpu.memref_squeeze %dma_start3A_115 : memref<1x128xi32, #tpu.memory_space<vmem>> -> memref<128xi32, #tpu.memory_space<vmem>>
        %dma_start3A_117 = arith.constant 0 : i32
        %dma_start3A_118 = arith.constant 0 : i32
        %dma_start3A_119 = tpu.memref_slice %arg10[%dma_start3A_117, %dma_start3A_118] : memref<10240x80xf32, #tpu.memory_space<vmem_shared>> -> memref<10240x80xf32, #tpu.memory_space<vmem_shared>>
        tpu.enqueue_indirect_dma source(%arg8 : memref<128x80xf32, #tpu.memory_space<vmem>>) target(%dma_start3A_119 : memref<10240x80xf32, #tpu.memory_space<vmem_shared>>) offsets(%dma_start3A_116 : memref<128xi32, #tpu.memory_space<vmem>>) semaphore(%run_scoped3A : memref<!tpu.dma_semaphore, #tpu.memory_space<semaphore_mem>>) {add = true}
        %dma_wait3A_120 = arith.constant 0 : i32
        %dma_wait3A_121 = tpu.memref_slice %arg7[%add3A_76, %dma_wait3A_120] : memref<158x128xi32, #tpu.memory_space<vmem>> -> memref<1x128xi32, #tpu.memory_space<vmem>>
        %dma_wait3A_122 = tpu.memref_squeeze %dma_wait3A_121 : memref<1x128xi32, #tpu.memory_space<vmem>> -> memref<128xi32, #tpu.memory_space<vmem>>
        %dma_wait3A_123 = arith.constant 0 : i32
        %dma_wait3A_124 = arith.constant 0 : i32
        %dma_wait3A_125 = tpu.memref_slice %arg10[%dma_wait3A_123, %dma_wait3A_124] : memref<10240x80xf32, #tpu.memory_space<vmem_shared>> -> memref<10240x80xf32, #tpu.memory_space<vmem_shared>>
        tpu.wait_indirect_dma semaphore(%run_scoped3A : memref<!tpu.dma_semaphore, #tpu.memory_space<semaphore_mem>>) src(%arg8 : memref<128x80xf32, #tpu.memory_space<vmem>>) dst(%dma_wait3A_125 : memref<10240x80xf32, #tpu.memory_space<vmem_shared>>)
        tpu.yield
      }) : () -> ()
      %add3A_87 = arith.constant 2 : i32
      %add3A_88 = arith.addi %add3A_76, %add3A_87 : i32
      %min3A_89 = arith.constant 157 : i32
      %min3A_90 = arith.minsi %add3A_88, %min3A_89 : i32
      %dma_start3A_91 = arith.constant 0 : i32
      %dma_start3A_92 = tpu.memref_slice %arg6[%min3A_90, %dma_start3A_91] : memref<158x128xi32, #tpu.memory_space<vmem>> -> memref<1x128xi32, #tpu.memory_space<vmem>>
      %dma_start3A_93 = tpu.memref_squeeze %dma_start3A_92 : memref<1x128xi32, #tpu.memory_space<vmem>> -> memref<128xi32, #tpu.memory_space<vmem>>
      %dma_start3A_94 = arith.constant 0 : i32
      %dma_start3A_95 = arith.constant 0 : i32
      %dma_start3A_96 = tpu.memref_slice %arg2[%arg0, %dma_start3A_94, %dma_start3A_95] : memref<2x10000x80xf32, #tpu.memory_space<hbm>> -> memref<1x10000x80xf32, #tpu.memory_space<hbm>>
      %dma_start3A_97 = tpu.memref_squeeze %dma_start3A_96 : memref<1x10000x80xf32, #tpu.memory_space<hbm>> -> memref<10000x80xf32, #tpu.memory_space<hbm>>
      %dma_start3A_98 = arith.constant 0 : i32
      %dma_start3A_99 = arith.constant 0 : i32
      %dma_start3A_100 = tpu.memref_slice %dma_start3A_97[%dma_start3A_98, %dma_start3A_99] : memref<10000x80xf32, #tpu.memory_space<hbm>> -> memref<10000x80xf32, #tpu.memory_space<hbm>>
      tpu.enqueue_indirect_dma source(%dma_start3A_100 : memref<10000x80xf32, #tpu.memory_space<hbm>>) target(%arg8 : memref<128x80xf32, #tpu.memory_space<vmem>>) offsets(%dma_start3A_93 : memref<128xi32, #tpu.memory_space<vmem>>) semaphore(%arg11 : memref<!tpu.dma_semaphore, #tpu.memory_space<semaphore_mem>>)
      %add3A_101 = arith.constant 1 : i32
      %add3A_102 = arith.addi %mul3A_60, %add3A_101 : i32
      %dma_wait3A_103 = arith.constant 0 : i32
      %dma_wait3A_104 = tpu.memref_slice %arg6[%add3A_102, %dma_wait3A_103] : memref<158x128xi32, #tpu.memory_space<vmem>> -> memref<1x128xi32, #tpu.memory_space<vmem>>
      %dma_wait3A_105 = tpu.memref_squeeze %dma_wait3A_104 : memref<1x128xi32, #tpu.memory_space<vmem>> -> memref<128xi32, #tpu.memory_space<vmem>>
      %dma_wait3A_106 = arith.constant 0 : i32
      %dma_wait3A_107 = arith.constant 0 : i32
      %dma_wait3A_108 = tpu.memref_slice %arg2[%arg0, %dma_wait3A_106, %dma_wait3A_107] : memref<2x10000x80xf32, #tpu.memory_space<hbm>> -> memref<1x10000x80xf32, #tpu.memory_space<hbm>>
      %dma_wait3A_109 = tpu.memref_squeeze %dma_wait3A_108 : memref<1x10000x80xf32, #tpu.memory_space<hbm>> -> memref<10000x80xf32, #tpu.memory_space<hbm>>
      %dma_wait3A_110 = arith.constant 0 : i32
      %dma_wait3A_111 = arith.constant 0 : i32
      %dma_wait3A_112 = tpu.memref_slice %dma_wait3A_109[%dma_wait3A_110, %dma_wait3A_111] : memref<10000x80xf32, #tpu.memory_space<hbm>> -> memref<10000x80xf32, #tpu.memory_space<hbm>>
      tpu.wait_indirect_dma semaphore(%arg12 : memref<!tpu.dma_semaphore, #tpu.memory_space<semaphore_mem>>) src(%dma_wait3A_112 : memref<10000x80xf32, #tpu.memory_space<hbm>>) dst(%arg9 : memref<128x80xf32, #tpu.memory_space<vmem>>)
      "tpu.region"() ({
        %run_scoped3A = tpu.sem_alloc : memref<!tpu.dma_semaphore, #tpu.memory_space<semaphore_mem>>
        %dma_start3A_114 = arith.constant 0 : i32
        %dma_start3A_115 = tpu.memref_slice %arg7[%add3A_102, %dma_start3A_114] : memref<158x128xi32, #tpu.memory_space<vmem>> -> memref<1x128xi32, #tpu.memory_space<vmem>>
        %dma_start3A_116 = tpu.memref_squeeze %dma_start3A_115 : memref<1x128xi32, #tpu.memory_space<vmem>> -> memref<128xi32, #tpu.memory_space<vmem>>
        %dma_start3A_117 = arith.constant 0 : i32
        %dma_start3A_118 = arith.constant 0 : i32
        %dma_start3A_119 = tpu.memref_slice %arg10[%dma_start3A_117, %dma_start3A_118] : memref<10240x80xf32, #tpu.memory_space<vmem_shared>> -> memref<10240x80xf32, #tpu.memory_space<vmem_shared>>
        tpu.enqueue_indirect_dma source(%arg9 : memref<128x80xf32, #tpu.memory_space<vmem>>) target(%dma_start3A_119 : memref<10240x80xf32, #tpu.memory_space<vmem_shared>>) offsets(%dma_start3A_116 : memref<128xi32, #tpu.memory_space<vmem>>) semaphore(%run_scoped3A : memref<!tpu.dma_semaphore, #tpu.memory_space<semaphore_mem>>) {add = true}
        %dma_wait3A_120 = arith.constant 0 : i32
        %dma_wait3A_121 = tpu.memref_slice %arg7[%add3A_102, %dma_wait3A_120] : memref<158x128xi32, #tpu.memory_space<vmem>> -> memref<1x128xi32, #tpu.memory_space<vmem>>
        %dma_wait3A_122 = tpu.memref_squeeze %dma_wait3A_121 : memref<1x128xi32, #tpu.memory_space<vmem>> -> memref<128xi32, #tpu.memory_space<vmem>>
        %dma_wait3A_123 = arith.constant 0 : i32
        %dma_wait3A_124 = arith.constant 0 : i32
        %dma_wait3A_125 = tpu.memref_slice %arg10[%dma_wait3A_123, %dma_wait3A_124] : memref<10240x80xf32, #tpu.memory_space<vmem_shared>> -> memref<10240x80xf32, #tpu.memory_space<vmem_shared>>
        tpu.wait_indirect_dma semaphore(%run_scoped3A : memref<!tpu.dma_semaphore, #tpu.memory_space<semaphore_mem>>) src(%arg9 : memref<128x80xf32, #tpu.memory_space<vmem>>) dst(%dma_wait3A_125 : memref<10240x80xf32, #tpu.memory_space<vmem_shared>>)
        tpu.yield
      }) : () -> ()
      %scan3A_113 = arith.constant 0 : i32
      scf.yield %scan3A_113 : i32
    }
    %scan3A_41 = arith.constant 79 : i32
    %dma_wait3A = arith.constant 0 : i32
    %dma_wait3A_42 = arith.constant 0 : i32
    %dma_wait3A_43 = tpu.memref_slice %arg6[%dma_wait3A, %dma_wait3A_42] : memref<158x128xi32, #tpu.memory_space<vmem>> -> memref<1x128xi32, #tpu.memory_space<vmem>>
    %dma_wait3A_44 = tpu.memref_squeeze %dma_wait3A_43 : memref<1x128xi32, #tpu.memory_space<vmem>> -> memref<128xi32, #tpu.memory_space<vmem>>
    %dma_wait3A_45 = arith.constant 0 : i32
    %dma_wait3A_46 = arith.constant 0 : i32
    %dma_wait3A_47 = tpu.memref_slice %arg2[%arg0, %dma_wait3A_45, %dma_wait3A_46] : memref<2x10000x80xf32, #tpu.memory_space<hbm>> -> memref<1x10000x80xf32, #tpu.memory_space<hbm>>
    %dma_wait3A_48 = tpu.memref_squeeze %dma_wait3A_47 : memref<1x10000x80xf32, #tpu.memory_space<hbm>> -> memref<10000x80xf32, #tpu.memory_space<hbm>>
    %dma_wait3A_49 = arith.constant 0 : i32
    %dma_wait3A_50 = arith.constant 0 : i32
    %dma_wait3A_51 = tpu.memref_slice %dma_wait3A_48[%dma_wait3A_49, %dma_wait3A_50] : memref<10000x80xf32, #tpu.memory_space<hbm>> -> memref<10000x80xf32, #tpu.memory_space<hbm>>
    tpu.wait_indirect_dma semaphore(%arg11 : memref<!tpu.dma_semaphore, #tpu.memory_space<semaphore_mem>>) src(%dma_wait3A_51 : memref<10000x80xf32, #tpu.memory_space<hbm>>) dst(%arg8 : memref<128x80xf32, #tpu.memory_space<vmem>>)
    %barrier3A_52 = arith.constant 0 : index
    tpu.barrier barrier_id(%barrier3A_52)
    %mul3A_53 = arith.constant 640 : i32
    %mul3A_54 = arith.muli %arg1, %mul3A_53 : i32
    %mul3A_55 = arith.constant 640 : i32
    %mul3A_56 = arith.muli %arg1, %mul3A_55 : i32
    "tpu.region"() ({
      %run_scoped3A = tpu.sem_alloc : memref<!tpu.dma_semaphore, #tpu.memory_space<semaphore_mem>>
      %dma_start3A_57 = arith.constant 0 : i32
      %dma_start3A_58 = tpu.memref_slice %arg5[%arg0, %mul3A_56, %dma_start3A_57] : memref<2x10240x80xf32, #tpu.memory_space<hbm>> -> memref<1x640x80xf32, #tpu.memory_space<hbm>>
      %dma_start3A_59 = tpu.memref_squeeze %dma_start3A_58 : memref<1x640x80xf32, #tpu.memory_space<hbm>> -> memref<640x80xf32, #tpu.memory_space<hbm>>
      %dma_start3A_60 = arith.constant 0 : i32
      %dma_start3A_61 = tpu.memref_slice %arg10[%mul3A_54, %dma_start3A_60] : memref<10240x80xf32, #tpu.memory_space<vmem_shared>> -> memref<640x80xf32, #tpu.memory_space<vmem_shared>>
      tpu.enqueue_dma source(%dma_start3A_61 : memref<640x80xf32, #tpu.memory_space<vmem_shared>>) target(%dma_start3A_59 : memref<640x80xf32, #tpu.memory_space<hbm>>) target_semaphore(%run_scoped3A : memref<!tpu.dma_semaphore, #tpu.memory_space<semaphore_mem>>)
      %dma_wait3A_62 = arith.constant 0 : i32
      %dma_wait3A_63 = tpu.memref_slice %arg5[%arg0, %mul3A_56, %dma_wait3A_62] : memref<2x10240x80xf32, #tpu.memory_space<hbm>> -> memref<1x640x80xf32, #tpu.memory_space<hbm>>
      %dma_wait3A_64 = tpu.memref_squeeze %dma_wait3A_63 : memref<1x640x80xf32, #tpu.memory_space<hbm>> -> memref<640x80xf32, #tpu.memory_space<hbm>>
      %dma_wait3A_65 = arith.constant 0 : i32
      %dma_wait3A_66 = tpu.memref_slice %arg10[%mul3A_54, %dma_wait3A_65] : memref<10240x80xf32, #tpu.memory_space<vmem_shared>> -> memref<640x80xf32, #tpu.memory_space<vmem_shared>>
      tpu.wait_dma2 semaphore(%run_scoped3A : memref<!tpu.dma_semaphore, #tpu.memory_space<semaphore_mem>>) src(%dma_wait3A_66 : memref<640x80xf32, #tpu.memory_space<vmem_shared>>) dst(%dma_wait3A_64 : memref<640x80xf32, #tpu.memory_space<hbm>>)
      tpu.yield
    }) : () -> ()
    return
  }
}

#map = affine_map<(d0, d1) -> (0, 0, 0)>
module attributes {stable_mosaic.version = 14 : i64} {
  func.func @k(%arg0: i32, %arg1: i32, %arg2: memref<2x10000x80xf32, #tpu.memory_space<hbm>>, %arg3: memref<16x158x128xi32, #tpu.memory_space<hbm>>, %arg4: memref<16x158x128xi32, #tpu.memory_space<hbm>>, %arg5: memref<2x10240x80xf32, #tpu.memory_space<hbm>>, %arg6: memref<158x128xi32, #tpu.memory_space<vmem>>, %arg7: memref<158x128xi32, #tpu.memory_space<vmem>>, %arg8: memref<128x80xf32, #tpu.memory_space<vmem>>, %arg9: memref<128x80xf32, #tpu.memory_space<vmem>>, %arg10: memref<10240x80xf32, #tpu.memory_space<vmem_shared>>, %arg11: memref<!tpu.dma_semaphore, #tpu.memory_space<semaphore_mem>>, %arg12: memref<!tpu.dma_semaphore, #tpu.memory_space<semaphore_mem>>) attributes {dimension_semantics = [#tpu.dimension_semantics<core_parallel>, #tpu.dimension_semantics<subcore_parallel>], iteration_bounds = array<i64: 2, 16>, scalar_prefetch = 0 : i64, scratch_operands = 7 : i64, tpu.core_type = #tpu.core_type<sc_vector_subcore>, window_params = [{transform_indices = #map}, {transform_indices = #map}, {transform_indices = #map}, {transform_indices = #map}]} {
    %broadcast_in_dim3A = arith.constant 0.000000e+00 : f32
    %broadcast_in_dim3A_0 = vector.broadcast %broadcast_in_dim3A : f32 to vector<16xf32>
    %scan3A = arith.constant 0 : i32
    %scan3A_1 = arith.constant 0 : i32
    %scan3A_2 = arith.constant 128 : i32
    %scan3A_3 = arith.addi %scan3A_1, %scan3A_2 : i32
    %scan3A_4 = arith.constant 1 : i32
    %scan3A_5 = scf.for %scan3A_57 = %scan3A_1 to %scan3A_3 step %scan3A_4 iter_args(%scan3A_58 = %scan3A) -> (i32)  : i32 {
      %swap3A = arith.index_cast %scan3A_57 : i32 to index
      %swap3A_59 = arith.constant 0 : index
      %swap3A_60 = tpu.vector_load %arg8[%swap3A, %swap3A_59] {strides = array<i32>} : memref<128x80xf32, #tpu.memory_space<vmem>>, vector<1x16xf32>,
      %swap3A_61 = vector.shape_cast %swap3A_60 : vector<1x16xf32> to vector<16xf32>
      %swap3A_62 = vector.shape_cast %broadcast_in_dim3A_0 : vector<16xf32> to vector<1x16xf32>
      tpu.vector_store %arg8[%swap3A, %swap3A_59], %swap3A_62 {strides = array<i32>} : memref<128x80xf32, #tpu.memory_space<vmem>>, vector<1x16xf32>,
      %swap3A_63 = arith.index_cast %scan3A_57 : i32 to index
      %swap3A_64 = arith.constant 16 : index
      %swap3A_65 = tpu.vector_load %arg8[%swap3A_63, %swap3A_64] {strides = array<i32>} : memref<128x80xf32, #tpu.memory_space<vmem>>, vector<1x16xf32>,
      %swap3A_66 = vector.shape_cast %swap3A_65 : vector<1x16xf32> to vector<16xf32>
      %swap3A_67 = vector.shape_cast %broadcast_in_dim3A_0 : vector<16xf32> to vector<1x16xf32>
      tpu.vector_store %arg8[%swap3A_63, %swap3A_64], %swap3A_67 {strides = array<i32>} : memref<128x80xf32, #tpu.memory_space<vmem>>, vector<1x16xf32>,
      %swap3A_68 = arith.index_cast %scan3A_57 : i32 to index
      %swap3A_69 = arith.constant 32 : index
      %swap3A_70 = tpu.vector_load %arg8[%swap3A_68, %swap3A_69] {strides = array<i32>} : memref<128x80xf32, #tpu.memory_space<vmem>>, vector<1x16xf32>,
      %swap3A_71 = vector.shape_cast %swap3A_70 : vector<1x16xf32> to vector<16xf32>
      %swap3A_72 = vector.shape_cast %broadcast_in_dim3A_0 : vector<16xf32> to vector<1x16xf32>
      tpu.vector_store %arg8[%swap3A_68, %swap3A_69], %swap3A_72 {strides = array<i32>} : memref<128x80xf32, #tpu.memory_space<vmem>>, vector<1x16xf32>,
      %swap3A_73 = arith.index_cast %scan3A_57 : i32 to index
      %swap3A_74 = arith.constant 48 : index
      %swap3A_75 = tpu.vector_load %arg8[%swap3A_73, %swap3A_74] {strides = array<i32>} : memref<128x80xf32, #tpu.memory_space<vmem>>, vector<1x16xf32>,
      %swap3A_76 = vector.shape_cast %swap3A_75 : vector<1x16xf32> to vector<16xf32>
      %swap3A_77 = vector.shape_cast %broadcast_in_dim3A_0 : vector<16xf32> to vector<1x16xf32>
      tpu.vector_store %arg8[%swap3A_73, %swap3A_74], %swap3A_77 {strides = array<i32>} : memref<128x80xf32, #tpu.memory_space<vmem>>, vector<1x16xf32>,
      %swap3A_78 = arith.index_cast %scan3A_57 : i32 to index
      %swap3A_79 = arith.constant 64 : index
      %swap3A_80 = tpu.vector_load %arg8[%swap3A_78, %swap3A_79] {strides = array<i32>} : memref<128x80xf32, #tpu.memory_space<vmem>>, vector<1x16xf32>,
      %swap3A_81 = vector.shape_cast %swap3A_80 : vector<1x16xf32> to vector<16xf32>
      %swap3A_82 = vector.shape_cast %broadcast_in_dim3A_0 : vector<16xf32> to vector<1x16xf32>
      tpu.vector_store %arg8[%swap3A_78, %swap3A_79], %swap3A_82 {strides = array<i32>} : memref<128x80xf32, #tpu.memory_space<vmem>>, vector<1x16xf32>,
      %scan3A_83 = arith.constant 0 : i32
      scf.yield %scan3A_83 : i32
    }
    %scan3A_6 = arith.constant 128 : i32
    %mul3A = arith.constant 640 : i32
    %mul3A_7 = arith.muli %arg1, %mul3A : i32
    %add3A = arith.constant 0 : i32
    %add3A_8 = arith.addi %mul3A_7, %add3A : i32
    "tpu.region"() ({
      %run_scoped3A = tpu.sem_alloc : memref<!tpu.dma_semaphore, #tpu.memory_space<semaphore_mem>>
      %dma_start3A_57 = arith.constant 0 : i32
      %dma_start3A_58 = tpu.memref_slice %arg10[%add3A_8, %dma_start3A_57] : memref<10240x80xf32, #tpu.memory_space<vmem_shared>> -> memref<128x80xf32, #tpu.memory_space<vmem_shared>>
      %dma_start3A_59 = arith.constant 0 : i32
      %dma_start3A_60 = tpu.memref_slice %arg10[%add3A_8, %dma_start3A_59] : memref<10240x80xf32, #tpu.memory_space<vmem_shared>> -> memref<128x80xf32, #tpu.memory_space<vmem_shared>>
      tpu.enqueue_dma source(%arg8 : memref<128x80xf32, #tpu.memory_space<vmem>>) target(%dma_start3A_60 : memref<128x80xf32, #tpu.memory_space<vmem_shared>>) target_semaphore(%run_scoped3A : memref<!tpu.dma_semaphore, #tpu.memory_space<semaphore_mem>>)
      %dma_wait3A_61 = arith.constant 0 : i32
      %dma_wait3A_62 = tpu.memref_slice %arg10[%add3A_8, %dma_wait3A_61] : memref<10240x80xf32, #tpu.memory_space<vmem_shared>> -> memref<128x80xf32, #tpu.memory_space<vmem_shared>>
      %dma_wait3A_63 = arith.constant 0 : i32
      %dma_wait3A_64 = tpu.memref_slice %arg10[%add3A_8, %dma_wait3A_63] : memref<10240x80xf32, #tpu.memory_space<vmem_shared>> -> memref<128x80xf32, #tpu.memory_space<vmem_shared>>
      tpu.wait_dma2 semaphore(%run_scoped3A : memref<!tpu.dma_semaphore, #tpu.memory_space<semaphore_mem>>) src(%arg8 : memref<128x80xf32, #tpu.memory_space<vmem>>) dst(%dma_wait3A_64 : memref<128x80xf32, #tpu.memory_space<vmem_shared>>)
      tpu.yield
    }) : () -> ()
    %mul3A_9 = arith.constant 640 : i32
    %mul3A_10 = arith.muli %arg1, %mul3A_9 : i32
    %add3A_11 = arith.constant 128 : i32
    %add3A_12 = arith.addi %mul3A_10, %add3A_11 : i32
    "tpu.region"() ({
      %run_scoped3A = tpu.sem_alloc : memref<!tpu.dma_semaphore, #tpu.memory_space<semaphore_mem>>
      %dma_start3A_57 = arith.constant 0 : i32
      %dma_start3A_58 = tpu.memref_slice %arg10[%add3A_12, %dma_start3A_57] : memref<10240x80xf32, #tpu.memory_space<vmem_shared>> -> memref<128x80xf32, #tpu.memory_space<vmem_shared>>
      %dma_start3A_59 = arith.constant 0 : i32
      %dma_start3A_60 = tpu.memref_slice %arg10[%add3A_12, %dma_start3A_59] : memref<10240x80xf32, #tpu.memory_space<vmem_shared>> -> memref<128x80xf32, #tpu.memory_space<vmem_shared>>
      tpu.enqueue_dma source(%arg8 : memref<128x80xf32, #tpu.memory_space<vmem>>) target(%dma_start3A_60 : memref<128x80xf32, #tpu.memory_space<vmem_shared>>) target_semaphore(%run_scoped3A : memref<!tpu.dma_semaphore, #tpu.memory_space<semaphore_mem>>)
      %dma_wait3A_61 = arith.constant 0 : i32
      %dma_wait3A_62 = tpu.memref_slice %arg10[%add3A_12, %dma_wait3A_61] : memref<10240x80xf32, #tpu.memory_space<vmem_shared>> -> memref<128x80xf32, #tpu.memory_space<vmem_shared>>
      %dma_wait3A_63 = arith.constant 0 : i32
      %dma_wait3A_64 = tpu.memref_slice %arg10[%add3A_12, %dma_wait3A_63] : memref<10240x80xf32, #tpu.memory_space<vmem_shared>> -> memref<128x80xf32, #tpu.memory_space<vmem_shared>>
      tpu.wait_dma2 semaphore(%run_scoped3A : memref<!tpu.dma_semaphore, #tpu.memory_space<semaphore_mem>>) src(%arg8 : memref<128x80xf32, #tpu.memory_space<vmem>>) dst(%dma_wait3A_64 : memref<128x80xf32, #tpu.memory_space<vmem_shared>>)
      tpu.yield
    }) : () -> ()
    %mul3A_13 = arith.constant 640 : i32
    %mul3A_14 = arith.muli %arg1, %mul3A_13 : i32
    %add3A_15 = arith.constant 256 : i32
    %add3A_16 = arith.addi %mul3A_14, %add3A_15 : i32
    "tpu.region"() ({
      %run_scoped3A = tpu.sem_alloc : memref<!tpu.dma_semaphore, #tpu.memory_space<semaphore_mem>>
      %dma_start3A_57 = arith.constant 0 : i32
      %dma_start3A_58 = tpu.memref_slice %arg10[%add3A_16, %dma_start3A_57] : memref<10240x80xf32, #tpu.memory_space<vmem_shared>> -> memref<128x80xf32, #tpu.memory_space<vmem_shared>>
      %dma_start3A_59 = arith.constant 0 : i32
      %dma_start3A_60 = tpu.memref_slice %arg10[%add3A_16, %dma_start3A_59] : memref<10240x80xf32, #tpu.memory_space<vmem_shared>> -> memref<128x80xf32, #tpu.memory_space<vmem_shared>>
      tpu.enqueue_dma source(%arg8 : memref<128x80xf32, #tpu.memory_space<vmem>>) target(%dma_start3A_60 : memref<128x80xf32, #tpu.memory_space<vmem_shared>>) target_semaphore(%run_scoped3A : memref<!tpu.dma_semaphore, #tpu.memory_space<semaphore_mem>>)
      %dma_wait3A_61 = arith.constant 0 : i32
      %dma_wait3A_62 = tpu.memref_slice %arg10[%add3A_16, %dma_wait3A_61] : memref<10240x80xf32, #tpu.memory_space<vmem_shared>> -> memref<128x80xf32, #tpu.memory_space<vmem_shared>>
      %dma_wait3A_63 = arith.constant 0 : i32
      %dma_wait3A_64 = tpu.memref_slice %arg10[%add3A_16, %dma_wait3A_63] : memref<10240x80xf32, #tpu.memory_space<vmem_shared>> -> memref<128x80xf32, #tpu.memory_space<vmem_shared>>
      tpu.wait_dma2 semaphore(%run_scoped3A : memref<!tpu.dma_semaphore, #tpu.memory_space<semaphore_mem>>) src(%arg8 : memref<128x80xf32, #tpu.memory_space<vmem>>) dst(%dma_wait3A_64 : memref<128x80xf32, #tpu.memory_space<vmem_shared>>)
      tpu.yield
    }) : () -> ()
    %mul3A_17 = arith.constant 640 : i32
    %mul3A_18 = arith.muli %arg1, %mul3A_17 : i32
    %add3A_19 = arith.constant 384 : i32
    %add3A_20 = arith.addi %mul3A_18, %add3A_19 : i32
    "tpu.region"() ({
      %run_scoped3A = tpu.sem_alloc : memref<!tpu.dma_semaphore, #tpu.memory_space<semaphore_mem>>
      %dma_start3A_57 = arith.constant 0 : i32
      %dma_start3A_58 = tpu.memref_slice %arg10[%add3A_20, %dma_start3A_57] : memref<10240x80xf32, #tpu.memory_space<vmem_shared>> -> memref<128x80xf32, #tpu.memory_space<vmem_shared>>
      %dma_start3A_59 = arith.constant 0 : i32
      %dma_start3A_60 = tpu.memref_slice %arg10[%add3A_20, %dma_start3A_59] : memref<10240x80xf32, #tpu.memory_space<vmem_shared>> -> memref<128x80xf32, #tpu.memory_space<vmem_shared>>
      tpu.enqueue_dma source(%arg8 : memref<128x80xf32, #tpu.memory_space<vmem>>) target(%dma_start3A_60 : memref<128x80xf32, #tpu.memory_space<vmem_shared>>) target_semaphore(%run_scoped3A : memref<!tpu.dma_semaphore, #tpu.memory_space<semaphore_mem>>)
      %dma_wait3A_61 = arith.constant 0 : i32
      %dma_wait3A_62 = tpu.memref_slice %arg10[%add3A_20, %dma_wait3A_61] : memref<10240x80xf32, #tpu.memory_space<vmem_shared>> -> memref<128x80xf32, #tpu.memory_space<vmem_shared>>
      %dma_wait3A_63 = arith.constant 0 : i32
      %dma_wait3A_64 = tpu.memref_slice %arg10[%add3A_20, %dma_wait3A_63] : memref<10240x80xf32, #tpu.memory_space<vmem_shared>> -> memref<128x80xf32, #tpu.memory_space<vmem_shared>>
      tpu.wait_dma2 semaphore(%run_scoped3A : memref<!tpu.dma_semaphore, #tpu.memory_space<semaphore_mem>>) src(%arg8 : memref<128x80xf32, #tpu.memory_space<vmem>>) dst(%dma_wait3A_64 : memref<128x80xf32, #tpu.memory_space<vmem_shared>>)
      tpu.yield
    }) : () -> ()
    %mul3A_21 = arith.constant 640 : i32
    %mul3A_22 = arith.muli %arg1, %mul3A_21 : i32
    %add3A_23 = arith.constant 512 : i32
    %add3A_24 = arith.addi %mul3A_22, %add3A_23 : i32
    "tpu.region"() ({
      %run_scoped3A = tpu.sem_alloc : memref<!tpu.dma_semaphore, #tpu.memory_space<semaphore_mem>>
      %dma_start3A_57 = arith.constant 0 : i32
      %dma_start3A_58 = tpu.memref_slice %arg10[%add3A_24, %dma_start3A_57] : memref<10240x80xf32, #tpu.memory_space<vmem_shared>> -> memref<128x80xf32, #tpu.memory_space<vmem_shared>>
      %dma_start3A_59 = arith.constant 0 : i32
      %dma_start3A_60 = tpu.memref_slice %arg10[%add3A_24, %dma_start3A_59] : memref<10240x80xf32, #tpu.memory_space<vmem_shared>> -> memref<128x80xf32, #tpu.memory_space<vmem_shared>>
      tpu.enqueue_dma source(%arg8 : memref<128x80xf32, #tpu.memory_space<vmem>>) target(%dma_start3A_60 : memref<128x80xf32, #tpu.memory_space<vmem_shared>>) target_semaphore(%run_scoped3A : memref<!tpu.dma_semaphore, #tpu.memory_space<semaphore_mem>>)
      %dma_wait3A_61 = arith.constant 0 : i32
      %dma_wait3A_62 = tpu.memref_slice %arg10[%add3A_24, %dma_wait3A_61] : memref<10240x80xf32, #tpu.memory_space<vmem_shared>> -> memref<128x80xf32, #tpu.memory_space<vmem_shared>>
      %dma_wait3A_63 = arith.constant 0 : i32
      %dma_wait3A_64 = tpu.memref_slice %arg10[%add3A_24, %dma_wait3A_63] : memref<10240x80xf32, #tpu.memory_space<vmem_shared>> -> memref<128x80xf32, #tpu.memory_space<vmem_shared>>
      tpu.wait_dma2 semaphore(%run_scoped3A : memref<!tpu.dma_semaphore, #tpu.memory_space<semaphore_mem>>) src(%arg8 : memref<128x80xf32, #tpu.memory_space<vmem>>) dst(%dma_wait3A_64 : memref<128x80xf32, #tpu.memory_space<vmem_shared>>)
      tpu.yield
    }) : () -> ()
    %barrier3A = arith.constant 0 : index
    tpu.barrier barrier_id(%barrier3A)
    "tpu.region"() ({
      %run_scoped3A = tpu.sem_alloc : memref<!tpu.dma_semaphore, #tpu.memory_space<semaphore_mem>>
      %dma_start3A_57 = arith.constant 0 : i32
      %dma_start3A_58 = arith.constant 0 : i32
      %dma_start3A_59 = tpu.memref_slice %arg3[%arg1, %dma_start3A_57, %dma_start3A_58] : memref<16x158x128xi32, #tpu.memory_space<hbm>> -> memref<1x158x128xi32, #tpu.memory_space<hbm>>
      %dma_start3A_60 = tpu.memref_squeeze %dma_start3A_59 : memref<1x158x128xi32, #tpu.memory_space<hbm>> -> memref<158x128xi32, #tpu.memory_space<hbm>>
      %dma_start3A_61 = arith.constant 0 : i32
      %dma_start3A_62 = arith.constant 0 : i32
      %dma_start3A_63 = tpu.memref_slice %arg3[%arg1, %dma_start3A_61, %dma_start3A_62] : memref<16x158x128xi32, #tpu.memory_space<hbm>> -> memref<1x158x128xi32, #tpu.memory_space<hbm>>
      %dma_start3A_64 = tpu.memref_squeeze %dma_start3A_63 : memref<1x158x128xi32, #tpu.memory_space<hbm>> -> memref<158x128xi32, #tpu.memory_space<hbm>>
      tpu.enqueue_dma source(%dma_start3A_64 : memref<158x128xi32, #tpu.memory_space<hbm>>) target(%arg6 : memref<158x128xi32, #tpu.memory_space<vmem>>) target_semaphore(%run_scoped3A : memref<!tpu.dma_semaphore, #tpu.memory_space<semaphore_mem>>)
      %dma_wait3A_65 = arith.constant 0 : i32
      %dma_wait3A_66 = arith.constant 0 : i32
      %dma_wait3A_67 = tpu.memref_slice %arg3[%arg1, %dma_wait3A_65, %dma_wait3A_66] : memref<16x158x128xi32, #tpu.memory_space<hbm>> -> memref<1x158x128xi32, #tpu.memory_space<hbm>>
      %dma_wait3A_68 = tpu.memref_squeeze %dma_wait3A_67 : memref<1x158x128xi32, #tpu.memory_space<hbm>> -> memref<158x128xi32, #tpu.memory_space<hbm>>
      %dma_wait3A_69 = arith.constant 0 : i32
      %dma_wait3A_70 = arith.constant 0 : i32
      %dma_wait3A_71 = tpu.memref_slice %arg3[%arg1, %dma_wait3A_69, %dma_wait3A_70] : memref<16x158x128xi32, #tpu.memory_space<hbm>> -> memref<1x158x128xi32, #tpu.memory_space<hbm>>
      %dma_wait3A_72 = tpu.memref_squeeze %dma_wait3A_71 : memref<1x158x128xi32, #tpu.memory_space<hbm>> -> memref<158x128xi32, #tpu.memory_space<hbm>>
      tpu.wait_dma2 semaphore(%run_scoped3A : memref<!tpu.dma_semaphore, #tpu.memory_space<semaphore_mem>>) src(%dma_wait3A_72 : memref<158x128xi32, #tpu.memory_space<hbm>>) dst(%arg6 : memref<158x128xi32, #tpu.memory_space<vmem>>)
      tpu.yield
    }) : () -> ()
    "tpu.region"() ({
      %run_scoped3A = tpu.sem_alloc : memref<!tpu.dma_semaphore, #tpu.memory_space<semaphore_mem>>
      %dma_start3A_57 = arith.constant 0 : i32
      %dma_start3A_58 = arith.constant 0 : i32
      %dma_start3A_59 = tpu.memref_slice %arg4[%arg1, %dma_start3A_57, %dma_start3A_58] : memref<16x158x128xi32, #tpu.memory_space<hbm>> -> memref<1x158x128xi32, #tpu.memory_space<hbm>>
      %dma_start3A_60 = tpu.memref_squeeze %dma_start3A_59 : memref<1x158x128xi32, #tpu.memory_space<hbm>> -> memref<158x128xi32, #tpu.memory_space<hbm>>
      %dma_start3A_61 = arith.constant 0 : i32
      %dma_start3A_62 = arith.constant 0 : i32
      %dma_start3A_63 = tpu.memref_slice %arg4[%arg1, %dma_start3A_61, %dma_start3A_62] : memref<16x158x128xi32, #tpu.memory_space<hbm>> -> memref<1x158x128xi32, #tpu.memory_space<hbm>>
      %dma_start3A_64 = tpu.memref_squeeze %dma_start3A_63 : memref<1x158x128xi32, #tpu.memory_space<hbm>> -> memref<158x128xi32, #tpu.memory_space<hbm>>
      tpu.enqueue_dma source(%dma_start3A_64 : memref<158x128xi32, #tpu.memory_space<hbm>>) target(%arg7 : memref<158x128xi32, #tpu.memory_space<vmem>>) target_semaphore(%run_scoped3A : memref<!tpu.dma_semaphore, #tpu.memory_space<semaphore_mem>>)
      %dma_wait3A_65 = arith.constant 0 : i32
      %dma_wait3A_66 = arith.constant 0 : i32
      %dma_wait3A_67 = tpu.memref_slice %arg4[%arg1, %dma_wait3A_65, %dma_wait3A_66] : memref<16x158x128xi32, #tpu.memory_space<hbm>> -> memref<1x158x128xi32, #tpu.memory_space<hbm>>
      %dma_wait3A_68 = tpu.memref_squeeze %dma_wait3A_67 : memref<1x158x128xi32, #tpu.memory_space<hbm>> -> memref<158x128xi32, #tpu.memory_space<hbm>>
      %dma_wait3A_69 = arith.constant 0 : i32
      %dma_wait3A_70 = arith.constant 0 : i32
      %dma_wait3A_71 = tpu.memref_slice %arg4[%arg1, %dma_wait3A_69, %dma_wait3A_70] : memref<16x158x128xi32, #tpu.memory_space<hbm>> -> memref<1x158x128xi32, #tpu.memory_space<hbm>>
      %dma_wait3A_72 = tpu.memref_squeeze %dma_wait3A_71 : memref<1x158x128xi32, #tpu.memory_space<hbm>> -> memref<158x128xi32, #tpu.memory_space<hbm>>
      tpu.wait_dma2 semaphore(%run_scoped3A : memref<!tpu.dma_semaphore, #tpu.memory_space<semaphore_mem>>) src(%dma_wait3A_72 : memref<158x128xi32, #tpu.memory_space<hbm>>) dst(%arg7 : memref<158x128xi32, #tpu.memory_space<vmem>>)
      tpu.yield
    }) : () -> ()
    %dma_start3A = arith.constant 0 : i32
    %dma_start3A_25 = arith.constant 0 : i32
    %dma_start3A_26 = tpu.memref_slice %arg6[%dma_start3A, %dma_start3A_25] : memref<158x128xi32, #tpu.memory_space<vmem>> -> memref<1x128xi32, #tpu.memory_space<vmem>>
    %dma_start3A_27 = tpu.memref_squeeze %dma_start3A_26 : memref<1x128xi32, #tpu.memory_space<vmem>> -> memref<128xi32, #tpu.memory_space<vmem>>
    %dma_start3A_28 = arith.constant 0 : i32
    %dma_start3A_29 = arith.constant 0 : i32
    %dma_start3A_30 = tpu.memref_slice %arg2[%arg0, %dma_start3A_28, %dma_start3A_29] : memref<2x10000x80xf32, #tpu.memory_space<hbm>> -> memref<1x10000x80xf32, #tpu.memory_space<hbm>>
    %dma_start3A_31 = tpu.memref_squeeze %dma_start3A_30 : memref<1x10000x80xf32, #tpu.memory_space<hbm>> -> memref<10000x80xf32, #tpu.memory_space<hbm>>
    %dma_start3A_32 = arith.constant 0 : i32
    %dma_start3A_33 = arith.constant 0 : i32
    %dma_start3A_34 = tpu.memref_slice %dma_start3A_31[%dma_start3A_32, %dma_start3A_33] : memref<10000x80xf32, #tpu.memory_space<hbm>> -> memref<10000x80xf32, #tpu.memory_space<hbm>>
    tpu.enqueue_indirect_dma source(%dma_start3A_34 : memref<10000x80xf32, #tpu.memory_space<hbm>>) target(%arg8 : memref<128x80xf32, #tpu.memory_space<vmem>>) offsets(%dma_start3A_27 : memref<128xi32, #tpu.memory_space<vmem>>) semaphore(%arg11 : memref<!tpu.dma_semaphore, #tpu.memory_space<semaphore_mem>>)
    %scan3A_35 = arith.constant 0 : i32
    %scan3A_36 = arith.constant 0 : i32
    %scan3A_37 = arith.constant 79 : i32
    %scan3A_38 = arith.addi %scan3A_36, %scan3A_37 : i32
    %scan3A_39 = arith.constant 1 : i32
    %scan3A_40 = scf.for %scan3A_57 = %scan3A_36 to %scan3A_38 step %scan3A_39 iter_args(%scan3A_58 = %scan3A_35) -> (i32)  : i32 {
      %mul3A_59 = arith.constant 2 : i32
      %mul3A_60 = arith.muli %mul3A_59, %scan3A_57 : i32
      %add3A_61 = arith.constant 2 : i32
      %add3A_62 = arith.addi %mul3A_60, %add3A_61 : i32
      %sub3A = arith.constant 1 : i32
      %sub3A_63 = arith.subi %add3A_62, %sub3A : i32
      %min3A = arith.constant 157 : i32
      %min3A_64 = arith.minsi %sub3A_63, %min3A : i32
      %dma_start3A_65 = arith.constant 0 : i32
      %dma_start3A_66 = tpu.memref_slice %arg6[%min3A_64, %dma_start3A_65] : memref<158x128xi32, #tpu.memory_space<vmem>> -> memref<1x128xi32, #tpu.memory_space<vmem>>
      %dma_start3A_67 = tpu.memref_squeeze %dma_start3A_66 : memref<1x128xi32, #tpu.memory_space<vmem>> -> memref<128xi32, #tpu.memory_space<vmem>>
      %dma_start3A_68 = arith.constant 0 : i32
      %dma_start3A_69 = arith.constant 0 : i32
      %dma_start3A_70 = tpu.memref_slice %arg2[%arg0, %dma_start3A_68, %dma_start3A_69] : memref<2x10000x80xf32, #tpu.memory_space<hbm>> -> memref<1x10000x80xf32, #tpu.memory_space<hbm>>
      %dma_start3A_71 = tpu.memref_squeeze %dma_start3A_70 : memref<1x10000x80xf32, #tpu.memory_space<hbm>> -> memref<10000x80xf32, #tpu.memory_space<hbm>>
      %dma_start3A_72 = arith.constant 0 : i32
      %dma_start3A_73 = arith.constant 0 : i32
      %dma_start3A_74 = tpu.memref_slice %dma_start3A_71[%dma_start3A_72, %dma_start3A_73] : memref<10000x80xf32, #tpu.memory_space<hbm>> -> memref<10000x80xf32, #tpu.memory_space<hbm>>
      tpu.enqueue_indirect_dma source(%dma_start3A_74 : memref<10000x80xf32, #tpu.memory_space<hbm>>) target(%arg9 : memref<128x80xf32, #tpu.memory_space<vmem>>) offsets(%dma_start3A_67 : memref<128xi32, #tpu.memory_space<vmem>>) semaphore(%arg12 : memref<!tpu.dma_semaphore, #tpu.memory_space<semaphore_mem>>)
      %add3A_75 = arith.constant 0 : i32
      %add3A_76 = arith.addi %mul3A_60, %add3A_75 : i32
      %dma_wait3A_77 = arith.constant 0 : i32
      %dma_wait3A_78 = tpu.memref_slice %arg6[%add3A_76, %dma_wait3A_77] : memref<158x128xi32, #tpu.memory_space<vmem>> -> memref<1x128xi32, #tpu.memory_space<vmem>>
      %dma_wait3A_79 = tpu.memref_squeeze %dma_wait3A_78 : memref<1x128xi32, #tpu.memory_space<vmem>> -> memref<128xi32, #tpu.memory_space<vmem>>
      %dma_wait3A_80 = arith.constant 0 : i32
      %dma_wait3A_81 = arith.constant 0 : i32
      %dma_wait3A_82 = tpu.memref_slice %arg2[%arg0, %dma_wait3A_80, %dma_wait3A_81] : memref<2x10000x80xf32, #tpu.memory_space<hbm>> -> memref<1x10000x80xf32, #tpu.memory_space<hbm>>
      %dma_wait3A_83 = tpu.memref_squeeze %dma_wait3A_82 : memref<1x10000x80xf32, #tpu.memory_space<hbm>> -> memref<10000x80xf32, #tpu.memory_space<hbm>>
      %dma_wait3A_84 = arith.constant 0 : i32
      %dma_wait3A_85 = arith.constant 0 : i32
      %dma_wait3A_86 = tpu.memref_slice %dma_wait3A_83[%dma_wait3A_84, %dma_wait3A_85] : memref<10000x80xf32, #tpu.memory_space<hbm>> -> memref<10000x80xf32, #tpu.memory_space<hbm>>
      tpu.wait_indirect_dma semaphore(%arg11 : memref<!tpu.dma_semaphore, #tpu.memory_space<semaphore_mem>>) src(%dma_wait3A_86 : memref<10000x80xf32, #tpu.memory_space<hbm>>) dst(%arg8 : memref<128x80xf32, #tpu.memory_space<vmem>>)
      "tpu.region"() ({
        %run_scoped3A = tpu.sem_alloc : memref<!tpu.dma_semaphore, #tpu.memory_space<semaphore_mem>>
        %dma_start3A_114 = arith.constant 0 : i32
        %dma_start3A_115 = tpu.memref_slice %arg7[%add3A_76, %dma_start3A_114] : memref<158x128xi32, #tpu.memory_space<vmem>> -> memref<1x128xi32, #tpu.memory_space<vmem>>
        %dma_start3A_116 = tpu.memref_squeeze %dma_start3A_115 : memref<1x128xi32, #tpu.memory_space<vmem>> -> memref<128xi32, #tpu.memory_space<vmem>>
        %dma_start3A_117 = arith.constant 0 : i32
        %dma_start3A_118 = arith.constant 0 : i32
        %dma_start3A_119 = tpu.memref_slice %arg10[%dma_start3A_117, %dma_start3A_118] : memref<10240x80xf32, #tpu.memory_space<vmem_shared>> -> memref<10240x80xf32, #tpu.memory_space<vmem_shared>>
        tpu.enqueue_indirect_dma source(%arg8 : memref<128x80xf32, #tpu.memory_space<vmem>>) target(%dma_start3A_119 : memref<10240x80xf32, #tpu.memory_space<vmem_shared>>) offsets(%dma_start3A_116 : memref<128xi32, #tpu.memory_space<vmem>>) semaphore(%run_scoped3A : memref<!tpu.dma_semaphore, #tpu.memory_space<semaphore_mem>>) {add = true}
        %dma_wait3A_120 = arith.constant 0 : i32
        %dma_wait3A_121 = tpu.memref_slice %arg7[%add3A_76, %dma_wait3A_120] : memref<158x128xi32, #tpu.memory_space<vmem>> -> memref<1x128xi32, #tpu.memory_space<vmem>>
        %dma_wait3A_122 = tpu.memref_squeeze %dma_wait3A_121 : memref<1x128xi32, #tpu.memory_space<vmem>> -> memref<128xi32, #tpu.memory_space<vmem>>
        %dma_wait3A_123 = arith.constant 0 : i32
        %dma_wait3A_124 = arith.constant 0 : i32
        %dma_wait3A_125 = tpu.memref_slice %arg10[%dma_wait3A_123, %dma_wait3A_124] : memref<10240x80xf32, #tpu.memory_space<vmem_shared>> -> memref<10240x80xf32, #tpu.memory_space<vmem_shared>>
        tpu.wait_indirect_dma semaphore(%run_scoped3A : memref<!tpu.dma_semaphore, #tpu.memory_space<semaphore_mem>>) src(%arg8 : memref<128x80xf32, #tpu.memory_space<vmem>>) dst(%dma_wait3A_125 : memref<10240x80xf32, #tpu.memory_space<vmem_shared>>)
        tpu.yield
      }) : () -> ()
      %add3A_87 = arith.constant 2 : i32
      %add3A_88 = arith.addi %add3A_76, %add3A_87 : i32
      %min3A_89 = arith.constant 157 : i32
      %min3A_90 = arith.minsi %add3A_88, %min3A_89 : i32
      %dma_start3A_91 = arith.constant 0 : i32
      %dma_start3A_92 = tpu.memref_slice %arg6[%min3A_90, %dma_start3A_91] : memref<158x128xi32, #tpu.memory_space<vmem>> -> memref<1x128xi32, #tpu.memory_space<vmem>>
      %dma_start3A_93 = tpu.memref_squeeze %dma_start3A_92 : memref<1x128xi32, #tpu.memory_space<vmem>> -> memref<128xi32, #tpu.memory_space<vmem>>
      %dma_start3A_94 = arith.constant 0 : i32
      %dma_start3A_95 = arith.constant 0 : i32
      %dma_start3A_96 = tpu.memref_slice %arg2[%arg0, %dma_start3A_94, %dma_start3A_95] : memref<2x10000x80xf32, #tpu.memory_space<hbm>> -> memref<1x10000x80xf32, #tpu.memory_space<hbm>>
      %dma_start3A_97 = tpu.memref_squeeze %dma_start3A_96 : memref<1x10000x80xf32, #tpu.memory_space<hbm>> -> memref<10000x80xf32, #tpu.memory_space<hbm>>
      %dma_start3A_98 = arith.constant 0 : i32
      %dma_start3A_99 = arith.constant 0 : i32
      %dma_start3A_100 = tpu.memref_slice %dma_start3A_97[%dma_start3A_98, %dma_start3A_99] : memref<10000x80xf32, #tpu.memory_space<hbm>> -> memref<10000x80xf32, #tpu.memory_space<hbm>>
      tpu.enqueue_indirect_dma source(%dma_start3A_100 : memref<10000x80xf32, #tpu.memory_space<hbm>>) target(%arg8 : memref<128x80xf32, #tpu.memory_space<vmem>>) offsets(%dma_start3A_93 : memref<128xi32, #tpu.memory_space<vmem>>) semaphore(%arg11 : memref<!tpu.dma_semaphore, #tpu.memory_space<semaphore_mem>>)
      %add3A_101 = arith.constant 1 : i32
      %add3A_102 = arith.addi %mul3A_60, %add3A_101 : i32
      %dma_wait3A_103 = arith.constant 0 : i32
      %dma_wait3A_104 = tpu.memref_slice %arg6[%add3A_102, %dma_wait3A_103] : memref<158x128xi32, #tpu.memory_space<vmem>> -> memref<1x128xi32, #tpu.memory_space<vmem>>
      %dma_wait3A_105 = tpu.memref_squeeze %dma_wait3A_104 : memref<1x128xi32, #tpu.memory_space<vmem>> -> memref<128xi32, #tpu.memory_space<vmem>>
      %dma_wait3A_106 = arith.constant 0 : i32
      %dma_wait3A_107 = arith.constant 0 : i32
      %dma_wait3A_108 = tpu.memref_slice %arg2[%arg0, %dma_wait3A_106, %dma_wait3A_107] : memref<2x10000x80xf32, #tpu.memory_space<hbm>> -> memref<1x10000x80xf32, #tpu.memory_space<hbm>>
      %dma_wait3A_109 = tpu.memref_squeeze %dma_wait3A_108 : memref<1x10000x80xf32, #tpu.memory_space<hbm>> -> memref<10000x80xf32, #tpu.memory_space<hbm>>
      %dma_wait3A_110 = arith.constant 0 : i32
      %dma_wait3A_111 = arith.constant 0 : i32
      %dma_wait3A_112 = tpu.memref_slice %dma_wait3A_109[%dma_wait3A_110, %dma_wait3A_111] : memref<10000x80xf32, #tpu.memory_space<hbm>> -> memref<10000x80xf32, #tpu.memory_space<hbm>>
      tpu.wait_indirect_dma semaphore(%arg12 : memref<!tpu.dma_semaphore, #tpu.memory_space<semaphore_mem>>) src(%dma_wait3A_112 : memref<10000x80xf32, #tpu.memory_space<hbm>>) dst(%arg9 : memref<128x80xf32, #tpu.memory_space<vmem>>)
      "tpu.region"() ({
        %run_scoped3A = tpu.sem_alloc : memref<!tpu.dma_semaphore, #tpu.memory_space<semaphore_mem>>
        %dma_start3A_114 = arith.constant 0 : i32
        %dma_start3A_115 = tpu.memref_slice %arg7[%add3A_102, %dma_start3A_114] : memref<158x128xi32, #tpu.memory_space<vmem>> -> memref<1x128xi32, #tpu.memory_space<vmem>>
        %dma_start3A_116 = tpu.memref_squeeze %dma_start3A_115 : memref<1x128xi32, #tpu.memory_space<vmem>> -> memref<128xi32, #tpu.memory_space<vmem>>
        %dma_start3A_117 = arith.constant 0 : i32
        %dma_start3A_118 = arith.constant 0 : i32
        %dma_start3A_119 = tpu.memref_slice %arg10[%dma_start3A_117, %dma_start3A_118] : memref<10240x80xf32, #tpu.memory_space<vmem_shared>> -> memref<10240x80xf32, #tpu.memory_space<vmem_shared>>
        tpu.enqueue_indirect_dma source(%arg9 : memref<128x80xf32, #tpu.memory_space<vmem>>) target(%dma_start3A_119 : memref<10240x80xf32, #tpu.memory_space<vmem_shared>>) offsets(%dma_start3A_116 : memref<128xi32, #tpu.memory_space<vmem>>) semaphore(%run_scoped3A : memref<!tpu.dma_semaphore, #tpu.memory_space<semaphore_mem>>) {add = true}
        %dma_wait3A_120 = arith.constant 0 : i32
        %dma_wait3A_121 = tpu.memref_slice %arg7[%add3A_102, %dma_wait3A_120] : memref<158x128xi32, #tpu.memory_space<vmem>> -> memref<1x128xi32, #tpu.memory_space<vmem>>
        %dma_wait3A_122 = tpu.memref_squeeze %dma_wait3A_121 : memref<1x128xi32, #tpu.memory_space<vmem>> -> memref<128xi32, #tpu.memory_space<vmem>>
        %dma_wait3A_123 = arith.constant 0 : i32
        %dma_wait3A_124 = arith.constant 0 : i32
        %dma_wait3A_125 = tpu.memref_slice %arg10[%dma_wait3A_123, %dma_wait3A_124] : memref<10240x80xf32, #tpu.memory_space<vmem_shared>> -> memref<10240x80xf32, #tpu.memory_space<vmem_shared>>
        tpu.wait_indirect_dma semaphore(%run_scoped3A : memref<!tpu.dma_semaphore, #tpu.memory_space<semaphore_mem>>) src(%arg9 : memref<128x80xf32, #tpu.memory_space<vmem>>) dst(%dma_wait3A_125 : memref<10240x80xf32, #tpu.memory_space<vmem_shared>>)
        tpu.yield
      }) : () -> ()
      %scan3A_113 = arith.constant 0 : i32
      scf.yield %scan3A_113 : i32
    }
    %scan3A_41 = arith.constant 79 : i32
    %dma_wait3A = arith.constant 0 : i32
    %dma_wait3A_42 = arith.constant 0 : i32
    %dma_wait3A_43 = tpu.memref_slice %arg6[%dma_wait3A, %dma_wait3A_42] : memref<158x128xi32, #tpu.memory_space<vmem>> -> memref<1x128xi32, #tpu.memory_space<vmem>>
    %dma_wait3A_44 = tpu.memref_squeeze %dma_wait3A_43 : memref<1x128xi32, #tpu.memory_space<vmem>> -> memref<128xi32, #tpu.memory_space<vmem>>
    %dma_wait3A_45 = arith.constant 0 : i32
    %dma_wait3A_46 = arith.constant 0 : i32
    %dma_wait3A_47 = tpu.memref_slice %arg2[%arg0, %dma_wait3A_45, %dma_wait3A_46] : memref<2x10000x80xf32, #tpu.memory_space<hbm>> -> memref<1x10000x80xf32, #tpu.memory_space<hbm>>
    %dma_wait3A_48 = tpu.memref_squeeze %dma_wait3A_47 : memref<1x10000x80xf32, #tpu.memory_space<hbm>> -> memref<10000x80xf32, #tpu.memory_space<hbm>>
    %dma_wait3A_49 = arith.constant 0 : i32
    %dma_wait3A_50 = arith.constant 0 : i32
    %dma_wait3A_51 = tpu.memref_slice %dma_wait3A_48[%dma_wait3A_49, %dma_wait3A_50] : memref<10000x80xf32, #tpu.memory_space<hbm>> -> memref<10000x80xf32, #tpu.memory_space<hbm>>
    tpu.wait_indirect_dma semaphore(%arg11 : memref<!tpu.dma_semaphore, #tpu.memory_space<semaphore_mem>>) src(%dma_wait3A_51 : memref<10000x80xf32, #tpu.memory_space<hbm>>) dst(%arg8 : memref<128x80xf32, #tpu.memory_space<vmem>>)
    %barrier3A_52 = arith.constant 0 : index
    tpu.barrier barrier_id(%barrier3A_52)
    %mul3A_53 = arith.constant 640 : i32
    %mul3A_54 = arith.muli %arg1, %mul3A_53 : i32
    %mul3A_55 = arith.constant 640 : i32
    %mul3A_56 = arith.muli %arg1, %mul3A_55 : i32
    "tpu.region"() ({
      %run_scoped3A = tpu.sem_alloc : memref<!tpu.dma_semaphore, #tpu.memory_space<semaphore_mem>>
      %dma_start3A_57 = arith.constant 0 : i32
      %dma_start3A_58 = tpu.memref_slice %arg5[%arg0, %mul3A_56, %dma_start3A_57] : memref<2x10240x80xf32, #tpu.memory_space<hbm>> -> memref<1x640x80xf32, #tpu.memory_space<hbm>>
      %dma_start3A_59 = tpu.memref_squeeze %dma_start3A_58 : memref<1x640x80xf32, #tpu.memory_space<hbm>> -> memref<640x80xf32, #tpu.memory_space<hbm>>
      %dma_start3A_60 = arith.constant 0 : i32
      %dma_start3A_61 = tpu.memref_slice %arg10[%mul3A_54, %dma_start3A_60] : memref<10240x80xf32, #tpu.memory_space<vmem_shared>> -> memref<640x80xf32, #tpu.memory_space<vmem_shared>>
      tpu.enqueue_dma source(%dma_start3A_61 : memref<640x80xf32, #tpu.memory_space<vmem_shared>>) target(%dma_start3A_59 : memref<640x80xf32, #tpu.memory_space<hbm>>) target_semaphore(%run_scoped3A : memref<!tpu.dma_semaphore, #tpu.memory_space<semaphore_mem>>)
      %dma_wait3A_62 = arith.constant 0 : i32
      %dma_wait3A_63 = tpu.memref_slice %arg5[%arg0, %mul3A_56, %dma_wait3A_62] : memref<2x10240x80xf32, #tpu.memory_space<hbm>> -> memref<1x640x80xf32, #tpu.memory_space<hbm>>
      %dma_wait3A_64 = tpu.memref_squeeze %dma_wait3A_63 : memref<1x640x80xf32, #tpu.memory_space<hbm>> -> memref<640x80xf32, #tpu.memory_space<hbm>>
      %dma_wait3A_65 = arith.constant 0 : i32
      %dma_wait3A_66 = tpu.memref_slice %arg10[%mul3A_54, %dma_wait3A_65] : memref<10240x80xf32, #tpu.memory_space<vmem_shared>> -> memref<640x80xf32, #tpu.memory_space<vmem_shared>>
      tpu.wait_dma2 semaphore(%run_scoped3A : memref<!tpu.dma_semaphore, #tpu.memory_space<semaphore_mem>>) src(%dma_wait3A_66 : memref<640x80xf32, #tpu.memory_space<vmem_shared>>) dst(%dma_wait3A_64 : memref<640x80xf32, #tpu.memory_space<hbm>>)
      tpu.yield
    }) : () -> ()
    return
  }
}

#map = affine_map<(d0, d1) -> (0, 0, 0)>
module attributes {stable_mosaic.version = 14 : i64} {
  func.func @k(%arg0: i32, %arg1: i32, %arg2: memref<16x158x128xi32, #tpu.memory_space<hbm>>, %arg3: memref<2x10240x16xf32, #tpu.memory_space<hbm>>, %arg4: memref<158x128xi32, #tpu.memory_space<vmem>>, %arg5: memref<128x16xf32, #tpu.memory_space<vmem>>, %arg6: memref<10240x16xf32, #tpu.memory_space<vmem_shared>>) attributes {dimension_semantics = [#tpu.dimension_semantics<core_parallel>, #tpu.dimension_semantics<subcore_parallel>], iteration_bounds = array<i64: 2, 16>, scalar_prefetch = 0 : i64, scratch_operands = 3 : i64, tpu.core_type = #tpu.core_type<sc_vector_subcore>, window_params = [{transform_indices = #map}, {transform_indices = #map}]} {
    %broadcast_in_dim3A = arith.constant 0.000000e+00 : f32
    %broadcast_in_dim3A_0 = vector.broadcast %broadcast_in_dim3A : f32 to vector<16xf32>
    %scan3A = arith.constant 0 : i32
    %scan3A_1 = arith.constant 0 : i32
    %scan3A_2 = arith.constant 128 : i32
    %scan3A_3 = arith.addi %scan3A_1, %scan3A_2 : i32
    %scan3A_4 = arith.constant 1 : i32
    %scan3A_5 = scf.for %scan3A_54 = %scan3A_1 to %scan3A_3 step %scan3A_4 iter_args(%scan3A_55 = %scan3A) -> (i32)  : i32 {
      %swap3A = arith.index_cast %scan3A_54 : i32 to index
      %swap3A_56 = arith.constant 0 : index
      %swap3A_57 = tpu.vector_load %arg5[%swap3A, %swap3A_56] {strides = array<i32>} : memref<128x16xf32, #tpu.memory_space<vmem>>, vector<1x16xf32>,
      %swap3A_58 = vector.shape_cast %swap3A_57 : vector<1x16xf32> to vector<16xf32>
      %swap3A_59 = vector.shape_cast %broadcast_in_dim3A_0 : vector<16xf32> to vector<1x16xf32>
      tpu.vector_store %arg5[%swap3A, %swap3A_56], %swap3A_59 {strides = array<i32>} : memref<128x16xf32, #tpu.memory_space<vmem>>, vector<1x16xf32>,
      %scan3A_60 = arith.constant 0 : i32
      scf.yield %scan3A_60 : i32
    }
    %scan3A_6 = arith.constant 128 : i32
    %mul3A = arith.constant 640 : i32
    %mul3A_7 = arith.muli %arg1, %mul3A : i32
    %add3A = arith.constant 0 : i32
    %add3A_8 = arith.addi %mul3A_7, %add3A : i32
    "tpu.region"() ({
      %run_scoped3A = tpu.sem_alloc : memref<!tpu.dma_semaphore, #tpu.memory_space<semaphore_mem>>
      %dma_start3A = arith.constant 0 : i32
      %dma_start3A_54 = tpu.memref_slice %arg6[%add3A_8, %dma_start3A] : memref<10240x16xf32, #tpu.memory_space<vmem_shared>> -> memref<128x16xf32, #tpu.memory_space<vmem_shared>>
      %dma_start3A_55 = arith.constant 0 : i32
      %dma_start3A_56 = tpu.memref_slice %arg6[%add3A_8, %dma_start3A_55] : memref<10240x16xf32, #tpu.memory_space<vmem_shared>> -> memref<128x16xf32, #tpu.memory_space<vmem_shared>>
      tpu.enqueue_dma source(%arg5 : memref<128x16xf32, #tpu.memory_space<vmem>>) target(%dma_start3A_56 : memref<128x16xf32, #tpu.memory_space<vmem_shared>>) target_semaphore(%run_scoped3A : memref<!tpu.dma_semaphore, #tpu.memory_space<semaphore_mem>>)
      %dma_wait3A = arith.constant 0 : i32
      %dma_wait3A_57 = tpu.memref_slice %arg6[%add3A_8, %dma_wait3A] : memref<10240x16xf32, #tpu.memory_space<vmem_shared>> -> memref<128x16xf32, #tpu.memory_space<vmem_shared>>
      %dma_wait3A_58 = arith.constant 0 : i32
      %dma_wait3A_59 = tpu.memref_slice %arg6[%add3A_8, %dma_wait3A_58] : memref<10240x16xf32, #tpu.memory_space<vmem_shared>> -> memref<128x16xf32, #tpu.memory_space<vmem_shared>>
      tpu.wait_dma2 semaphore(%run_scoped3A : memref<!tpu.dma_semaphore, #tpu.memory_space<semaphore_mem>>) src(%arg5 : memref<128x16xf32, #tpu.memory_space<vmem>>) dst(%dma_wait3A_59 : memref<128x16xf32, #tpu.memory_space<vmem_shared>>)
      tpu.yield
    }) : () -> ()
    %mul3A_9 = arith.constant 640 : i32
    %mul3A_10 = arith.muli %arg1, %mul3A_9 : i32
    %add3A_11 = arith.constant 128 : i32
    %add3A_12 = arith.addi %mul3A_10, %add3A_11 : i32
    "tpu.region"() ({
      %run_scoped3A = tpu.sem_alloc : memref<!tpu.dma_semaphore, #tpu.memory_space<semaphore_mem>>
      %dma_start3A = arith.constant 0 : i32
      %dma_start3A_54 = tpu.memref_slice %arg6[%add3A_12, %dma_start3A] : memref<10240x16xf32, #tpu.memory_space<vmem_shared>> -> memref<128x16xf32, #tpu.memory_space<vmem_shared>>
      %dma_start3A_55 = arith.constant 0 : i32
      %dma_start3A_56 = tpu.memref_slice %arg6[%add3A_12, %dma_start3A_55] : memref<10240x16xf32, #tpu.memory_space<vmem_shared>> -> memref<128x16xf32, #tpu.memory_space<vmem_shared>>
      tpu.enqueue_dma source(%arg5 : memref<128x16xf32, #tpu.memory_space<vmem>>) target(%dma_start3A_56 : memref<128x16xf32, #tpu.memory_space<vmem_shared>>) target_semaphore(%run_scoped3A : memref<!tpu.dma_semaphore, #tpu.memory_space<semaphore_mem>>)
      %dma_wait3A = arith.constant 0 : i32
      %dma_wait3A_57 = tpu.memref_slice %arg6[%add3A_12, %dma_wait3A] : memref<10240x16xf32, #tpu.memory_space<vmem_shared>> -> memref<128x16xf32, #tpu.memory_space<vmem_shared>>
      %dma_wait3A_58 = arith.constant 0 : i32
      %dma_wait3A_59 = tpu.memref_slice %arg6[%add3A_12, %dma_wait3A_58] : memref<10240x16xf32, #tpu.memory_space<vmem_shared>> -> memref<128x16xf32, #tpu.memory_space<vmem_shared>>
      tpu.wait_dma2 semaphore(%run_scoped3A : memref<!tpu.dma_semaphore, #tpu.memory_space<semaphore_mem>>) src(%arg5 : memref<128x16xf32, #tpu.memory_space<vmem>>) dst(%dma_wait3A_59 : memref<128x16xf32, #tpu.memory_space<vmem_shared>>)
      tpu.yield
    }) : () -> ()
    %mul3A_13 = arith.constant 640 : i32
    %mul3A_14 = arith.muli %arg1, %mul3A_13 : i32
    %add3A_15 = arith.constant 256 : i32
    %add3A_16 = arith.addi %mul3A_14, %add3A_15 : i32
    "tpu.region"() ({
      %run_scoped3A = tpu.sem_alloc : memref<!tpu.dma_semaphore, #tpu.memory_space<semaphore_mem>>
      %dma_start3A = arith.constant 0 : i32
      %dma_start3A_54 = tpu.memref_slice %arg6[%add3A_16, %dma_start3A] : memref<10240x16xf32, #tpu.memory_space<vmem_shared>> -> memref<128x16xf32, #tpu.memory_space<vmem_shared>>
      %dma_start3A_55 = arith.constant 0 : i32
      %dma_start3A_56 = tpu.memref_slice %arg6[%add3A_16, %dma_start3A_55] : memref<10240x16xf32, #tpu.memory_space<vmem_shared>> -> memref<128x16xf32, #tpu.memory_space<vmem_shared>>
      tpu.enqueue_dma source(%arg5 : memref<128x16xf32, #tpu.memory_space<vmem>>) target(%dma_start3A_56 : memref<128x16xf32, #tpu.memory_space<vmem_shared>>) target_semaphore(%run_scoped3A : memref<!tpu.dma_semaphore, #tpu.memory_space<semaphore_mem>>)
      %dma_wait3A = arith.constant 0 : i32
      %dma_wait3A_57 = tpu.memref_slice %arg6[%add3A_16, %dma_wait3A] : memref<10240x16xf32, #tpu.memory_space<vmem_shared>> -> memref<128x16xf32, #tpu.memory_space<vmem_shared>>
      %dma_wait3A_58 = arith.constant 0 : i32
      %dma_wait3A_59 = tpu.memref_slice %arg6[%add3A_16, %dma_wait3A_58] : memref<10240x16xf32, #tpu.memory_space<vmem_shared>> -> memref<128x16xf32, #tpu.memory_space<vmem_shared>>
      tpu.wait_dma2 semaphore(%run_scoped3A : memref<!tpu.dma_semaphore, #tpu.memory_space<semaphore_mem>>) src(%arg5 : memref<128x16xf32, #tpu.memory_space<vmem>>) dst(%dma_wait3A_59 : memref<128x16xf32, #tpu.memory_space<vmem_shared>>)
      tpu.yield
    }) : () -> ()
    %mul3A_17 = arith.constant 640 : i32
    %mul3A_18 = arith.muli %arg1, %mul3A_17 : i32
    %add3A_19 = arith.constant 384 : i32
    %add3A_20 = arith.addi %mul3A_18, %add3A_19 : i32
    "tpu.region"() ({
      %run_scoped3A = tpu.sem_alloc : memref<!tpu.dma_semaphore, #tpu.memory_space<semaphore_mem>>
      %dma_start3A = arith.constant 0 : i32
      %dma_start3A_54 = tpu.memref_slice %arg6[%add3A_20, %dma_start3A] : memref<10240x16xf32, #tpu.memory_space<vmem_shared>> -> memref<128x16xf32, #tpu.memory_space<vmem_shared>>
      %dma_start3A_55 = arith.constant 0 : i32
      %dma_start3A_56 = tpu.memref_slice %arg6[%add3A_20, %dma_start3A_55] : memref<10240x16xf32, #tpu.memory_space<vmem_shared>> -> memref<128x16xf32, #tpu.memory_space<vmem_shared>>
      tpu.enqueue_dma source(%arg5 : memref<128x16xf32, #tpu.memory_space<vmem>>) target(%dma_start3A_56 : memref<128x16xf32, #tpu.memory_space<vmem_shared>>) target_semaphore(%run_scoped3A : memref<!tpu.dma_semaphore, #tpu.memory_space<semaphore_mem>>)
      %dma_wait3A = arith.constant 0 : i32
      %dma_wait3A_57 = tpu.memref_slice %arg6[%add3A_20, %dma_wait3A] : memref<10240x16xf32, #tpu.memory_space<vmem_shared>> -> memref<128x16xf32, #tpu.memory_space<vmem_shared>>
      %dma_wait3A_58 = arith.constant 0 : i32
      %dma_wait3A_59 = tpu.memref_slice %arg6[%add3A_20, %dma_wait3A_58] : memref<10240x16xf32, #tpu.memory_space<vmem_shared>> -> memref<128x16xf32, #tpu.memory_space<vmem_shared>>
      tpu.wait_dma2 semaphore(%run_scoped3A : memref<!tpu.dma_semaphore, #tpu.memory_space<semaphore_mem>>) src(%arg5 : memref<128x16xf32, #tpu.memory_space<vmem>>) dst(%dma_wait3A_59 : memref<128x16xf32, #tpu.memory_space<vmem_shared>>)
      tpu.yield
    }) : () -> ()
    %mul3A_21 = arith.constant 640 : i32
    %mul3A_22 = arith.muli %arg1, %mul3A_21 : i32
    %add3A_23 = arith.constant 512 : i32
    %add3A_24 = arith.addi %mul3A_22, %add3A_23 : i32
    "tpu.region"() ({
      %run_scoped3A = tpu.sem_alloc : memref<!tpu.dma_semaphore, #tpu.memory_space<semaphore_mem>>
      %dma_start3A = arith.constant 0 : i32
      %dma_start3A_54 = tpu.memref_slice %arg6[%add3A_24, %dma_start3A] : memref<10240x16xf32, #tpu.memory_space<vmem_shared>> -> memref<128x16xf32, #tpu.memory_space<vmem_shared>>
      %dma_start3A_55 = arith.constant 0 : i32
      %dma_start3A_56 = tpu.memref_slice %arg6[%add3A_24, %dma_start3A_55] : memref<10240x16xf32, #tpu.memory_space<vmem_shared>> -> memref<128x16xf32, #tpu.memory_space<vmem_shared>>
      tpu.enqueue_dma source(%arg5 : memref<128x16xf32, #tpu.memory_space<vmem>>) target(%dma_start3A_56 : memref<128x16xf32, #tpu.memory_space<vmem_shared>>) target_semaphore(%run_scoped3A : memref<!tpu.dma_semaphore, #tpu.memory_space<semaphore_mem>>)
      %dma_wait3A = arith.constant 0 : i32
      %dma_wait3A_57 = tpu.memref_slice %arg6[%add3A_24, %dma_wait3A] : memref<10240x16xf32, #tpu.memory_space<vmem_shared>> -> memref<128x16xf32, #tpu.memory_space<vmem_shared>>
      %dma_wait3A_58 = arith.constant 0 : i32
      %dma_wait3A_59 = tpu.memref_slice %arg6[%add3A_24, %dma_wait3A_58] : memref<10240x16xf32, #tpu.memory_space<vmem_shared>> -> memref<128x16xf32, #tpu.memory_space<vmem_shared>>
      tpu.wait_dma2 semaphore(%run_scoped3A : memref<!tpu.dma_semaphore, #tpu.memory_space<semaphore_mem>>) src(%arg5 : memref<128x16xf32, #tpu.memory_space<vmem>>) dst(%dma_wait3A_59 : memref<128x16xf32, #tpu.memory_space<vmem_shared>>)
      tpu.yield
    }) : () -> ()
    %barrier3A = arith.constant 0 : index
    tpu.barrier barrier_id(%barrier3A)
    %broadcast_in_dim3A_25 = arith.constant 1.000000e+00 : f32
    %broadcast_in_dim3A_26 = vector.broadcast %broadcast_in_dim3A_25 : f32 to vector<16xf32>
    %scan3A_27 = arith.constant 0 : i32
    %scan3A_28 = arith.constant 0 : i32
    %scan3A_29 = arith.constant 128 : i32
    %scan3A_30 = arith.addi %scan3A_28, %scan3A_29 : i32
    %scan3A_31 = arith.constant 1 : i32
    %scan3A_32 = scf.for %scan3A_54 = %scan3A_28 to %scan3A_30 step %scan3A_31 iter_args(%scan3A_55 = %scan3A_27) -> (i32)  : i32 {
      %swap3A = arith.index_cast %scan3A_54 : i32 to index
      %swap3A_56 = arith.constant 0 : index
      %swap3A_57 = tpu.vector_load %arg5[%swap3A, %swap3A_56] {strides = array<i32>} : memref<128x16xf32, #tpu.memory_space<vmem>>, vector<1x16xf32>,
      %swap3A_58 = vector.shape_cast %swap3A_57 : vector<1x16xf32> to vector<16xf32>
      %swap3A_59 = vector.shape_cast %broadcast_in_dim3A_26 : vector<16xf32> to vector<1x16xf32>
      tpu.vector_store %arg5[%swap3A, %swap3A_56], %swap3A_59 {strides = array<i32>} : memref<128x16xf32, #tpu.memory_space<vmem>>, vector<1x16xf32>,
      %scan3A_60 = arith.constant 0 : i32
      scf.yield %scan3A_60 : i32
    }
    %scan3A_33 = arith.constant 128 : i32
    "tpu.region"() ({
      %run_scoped3A = tpu.sem_alloc : memref<!tpu.dma_semaphore, #tpu.memory_space<semaphore_mem>>
      %dma_start3A = arith.constant 0 : i32
      %dma_start3A_54 = arith.constant 0 : i32
      %dma_start3A_55 = tpu.memref_slice %arg2[%arg1, %dma_start3A, %dma_start3A_54] : memref<16x158x128xi32, #tpu.memory_space<hbm>> -> memref<1x158x128xi32, #tpu.memory_space<hbm>>
      %dma_start3A_56 = tpu.memref_squeeze %dma_start3A_55 : memref<1x158x128xi32, #tpu.memory_space<hbm>> -> memref<158x128xi32, #tpu.memory_space<hbm>>
      %dma_start3A_57 = arith.constant 0 : i32
      %dma_start3A_58 = arith.constant 0 : i32
      %dma_start3A_59 = tpu.memref_slice %arg2[%arg1, %dma_start3A_57, %dma_start3A_58] : memref<16x158x128xi32, #tpu.memory_space<hbm>> -> memref<1x158x128xi32, #tpu.memory_space<hbm>>
      %dma_start3A_60 = tpu.memref_squeeze %dma_start3A_59 : memref<1x158x128xi32, #tpu.memory_space<hbm>> -> memref<158x128xi32, #tpu.memory_space<hbm>>
      tpu.enqueue_dma source(%dma_start3A_60 : memref<158x128xi32, #tpu.memory_space<hbm>>) target(%arg4 : memref<158x128xi32, #tpu.memory_space<vmem>>) target_semaphore(%run_scoped3A : memref<!tpu.dma_semaphore, #tpu.memory_space<semaphore_mem>>)
      %dma_wait3A = arith.constant 0 : i32
      %dma_wait3A_61 = arith.constant 0 : i32
      %dma_wait3A_62 = tpu.memref_slice %arg2[%arg1, %dma_wait3A, %dma_wait3A_61] : memref<16x158x128xi32, #tpu.memory_space<hbm>> -> memref<1x158x128xi32, #tpu.memory_space<hbm>>
      %dma_wait3A_63 = tpu.memref_squeeze %dma_wait3A_62 : memref<1x158x128xi32, #tpu.memory_space<hbm>> -> memref<158x128xi32, #tpu.memory_space<hbm>>
      %dma_wait3A_64 = arith.constant 0 : i32
      %dma_wait3A_65 = arith.constant 0 : i32
      %dma_wait3A_66 = tpu.memref_slice %arg2[%arg1, %dma_wait3A_64, %dma_wait3A_65] : memref<16x158x128xi32, #tpu.memory_space<hbm>> -> memref<1x158x128xi32, #tpu.memory_space<hbm>>
      %dma_wait3A_67 = tpu.memref_squeeze %dma_wait3A_66 : memref<1x158x128xi32, #tpu.memory_space<hbm>> -> memref<158x128xi32, #tpu.memory_space<hbm>>
      tpu.wait_dma2 semaphore(%run_scoped3A : memref<!tpu.dma_semaphore, #tpu.memory_space<semaphore_mem>>) src(%dma_wait3A_67 : memref<158x128xi32, #tpu.memory_space<hbm>>) dst(%arg4 : memref<158x128xi32, #tpu.memory_space<vmem>>)
      tpu.yield
    }) : () -> ()
    %mul3A_34 = arith.constant 79 : i32
    %mul3A_35 = arith.muli %arg0, %mul3A_34 : i32
    %add3A_36 = arith.constant 79 : i32
    %add3A_37 = arith.addi %mul3A_35, %add3A_36 : i32
    %min3A = arith.constant 158 : i32
    %min3A_38 = arith.minsi %min3A, %add3A_37 : i32
    %while3A = arith.constant 0 : i32
    %while3A_39 = arith.subi %min3A_38, %mul3A_35 : i32
    %while3A_40 = arith.addi %mul3A_35, %while3A_39 : i32
    %while3A_41 = arith.constant 1 : i32
    %while3A_42 = arith.divsi %while3A_39, %while3A_41 : i32
    %while3A_43 = arith.muli %while3A_42, %while3A_41 : i32
    %while3A_44 = arith.addi %mul3A_35, %while3A_43 : i32
    %while3A_45 = arith.constant 1 : i32
    %while3A_46 = scf.for %while3A_54 = %mul3A_35 to %while3A_44 step %while3A_45 iter_args(%while3A_55 = %while3A) -> (i32)  : i32 {
      "tpu.region"() ({
        %run_scoped3A = tpu.sem_alloc : memref<!tpu.dma_semaphore, #tpu.memory_space<semaphore_mem>>
        %dma_start3A = arith.constant 0 : i32
        %dma_start3A_57 = tpu.memref_slice %arg4[%while3A_54, %dma_start3A] : memref<158x128xi32, #tpu.memory_space<vmem>> -> memref<1x128xi32, #tpu.memory_space<vmem>>
        %dma_start3A_58 = tpu.memref_squeeze %dma_start3A_57 : memref<1x128xi32, #tpu.memory_space<vmem>> -> memref<128xi32, #tpu.memory_space<vmem>>
        %dma_start3A_59 = arith.constant 0 : i32
        %dma_start3A_60 = arith.constant 0 : i32
        %dma_start3A_61 = tpu.memref_slice %arg6[%dma_start3A_59, %dma_start3A_60] : memref<10240x16xf32, #tpu.memory_space<vmem_shared>> -> memref<10240x16xf32, #tpu.memory_space<vmem_shared>>
        tpu.enqueue_indirect_dma source(%arg5 : memref<128x16xf32, #tpu.memory_space<vmem>>) target(%dma_start3A_61 : memref<10240x16xf32, #tpu.memory_space<vmem_shared>>) offsets(%dma_start3A_58 : memref<128xi32, #tpu.memory_space<vmem>>) semaphore(%run_scoped3A : memref<!tpu.dma_semaphore, #tpu.memory_space<semaphore_mem>>) {add = true}
        %dma_wait3A = arith.constant 0 : i32
        %dma_wait3A_62 = tpu.memref_slice %arg4[%while3A_54, %dma_wait3A] : memref<158x128xi32, #tpu.memory_space<vmem>> -> memref<1x128xi32, #tpu.memory_space<vmem>>
        %dma_wait3A_63 = tpu.memref_squeeze %dma_wait3A_62 : memref<1x128xi32, #tpu.memory_space<vmem>> -> memref<128xi32, #tpu.memory_space<vmem>>
        %dma_wait3A_64 = arith.constant 0 : i32
        %dma_wait3A_65 = arith.constant 0 : i32
        %dma_wait3A_66 = tpu.memref_slice %arg6[%dma_wait3A_64, %dma_wait3A_65] : memref<10240x16xf32, #tpu.memory_space<vmem_shared>> -> memref<10240x16xf32, #tpu.memory_space<vmem_shared>>
        tpu.wait_indirect_dma semaphore(%run_scoped3A : memref<!tpu.dma_semaphore, #tpu.memory_space<semaphore_mem>>) src(%arg5 : memref<128x16xf32, #tpu.memory_space<vmem>>) dst(%dma_wait3A_66 : memref<10240x16xf32, #tpu.memory_space<vmem_shared>>)
        tpu.yield
      }) : () -> ()
      %while3A_56 = arith.constant 0 : i32
      scf.yield %while3A_56 : i32
    }
    %while3A_47 = arith.constant 1 : i32
    %while3A_48 = scf.for %while3A_54 = %while3A_44 to %while3A_40 step %while3A_47 iter_args(%while3A_55 = %while3A_46) -> (i32)  : i32 {
      "tpu.region"() ({
        %run_scoped3A = tpu.sem_alloc : memref<!tpu.dma_semaphore, #tpu.memory_space<semaphore_mem>>
        %dma_start3A = arith.constant 0 : i32
        %dma_start3A_57 = tpu.memref_slice %arg4[%while3A_54, %dma_start3A] : memref<158x128xi32, #tpu.memory_space<vmem>> -> memref<1x128xi32, #tpu.memory_space<vmem>>
        %dma_start3A_58 = tpu.memref_squeeze %dma_start3A_57 : memref<1x128xi32, #tpu.memory_space<vmem>> -> memref<128xi32, #tpu.memory_space<vmem>>
        %dma_start3A_59 = arith.constant 0 : i32
        %dma_start3A_60 = arith.constant 0 : i32
        %dma_start3A_61 = tpu.memref_slice %arg6[%dma_start3A_59, %dma_start3A_60] : memref<10240x16xf32, #tpu.memory_space<vmem_shared>> -> memref<10240x16xf32, #tpu.memory_space<vmem_shared>>
        tpu.enqueue_indirect_dma source(%arg5 : memref<128x16xf32, #tpu.memory_space<vmem>>) target(%dma_start3A_61 : memref<10240x16xf32, #tpu.memory_space<vmem_shared>>) offsets(%dma_start3A_58 : memref<128xi32, #tpu.memory_space<vmem>>) semaphore(%run_scoped3A : memref<!tpu.dma_semaphore, #tpu.memory_space<semaphore_mem>>) {add = true}
        %dma_wait3A = arith.constant 0 : i32
        %dma_wait3A_62 = tpu.memref_slice %arg4[%while3A_54, %dma_wait3A] : memref<158x128xi32, #tpu.memory_space<vmem>> -> memref<1x128xi32, #tpu.memory_space<vmem>>
        %dma_wait3A_63 = tpu.memref_squeeze %dma_wait3A_62 : memref<1x128xi32, #tpu.memory_space<vmem>> -> memref<128xi32, #tpu.memory_space<vmem>>
        %dma_wait3A_64 = arith.constant 0 : i32
        %dma_wait3A_65 = arith.constant 0 : i32
        %dma_wait3A_66 = tpu.memref_slice %arg6[%dma_wait3A_64, %dma_wait3A_65] : memref<10240x16xf32, #tpu.memory_space<vmem_shared>> -> memref<10240x16xf32, #tpu.memory_space<vmem_shared>>
        tpu.wait_indirect_dma semaphore(%run_scoped3A : memref<!tpu.dma_semaphore, #tpu.memory_space<semaphore_mem>>) src(%arg5 : memref<128x16xf32, #tpu.memory_space<vmem>>) dst(%dma_wait3A_66 : memref<10240x16xf32, #tpu.memory_space<vmem_shared>>)
        tpu.yield
      }) : () -> ()
      %while3A_56 = arith.constant 0 : i32
      scf.yield %while3A_56 : i32
    }
    %barrier3A_49 = arith.constant 0 : index
    tpu.barrier barrier_id(%barrier3A_49)
    %mul3A_50 = arith.constant 640 : i32
    %mul3A_51 = arith.muli %arg1, %mul3A_50 : i32
    %mul3A_52 = arith.constant 640 : i32
    %mul3A_53 = arith.muli %arg1, %mul3A_52 : i32
    "tpu.region"() ({
      %run_scoped3A = tpu.sem_alloc : memref<!tpu.dma_semaphore, #tpu.memory_space<semaphore_mem>>
      %dma_start3A = arith.constant 0 : i32
      %dma_start3A_54 = tpu.memref_slice %arg3[%arg0, %mul3A_53, %dma_start3A] : memref<2x10240x16xf32, #tpu.memory_space<hbm>> -> memref<1x640x16xf32, #tpu.memory_space<hbm>>
      %dma_start3A_55 = tpu.memref_squeeze %dma_start3A_54 : memref<1x640x16xf32, #tpu.memory_space<hbm>> -> memref<640x16xf32, #tpu.memory_space<hbm>>
      %dma_start3A_56 = arith.constant 0 : i32
      %dma_start3A_57 = tpu.memref_slice %arg6[%mul3A_51, %dma_start3A_56] : memref<10240x16xf32, #tpu.memory_space<vmem_shared>> -> memref<640x16xf32, #tpu.memory_space<vmem_shared>>
      tpu.enqueue_dma source(%dma_start3A_57 : memref<640x16xf32, #tpu.memory_space<vmem_shared>>) target(%dma_start3A_55 : memref<640x16xf32, #tpu.memory_space<hbm>>) target_semaphore(%run_scoped3A : memref<!tpu.dma_semaphore, #tpu.memory_space<semaphore_mem>>)
      %dma_wait3A = arith.constant 0 : i32
      %dma_wait3A_58 = tpu.memref_slice %arg3[%arg0, %mul3A_53, %dma_wait3A] : memref<2x10240x16xf32, #tpu.memory_space<hbm>> -> memref<1x640x16xf32, #tpu.memory_space<hbm>>
      %dma_wait3A_59 = tpu.memref_squeeze %dma_wait3A_58 : memref<1x640x16xf32, #tpu.memory_space<hbm>> -> memref<640x16xf32, #tpu.memory_space<hbm>>
      %dma_wait3A_60 = arith.constant 0 : i32
      %dma_wait3A_61 = tpu.memref_slice %arg6[%mul3A_51, %dma_wait3A_60] : memref<10240x16xf32, #tpu.memory_space<vmem_shared>> -> memref<640x16xf32, #tpu.memory_space<vmem_shared>>
      tpu.wait_dma2 semaphore(%run_scoped3A : memref<!tpu.dma_semaphore, #tpu.memory_space<semaphore_mem>>) src(%dma_wait3A_61 : memref<640x16xf32, #tpu.memory_space<vmem_shared>>) dst(%dma_wait3A_59 : memref<640x16xf32, #tpu.memory_space<hbm>>)
      tpu.yield
    }) : () -> ()
    return
  }
}

#map = affine_map<(d0, d1) -> (0, 0, 0)>
module attributes {stable_mosaic.version = 14 : i64} {
  func.func @k(%arg0: i32, %arg1: i32, %arg2: memref<2x10000x96xf32, #tpu.memory_space<hbm>>, %arg3: memref<16x158x128xi32, #tpu.memory_space<hbm>>, %arg4: memref<16x158x128xi32, #tpu.memory_space<hbm>>, %arg5: memref<2x10240x96xf32, #tpu.memory_space<hbm>>, %arg6: memref<158x128xi32, #tpu.memory_space<vmem>>, %arg7: memref<158x128xi32, #tpu.memory_space<vmem>>, %arg8: memref<128x96xf32, #tpu.memory_space<vmem>>, %arg9: memref<128x96xf32, #tpu.memory_space<vmem>>, %arg10: memref<10240x96xf32, #tpu.memory_space<vmem_shared>>, %arg11: memref<!tpu.dma_semaphore, #tpu.memory_space<semaphore_mem>>, %arg12: memref<!tpu.dma_semaphore, #tpu.memory_space<semaphore_mem>>) attributes {dimension_semantics = [#tpu.dimension_semantics<core_parallel>, #tpu.dimension_semantics<subcore_parallel>], iteration_bounds = array<i64: 2, 16>, scalar_prefetch = 0 : i64, scratch_operands = 7 : i64, tpu.core_type = #tpu.core_type<sc_vector_subcore>, window_params = [{transform_indices = #map}, {transform_indices = #map}, {transform_indices = #map}, {transform_indices = #map}]} {
    %broadcast_in_dim3A = arith.constant 0.000000e+00 : f32
    %broadcast_in_dim3A_0 = vector.broadcast %broadcast_in_dim3A : f32 to vector<16xf32>
    %scan3A = arith.constant 0 : i32
    %scan3A_1 = arith.constant 0 : i32
    %scan3A_2 = arith.constant 128 : i32
    %scan3A_3 = arith.addi %scan3A_1, %scan3A_2 : i32
    %scan3A_4 = arith.constant 1 : i32
    %scan3A_5 = scf.for %scan3A_57 = %scan3A_1 to %scan3A_3 step %scan3A_4 iter_args(%scan3A_58 = %scan3A) -> (i32)  : i32 {
      %swap3A = arith.index_cast %scan3A_57 : i32 to index
      %swap3A_59 = arith.constant 0 : index
      %swap3A_60 = tpu.vector_load %arg8[%swap3A, %swap3A_59] {strides = array<i32>} : memref<128x96xf32, #tpu.memory_space<vmem>>, vector<1x16xf32>,
      %swap3A_61 = vector.shape_cast %swap3A_60 : vector<1x16xf32> to vector<16xf32>
      %swap3A_62 = vector.shape_cast %broadcast_in_dim3A_0 : vector<16xf32> to vector<1x16xf32>
      tpu.vector_store %arg8[%swap3A, %swap3A_59], %swap3A_62 {strides = array<i32>} : memref<128x96xf32, #tpu.memory_space<vmem>>, vector<1x16xf32>,
      %swap3A_63 = arith.index_cast %scan3A_57 : i32 to index
      %swap3A_64 = arith.constant 16 : index
      %swap3A_65 = tpu.vector_load %arg8[%swap3A_63, %swap3A_64] {strides = array<i32>} : memref<128x96xf32, #tpu.memory_space<vmem>>, vector<1x16xf32>,
      %swap3A_66 = vector.shape_cast %swap3A_65 : vector<1x16xf32> to vector<16xf32>
      %swap3A_67 = vector.shape_cast %broadcast_in_dim3A_0 : vector<16xf32> to vector<1x16xf32>
      tpu.vector_store %arg8[%swap3A_63, %swap3A_64], %swap3A_67 {strides = array<i32>} : memref<128x96xf32, #tpu.memory_space<vmem>>, vector<1x16xf32>,
      %swap3A_68 = arith.index_cast %scan3A_57 : i32 to index
      %swap3A_69 = arith.constant 32 : index
      %swap3A_70 = tpu.vector_load %arg8[%swap3A_68, %swap3A_69] {strides = array<i32>} : memref<128x96xf32, #tpu.memory_space<vmem>>, vector<1x16xf32>,
      %swap3A_71 = vector.shape_cast %swap3A_70 : vector<1x16xf32> to vector<16xf32>
      %swap3A_72 = vector.shape_cast %broadcast_in_dim3A_0 : vector<16xf32> to vector<1x16xf32>
      tpu.vector_store %arg8[%swap3A_68, %swap3A_69], %swap3A_72 {strides = array<i32>} : memref<128x96xf32, #tpu.memory_space<vmem>>, vector<1x16xf32>,
      %swap3A_73 = arith.index_cast %scan3A_57 : i32 to index
      %swap3A_74 = arith.constant 48 : index
      %swap3A_75 = tpu.vector_load %arg8[%swap3A_73, %swap3A_74] {strides = array<i32>} : memref<128x96xf32, #tpu.memory_space<vmem>>, vector<1x16xf32>,
      %swap3A_76 = vector.shape_cast %swap3A_75 : vector<1x16xf32> to vector<16xf32>
      %swap3A_77 = vector.shape_cast %broadcast_in_dim3A_0 : vector<16xf32> to vector<1x16xf32>
      tpu.vector_store %arg8[%swap3A_73, %swap3A_74], %swap3A_77 {strides = array<i32>} : memref<128x96xf32, #tpu.memory_space<vmem>>, vector<1x16xf32>,
      %swap3A_78 = arith.index_cast %scan3A_57 : i32 to index
      %swap3A_79 = arith.constant 64 : index
      %swap3A_80 = tpu.vector_load %arg8[%swap3A_78, %swap3A_79] {strides = array<i32>} : memref<128x96xf32, #tpu.memory_space<vmem>>, vector<1x16xf32>,
      %swap3A_81 = vector.shape_cast %swap3A_80 : vector<1x16xf32> to vector<16xf32>
      %swap3A_82 = vector.shape_cast %broadcast_in_dim3A_0 : vector<16xf32> to vector<1x16xf32>
      tpu.vector_store %arg8[%swap3A_78, %swap3A_79], %swap3A_82 {strides = array<i32>} : memref<128x96xf32, #tpu.memory_space<vmem>>, vector<1x16xf32>,
      %swap3A_83 = arith.index_cast %scan3A_57 : i32 to index
      %swap3A_84 = arith.constant 80 : index
      %swap3A_85 = tpu.vector_load %arg8[%swap3A_83, %swap3A_84] {strides = array<i32>} : memref<128x96xf32, #tpu.memory_space<vmem>>, vector<1x16xf32>,
      %swap3A_86 = vector.shape_cast %swap3A_85 : vector<1x16xf32> to vector<16xf32>
      %swap3A_87 = vector.shape_cast %broadcast_in_dim3A_0 : vector<16xf32> to vector<1x16xf32>
      tpu.vector_store %arg8[%swap3A_83, %swap3A_84], %swap3A_87 {strides = array<i32>} : memref<128x96xf32, #tpu.memory_space<vmem>>, vector<1x16xf32>,
      %scan3A_88 = arith.constant 0 : i32
      scf.yield %scan3A_88 : i32
    }
    %scan3A_6 = arith.constant 128 : i32
    %mul3A = arith.constant 640 : i32
    %mul3A_7 = arith.muli %arg1, %mul3A : i32
    %add3A = arith.constant 0 : i32
    %add3A_8 = arith.addi %mul3A_7, %add3A : i32
    "tpu.region"() ({
      %run_scoped3A = tpu.sem_alloc : memref<!tpu.dma_semaphore, #tpu.memory_space<semaphore_mem>>
      %dma_start3A_57 = arith.constant 0 : i32
      %dma_start3A_58 = tpu.memref_slice %arg10[%add3A_8, %dma_start3A_57] : memref<10240x96xf32, #tpu.memory_space<vmem_shared>> -> memref<128x96xf32, #tpu.memory_space<vmem_shared>>
      %dma_start3A_59 = arith.constant 0 : i32
      %dma_start3A_60 = tpu.memref_slice %arg10[%add3A_8, %dma_start3A_59] : memref<10240x96xf32, #tpu.memory_space<vmem_shared>> -> memref<128x96xf32, #tpu.memory_space<vmem_shared>>
      tpu.enqueue_dma source(%arg8 : memref<128x96xf32, #tpu.memory_space<vmem>>) target(%dma_start3A_60 : memref<128x96xf32, #tpu.memory_space<vmem_shared>>) target_semaphore(%run_scoped3A : memref<!tpu.dma_semaphore, #tpu.memory_space<semaphore_mem>>)
      %dma_wait3A_61 = arith.constant 0 : i32
      %dma_wait3A_62 = tpu.memref_slice %arg10[%add3A_8, %dma_wait3A_61] : memref<10240x96xf32, #tpu.memory_space<vmem_shared>> -> memref<128x96xf32, #tpu.memory_space<vmem_shared>>
      %dma_wait3A_63 = arith.constant 0 : i32
      %dma_wait3A_64 = tpu.memref_slice %arg10[%add3A_8, %dma_wait3A_63] : memref<10240x96xf32, #tpu.memory_space<vmem_shared>> -> memref<128x96xf32, #tpu.memory_space<vmem_shared>>
      tpu.wait_dma2 semaphore(%run_scoped3A : memref<!tpu.dma_semaphore, #tpu.memory_space<semaphore_mem>>) src(%arg8 : memref<128x96xf32, #tpu.memory_space<vmem>>) dst(%dma_wait3A_64 : memref<128x96xf32, #tpu.memory_space<vmem_shared>>)
      tpu.yield
    }) : () -> ()
    %mul3A_9 = arith.constant 640 : i32
    %mul3A_10 = arith.muli %arg1, %mul3A_9 : i32
    %add3A_11 = arith.constant 128 : i32
    %add3A_12 = arith.addi %mul3A_10, %add3A_11 : i32
    "tpu.region"() ({
      %run_scoped3A = tpu.sem_alloc : memref<!tpu.dma_semaphore, #tpu.memory_space<semaphore_mem>>
      %dma_start3A_57 = arith.constant 0 : i32
      %dma_start3A_58 = tpu.memref_slice %arg10[%add3A_12, %dma_start3A_57] : memref<10240x96xf32, #tpu.memory_space<vmem_shared>> -> memref<128x96xf32, #tpu.memory_space<vmem_shared>>
      %dma_start3A_59 = arith.constant 0 : i32
      %dma_start3A_60 = tpu.memref_slice %arg10[%add3A_12, %dma_start3A_59] : memref<10240x96xf32, #tpu.memory_space<vmem_shared>> -> memref<128x96xf32, #tpu.memory_space<vmem_shared>>
      tpu.enqueue_dma source(%arg8 : memref<128x96xf32, #tpu.memory_space<vmem>>) target(%dma_start3A_60 : memref<128x96xf32, #tpu.memory_space<vmem_shared>>) target_semaphore(%run_scoped3A : memref<!tpu.dma_semaphore, #tpu.memory_space<semaphore_mem>>)
      %dma_wait3A_61 = arith.constant 0 : i32
      %dma_wait3A_62 = tpu.memref_slice %arg10[%add3A_12, %dma_wait3A_61] : memref<10240x96xf32, #tpu.memory_space<vmem_shared>> -> memref<128x96xf32, #tpu.memory_space<vmem_shared>>
      %dma_wait3A_63 = arith.constant 0 : i32
      %dma_wait3A_64 = tpu.memref_slice %arg10[%add3A_12, %dma_wait3A_63] : memref<10240x96xf32, #tpu.memory_space<vmem_shared>> -> memref<128x96xf32, #tpu.memory_space<vmem_shared>>
      tpu.wait_dma2 semaphore(%run_scoped3A : memref<!tpu.dma_semaphore, #tpu.memory_space<semaphore_mem>>) src(%arg8 : memref<128x96xf32, #tpu.memory_space<vmem>>) dst(%dma_wait3A_64 : memref<128x96xf32, #tpu.memory_space<vmem_shared>>)
      tpu.yield
    }) : () -> ()
    %mul3A_13 = arith.constant 640 : i32
    %mul3A_14 = arith.muli %arg1, %mul3A_13 : i32
    %add3A_15 = arith.constant 256 : i32
    %add3A_16 = arith.addi %mul3A_14, %add3A_15 : i32
    "tpu.region"() ({
      %run_scoped3A = tpu.sem_alloc : memref<!tpu.dma_semaphore, #tpu.memory_space<semaphore_mem>>
      %dma_start3A_57 = arith.constant 0 : i32
      %dma_start3A_58 = tpu.memref_slice %arg10[%add3A_16, %dma_start3A_57] : memref<10240x96xf32, #tpu.memory_space<vmem_shared>> -> memref<128x96xf32, #tpu.memory_space<vmem_shared>>
      %dma_start3A_59 = arith.constant 0 : i32
      %dma_start3A_60 = tpu.memref_slice %arg10[%add3A_16, %dma_start3A_59] : memref<10240x96xf32, #tpu.memory_space<vmem_shared>> -> memref<128x96xf32, #tpu.memory_space<vmem_shared>>
      tpu.enqueue_dma source(%arg8 : memref<128x96xf32, #tpu.memory_space<vmem>>) target(%dma_start3A_60 : memref<128x96xf32, #tpu.memory_space<vmem_shared>>) target_semaphore(%run_scoped3A : memref<!tpu.dma_semaphore, #tpu.memory_space<semaphore_mem>>)
      %dma_wait3A_61 = arith.constant 0 : i32
      %dma_wait3A_62 = tpu.memref_slice %arg10[%add3A_16, %dma_wait3A_61] : memref<10240x96xf32, #tpu.memory_space<vmem_shared>> -> memref<128x96xf32, #tpu.memory_space<vmem_shared>>
      %dma_wait3A_63 = arith.constant 0 : i32
      %dma_wait3A_64 = tpu.memref_slice %arg10[%add3A_16, %dma_wait3A_63] : memref<10240x96xf32, #tpu.memory_space<vmem_shared>> -> memref<128x96xf32, #tpu.memory_space<vmem_shared>>
      tpu.wait_dma2 semaphore(%run_scoped3A : memref<!tpu.dma_semaphore, #tpu.memory_space<semaphore_mem>>) src(%arg8 : memref<128x96xf32, #tpu.memory_space<vmem>>) dst(%dma_wait3A_64 : memref<128x96xf32, #tpu.memory_space<vmem_shared>>)
      tpu.yield
    }) : () -> ()
    %mul3A_17 = arith.constant 640 : i32
    %mul3A_18 = arith.muli %arg1, %mul3A_17 : i32
    %add3A_19 = arith.constant 384 : i32
    %add3A_20 = arith.addi %mul3A_18, %add3A_19 : i32
    "tpu.region"() ({
      %run_scoped3A = tpu.sem_alloc : memref<!tpu.dma_semaphore, #tpu.memory_space<semaphore_mem>>
      %dma_start3A_57 = arith.constant 0 : i32
      %dma_start3A_58 = tpu.memref_slice %arg10[%add3A_20, %dma_start3A_57] : memref<10240x96xf32, #tpu.memory_space<vmem_shared>> -> memref<128x96xf32, #tpu.memory_space<vmem_shared>>
      %dma_start3A_59 = arith.constant 0 : i32
      %dma_start3A_60 = tpu.memref_slice %arg10[%add3A_20, %dma_start3A_59] : memref<10240x96xf32, #tpu.memory_space<vmem_shared>> -> memref<128x96xf32, #tpu.memory_space<vmem_shared>>
      tpu.enqueue_dma source(%arg8 : memref<128x96xf32, #tpu.memory_space<vmem>>) target(%dma_start3A_60 : memref<128x96xf32, #tpu.memory_space<vmem_shared>>) target_semaphore(%run_scoped3A : memref<!tpu.dma_semaphore, #tpu.memory_space<semaphore_mem>>)
      %dma_wait3A_61 = arith.constant 0 : i32
      %dma_wait3A_62 = tpu.memref_slice %arg10[%add3A_20, %dma_wait3A_61] : memref<10240x96xf32, #tpu.memory_space<vmem_shared>> -> memref<128x96xf32, #tpu.memory_space<vmem_shared>>
      %dma_wait3A_63 = arith.constant 0 : i32
      %dma_wait3A_64 = tpu.memref_slice %arg10[%add3A_20, %dma_wait3A_63] : memref<10240x96xf32, #tpu.memory_space<vmem_shared>> -> memref<128x96xf32, #tpu.memory_space<vmem_shared>>
      tpu.wait_dma2 semaphore(%run_scoped3A : memref<!tpu.dma_semaphore, #tpu.memory_space<semaphore_mem>>) src(%arg8 : memref<128x96xf32, #tpu.memory_space<vmem>>) dst(%dma_wait3A_64 : memref<128x96xf32, #tpu.memory_space<vmem_shared>>)
      tpu.yield
    }) : () -> ()
    %mul3A_21 = arith.constant 640 : i32
    %mul3A_22 = arith.muli %arg1, %mul3A_21 : i32
    %add3A_23 = arith.constant 512 : i32
    %add3A_24 = arith.addi %mul3A_22, %add3A_23 : i32
    "tpu.region"() ({
      %run_scoped3A = tpu.sem_alloc : memref<!tpu.dma_semaphore, #tpu.memory_space<semaphore_mem>>
      %dma_start3A_57 = arith.constant 0 : i32
      %dma_start3A_58 = tpu.memref_slice %arg10[%add3A_24, %dma_start3A_57] : memref<10240x96xf32, #tpu.memory_space<vmem_shared>> -> memref<128x96xf32, #tpu.memory_space<vmem_shared>>
      %dma_start3A_59 = arith.constant 0 : i32
      %dma_start3A_60 = tpu.memref_slice %arg10[%add3A_24, %dma_start3A_59] : memref<10240x96xf32, #tpu.memory_space<vmem_shared>> -> memref<128x96xf32, #tpu.memory_space<vmem_shared>>
      tpu.enqueue_dma source(%arg8 : memref<128x96xf32, #tpu.memory_space<vmem>>) target(%dma_start3A_60 : memref<128x96xf32, #tpu.memory_space<vmem_shared>>) target_semaphore(%run_scoped3A : memref<!tpu.dma_semaphore, #tpu.memory_space<semaphore_mem>>)
      %dma_wait3A_61 = arith.constant 0 : i32
      %dma_wait3A_62 = tpu.memref_slice %arg10[%add3A_24, %dma_wait3A_61] : memref<10240x96xf32, #tpu.memory_space<vmem_shared>> -> memref<128x96xf32, #tpu.memory_space<vmem_shared>>
      %dma_wait3A_63 = arith.constant 0 : i32
      %dma_wait3A_64 = tpu.memref_slice %arg10[%add3A_24, %dma_wait3A_63] : memref<10240x96xf32, #tpu.memory_space<vmem_shared>> -> memref<128x96xf32, #tpu.memory_space<vmem_shared>>
      tpu.wait_dma2 semaphore(%run_scoped3A : memref<!tpu.dma_semaphore, #tpu.memory_space<semaphore_mem>>) src(%arg8 : memref<128x96xf32, #tpu.memory_space<vmem>>) dst(%dma_wait3A_64 : memref<128x96xf32, #tpu.memory_space<vmem_shared>>)
      tpu.yield
    }) : () -> ()
    %barrier3A = arith.constant 0 : index
    tpu.barrier barrier_id(%barrier3A)
    "tpu.region"() ({
      %run_scoped3A = tpu.sem_alloc : memref<!tpu.dma_semaphore, #tpu.memory_space<semaphore_mem>>
      %dma_start3A_57 = arith.constant 0 : i32
      %dma_start3A_58 = arith.constant 0 : i32
      %dma_start3A_59 = tpu.memref_slice %arg3[%arg1, %dma_start3A_57, %dma_start3A_58] : memref<16x158x128xi32, #tpu.memory_space<hbm>> -> memref<1x158x128xi32, #tpu.memory_space<hbm>>
      %dma_start3A_60 = tpu.memref_squeeze %dma_start3A_59 : memref<1x158x128xi32, #tpu.memory_space<hbm>> -> memref<158x128xi32, #tpu.memory_space<hbm>>
      %dma_start3A_61 = arith.constant 0 : i32
      %dma_start3A_62 = arith.constant 0 : i32
      %dma_start3A_63 = tpu.memref_slice %arg3[%arg1, %dma_start3A_61, %dma_start3A_62] : memref<16x158x128xi32, #tpu.memory_space<hbm>> -> memref<1x158x128xi32, #tpu.memory_space<hbm>>
      %dma_start3A_64 = tpu.memref_squeeze %dma_start3A_63 : memref<1x158x128xi32, #tpu.memory_space<hbm>> -> memref<158x128xi32, #tpu.memory_space<hbm>>
      tpu.enqueue_dma source(%dma_start3A_64 : memref<158x128xi32, #tpu.memory_space<hbm>>) target(%arg6 : memref<158x128xi32, #tpu.memory_space<vmem>>) target_semaphore(%run_scoped3A : memref<!tpu.dma_semaphore, #tpu.memory_space<semaphore_mem>>)
      %dma_wait3A_65 = arith.constant 0 : i32
      %dma_wait3A_66 = arith.constant 0 : i32
      %dma_wait3A_67 = tpu.memref_slice %arg3[%arg1, %dma_wait3A_65, %dma_wait3A_66] : memref<16x158x128xi32, #tpu.memory_space<hbm>> -> memref<1x158x128xi32, #tpu.memory_space<hbm>>
      %dma_wait3A_68 = tpu.memref_squeeze %dma_wait3A_67 : memref<1x158x128xi32, #tpu.memory_space<hbm>> -> memref<158x128xi32, #tpu.memory_space<hbm>>
      %dma_wait3A_69 = arith.constant 0 : i32
      %dma_wait3A_70 = arith.constant 0 : i32
      %dma_wait3A_71 = tpu.memref_slice %arg3[%arg1, %dma_wait3A_69, %dma_wait3A_70] : memref<16x158x128xi32, #tpu.memory_space<hbm>> -> memref<1x158x128xi32, #tpu.memory_space<hbm>>
      %dma_wait3A_72 = tpu.memref_squeeze %dma_wait3A_71 : memref<1x158x128xi32, #tpu.memory_space<hbm>> -> memref<158x128xi32, #tpu.memory_space<hbm>>
      tpu.wait_dma2 semaphore(%run_scoped3A : memref<!tpu.dma_semaphore, #tpu.memory_space<semaphore_mem>>) src(%dma_wait3A_72 : memref<158x128xi32, #tpu.memory_space<hbm>>) dst(%arg6 : memref<158x128xi32, #tpu.memory_space<vmem>>)
      tpu.yield
    }) : () -> ()
    "tpu.region"() ({
      %run_scoped3A = tpu.sem_alloc : memref<!tpu.dma_semaphore, #tpu.memory_space<semaphore_mem>>
      %dma_start3A_57 = arith.constant 0 : i32
      %dma_start3A_58 = arith.constant 0 : i32
      %dma_start3A_59 = tpu.memref_slice %arg4[%arg1, %dma_start3A_57, %dma_start3A_58] : memref<16x158x128xi32, #tpu.memory_space<hbm>> -> memref<1x158x128xi32, #tpu.memory_space<hbm>>
      %dma_start3A_60 = tpu.memref_squeeze %dma_start3A_59 : memref<1x158x128xi32, #tpu.memory_space<hbm>> -> memref<158x128xi32, #tpu.memory_space<hbm>>
      %dma_start3A_61 = arith.constant 0 : i32
      %dma_start3A_62 = arith.constant 0 : i32
      %dma_start3A_63 = tpu.memref_slice %arg4[%arg1, %dma_start3A_61, %dma_start3A_62] : memref<16x158x128xi32, #tpu.memory_space<hbm>> -> memref<1x158x128xi32, #tpu.memory_space<hbm>>
      %dma_start3A_64 = tpu.memref_squeeze %dma_start3A_63 : memref<1x158x128xi32, #tpu.memory_space<hbm>> -> memref<158x128xi32, #tpu.memory_space<hbm>>
      tpu.enqueue_dma source(%dma_start3A_64 : memref<158x128xi32, #tpu.memory_space<hbm>>) target(%arg7 : memref<158x128xi32, #tpu.memory_space<vmem>>) target_semaphore(%run_scoped3A : memref<!tpu.dma_semaphore, #tpu.memory_space<semaphore_mem>>)
      %dma_wait3A_65 = arith.constant 0 : i32
      %dma_wait3A_66 = arith.constant 0 : i32
      %dma_wait3A_67 = tpu.memref_slice %arg4[%arg1, %dma_wait3A_65, %dma_wait3A_66] : memref<16x158x128xi32, #tpu.memory_space<hbm>> -> memref<1x158x128xi32, #tpu.memory_space<hbm>>
      %dma_wait3A_68 = tpu.memref_squeeze %dma_wait3A_67 : memref<1x158x128xi32, #tpu.memory_space<hbm>> -> memref<158x128xi32, #tpu.memory_space<hbm>>
      %dma_wait3A_69 = arith.constant 0 : i32
      %dma_wait3A_70 = arith.constant 0 : i32
      %dma_wait3A_71 = tpu.memref_slice %arg4[%arg1, %dma_wait3A_69, %dma_wait3A_70] : memref<16x158x128xi32, #tpu.memory_space<hbm>> -> memref<1x158x128xi32, #tpu.memory_space<hbm>>
      %dma_wait3A_72 = tpu.memref_squeeze %dma_wait3A_71 : memref<1x158x128xi32, #tpu.memory_space<hbm>> -> memref<158x128xi32, #tpu.memory_space<hbm>>
      tpu.wait_dma2 semaphore(%run_scoped3A : memref<!tpu.dma_semaphore, #tpu.memory_space<semaphore_mem>>) src(%dma_wait3A_72 : memref<158x128xi32, #tpu.memory_space<hbm>>) dst(%arg7 : memref<158x128xi32, #tpu.memory_space<vmem>>)
      tpu.yield
    }) : () -> ()
    %dma_start3A = arith.constant 0 : i32
    %dma_start3A_25 = arith.constant 0 : i32
    %dma_start3A_26 = tpu.memref_slice %arg6[%dma_start3A, %dma_start3A_25] : memref<158x128xi32, #tpu.memory_space<vmem>> -> memref<1x128xi32, #tpu.memory_space<vmem>>
    %dma_start3A_27 = tpu.memref_squeeze %dma_start3A_26 : memref<1x128xi32, #tpu.memory_space<vmem>> -> memref<128xi32, #tpu.memory_space<vmem>>
    %dma_start3A_28 = arith.constant 0 : i32
    %dma_start3A_29 = arith.constant 0 : i32
    %dma_start3A_30 = tpu.memref_slice %arg2[%arg0, %dma_start3A_28, %dma_start3A_29] : memref<2x10000x96xf32, #tpu.memory_space<hbm>> -> memref<1x10000x96xf32, #tpu.memory_space<hbm>>
    %dma_start3A_31 = tpu.memref_squeeze %dma_start3A_30 : memref<1x10000x96xf32, #tpu.memory_space<hbm>> -> memref<10000x96xf32, #tpu.memory_space<hbm>>
    %dma_start3A_32 = arith.constant 0 : i32
    %dma_start3A_33 = arith.constant 0 : i32
    %dma_start3A_34 = tpu.memref_slice %dma_start3A_31[%dma_start3A_32, %dma_start3A_33] : memref<10000x96xf32, #tpu.memory_space<hbm>> -> memref<10000x96xf32, #tpu.memory_space<hbm>>
    tpu.enqueue_indirect_dma source(%dma_start3A_34 : memref<10000x96xf32, #tpu.memory_space<hbm>>) target(%arg8 : memref<128x96xf32, #tpu.memory_space<vmem>>) offsets(%dma_start3A_27 : memref<128xi32, #tpu.memory_space<vmem>>) semaphore(%arg11 : memref<!tpu.dma_semaphore, #tpu.memory_space<semaphore_mem>>)
    %scan3A_35 = arith.constant 0 : i32
    %scan3A_36 = arith.constant 0 : i32
    %scan3A_37 = arith.constant 79 : i32
    %scan3A_38 = arith.addi %scan3A_36, %scan3A_37 : i32
    %scan3A_39 = arith.constant 1 : i32
    %scan3A_40 = scf.for %scan3A_57 = %scan3A_36 to %scan3A_38 step %scan3A_39 iter_args(%scan3A_58 = %scan3A_35) -> (i32)  : i32 {
      %mul3A_59 = arith.constant 2 : i32
      %mul3A_60 = arith.muli %mul3A_59, %scan3A_57 : i32
      %add3A_61 = arith.constant 2 : i32
      %add3A_62 = arith.addi %mul3A_60, %add3A_61 : i32
      %sub3A = arith.constant 1 : i32
      %sub3A_63 = arith.subi %add3A_62, %sub3A : i32
      %min3A = arith.constant 157 : i32
      %min3A_64 = arith.minsi %sub3A_63, %min3A : i32
      %dma_start3A_65 = arith.constant 0 : i32
      %dma_start3A_66 = tpu.memref_slice %arg6[%min3A_64, %dma_start3A_65] : memref<158x128xi32, #tpu.memory_space<vmem>> -> memref<1x128xi32, #tpu.memory_space<vmem>>
      %dma_start3A_67 = tpu.memref_squeeze %dma_start3A_66 : memref<1x128xi32, #tpu.memory_space<vmem>> -> memref<128xi32, #tpu.memory_space<vmem>>
      %dma_start3A_68 = arith.constant 0 : i32
      %dma_start3A_69 = arith.constant 0 : i32
      %dma_start3A_70 = tpu.memref_slice %arg2[%arg0, %dma_start3A_68, %dma_start3A_69] : memref<2x10000x96xf32, #tpu.memory_space<hbm>> -> memref<1x10000x96xf32, #tpu.memory_space<hbm>>
      %dma_start3A_71 = tpu.memref_squeeze %dma_start3A_70 : memref<1x10000x96xf32, #tpu.memory_space<hbm>> -> memref<10000x96xf32, #tpu.memory_space<hbm>>
      %dma_start3A_72 = arith.constant 0 : i32
      %dma_start3A_73 = arith.constant 0 : i32
      %dma_start3A_74 = tpu.memref_slice %dma_start3A_71[%dma_start3A_72, %dma_start3A_73] : memref<10000x96xf32, #tpu.memory_space<hbm>> -> memref<10000x96xf32, #tpu.memory_space<hbm>>
      tpu.enqueue_indirect_dma source(%dma_start3A_74 : memref<10000x96xf32, #tpu.memory_space<hbm>>) target(%arg9 : memref<128x96xf32, #tpu.memory_space<vmem>>) offsets(%dma_start3A_67 : memref<128xi32, #tpu.memory_space<vmem>>) semaphore(%arg12 : memref<!tpu.dma_semaphore, #tpu.memory_space<semaphore_mem>>)
      %add3A_75 = arith.constant 0 : i32
      %add3A_76 = arith.addi %mul3A_60, %add3A_75 : i32
      %dma_wait3A_77 = arith.constant 0 : i32
      %dma_wait3A_78 = tpu.memref_slice %arg6[%add3A_76, %dma_wait3A_77] : memref<158x128xi32, #tpu.memory_space<vmem>> -> memref<1x128xi32, #tpu.memory_space<vmem>>
      %dma_wait3A_79 = tpu.memref_squeeze %dma_wait3A_78 : memref<1x128xi32, #tpu.memory_space<vmem>> -> memref<128xi32, #tpu.memory_space<vmem>>
      %dma_wait3A_80 = arith.constant 0 : i32
      %dma_wait3A_81 = arith.constant 0 : i32
      %dma_wait3A_82 = tpu.memref_slice %arg2[%arg0, %dma_wait3A_80, %dma_wait3A_81] : memref<2x10000x96xf32, #tpu.memory_space<hbm>> -> memref<1x10000x96xf32, #tpu.memory_space<hbm>>
      %dma_wait3A_83 = tpu.memref_squeeze %dma_wait3A_82 : memref<1x10000x96xf32, #tpu.memory_space<hbm>> -> memref<10000x96xf32, #tpu.memory_space<hbm>>
      %dma_wait3A_84 = arith.constant 0 : i32
      %dma_wait3A_85 = arith.constant 0 : i32
      %dma_wait3A_86 = tpu.memref_slice %dma_wait3A_83[%dma_wait3A_84, %dma_wait3A_85] : memref<10000x96xf32, #tpu.memory_space<hbm>> -> memref<10000x96xf32, #tpu.memory_space<hbm>>
      tpu.wait_indirect_dma semaphore(%arg11 : memref<!tpu.dma_semaphore, #tpu.memory_space<semaphore_mem>>) src(%dma_wait3A_86 : memref<10000x96xf32, #tpu.memory_space<hbm>>) dst(%arg8 : memref<128x96xf32, #tpu.memory_space<vmem>>)
      "tpu.region"() ({
        %run_scoped3A = tpu.sem_alloc : memref<!tpu.dma_semaphore, #tpu.memory_space<semaphore_mem>>
        %dma_start3A_114 = arith.constant 0 : i32
        %dma_start3A_115 = tpu.memref_slice %arg7[%add3A_76, %dma_start3A_114] : memref<158x128xi32, #tpu.memory_space<vmem>> -> memref<1x128xi32, #tpu.memory_space<vmem>>
        %dma_start3A_116 = tpu.memref_squeeze %dma_start3A_115 : memref<1x128xi32, #tpu.memory_space<vmem>> -> memref<128xi32, #tpu.memory_space<vmem>>
        %dma_start3A_117 = arith.constant 0 : i32
        %dma_start3A_118 = arith.constant 0 : i32
        %dma_start3A_119 = tpu.memref_slice %arg10[%dma_start3A_117, %dma_start3A_118] : memref<10240x96xf32, #tpu.memory_space<vmem_shared>> -> memref<10240x96xf32, #tpu.memory_space<vmem_shared>>
        tpu.enqueue_indirect_dma source(%arg8 : memref<128x96xf32, #tpu.memory_space<vmem>>) target(%dma_start3A_119 : memref<10240x96xf32, #tpu.memory_space<vmem_shared>>) offsets(%dma_start3A_116 : memref<128xi32, #tpu.memory_space<vmem>>) semaphore(%run_scoped3A : memref<!tpu.dma_semaphore, #tpu.memory_space<semaphore_mem>>) {add = true}
        %dma_wait3A_120 = arith.constant 0 : i32
        %dma_wait3A_121 = tpu.memref_slice %arg7[%add3A_76, %dma_wait3A_120] : memref<158x128xi32, #tpu.memory_space<vmem>> -> memref<1x128xi32, #tpu.memory_space<vmem>>
        %dma_wait3A_122 = tpu.memref_squeeze %dma_wait3A_121 : memref<1x128xi32, #tpu.memory_space<vmem>> -> memref<128xi32, #tpu.memory_space<vmem>>
        %dma_wait3A_123 = arith.constant 0 : i32
        %dma_wait3A_124 = arith.constant 0 : i32
        %dma_wait3A_125 = tpu.memref_slice %arg10[%dma_wait3A_123, %dma_wait3A_124] : memref<10240x96xf32, #tpu.memory_space<vmem_shared>> -> memref<10240x96xf32, #tpu.memory_space<vmem_shared>>
        tpu.wait_indirect_dma semaphore(%run_scoped3A : memref<!tpu.dma_semaphore, #tpu.memory_space<semaphore_mem>>) src(%arg8 : memref<128x96xf32, #tpu.memory_space<vmem>>) dst(%dma_wait3A_125 : memref<10240x96xf32, #tpu.memory_space<vmem_shared>>)
        tpu.yield
      }) : () -> ()
      %add3A_87 = arith.constant 2 : i32
      %add3A_88 = arith.addi %add3A_76, %add3A_87 : i32
      %min3A_89 = arith.constant 157 : i32
      %min3A_90 = arith.minsi %add3A_88, %min3A_89 : i32
      %dma_start3A_91 = arith.constant 0 : i32
      %dma_start3A_92 = tpu.memref_slice %arg6[%min3A_90, %dma_start3A_91] : memref<158x128xi32, #tpu.memory_space<vmem>> -> memref<1x128xi32, #tpu.memory_space<vmem>>
      %dma_start3A_93 = tpu.memref_squeeze %dma_start3A_92 : memref<1x128xi32, #tpu.memory_space<vmem>> -> memref<128xi32, #tpu.memory_space<vmem>>
      %dma_start3A_94 = arith.constant 0 : i32
      %dma_start3A_95 = arith.constant 0 : i32
      %dma_start3A_96 = tpu.memref_slice %arg2[%arg0, %dma_start3A_94, %dma_start3A_95] : memref<2x10000x96xf32, #tpu.memory_space<hbm>> -> memref<1x10000x96xf32, #tpu.memory_space<hbm>>
      %dma_start3A_97 = tpu.memref_squeeze %dma_start3A_96 : memref<1x10000x96xf32, #tpu.memory_space<hbm>> -> memref<10000x96xf32, #tpu.memory_space<hbm>>
      %dma_start3A_98 = arith.constant 0 : i32
      %dma_start3A_99 = arith.constant 0 : i32
      %dma_start3A_100 = tpu.memref_slice %dma_start3A_97[%dma_start3A_98, %dma_start3A_99] : memref<10000x96xf32, #tpu.memory_space<hbm>> -> memref<10000x96xf32, #tpu.memory_space<hbm>>
      tpu.enqueue_indirect_dma source(%dma_start3A_100 : memref<10000x96xf32, #tpu.memory_space<hbm>>) target(%arg8 : memref<128x96xf32, #tpu.memory_space<vmem>>) offsets(%dma_start3A_93 : memref<128xi32, #tpu.memory_space<vmem>>) semaphore(%arg11 : memref<!tpu.dma_semaphore, #tpu.memory_space<semaphore_mem>>)
      %add3A_101 = arith.constant 1 : i32
      %add3A_102 = arith.addi %mul3A_60, %add3A_101 : i32
      %dma_wait3A_103 = arith.constant 0 : i32
      %dma_wait3A_104 = tpu.memref_slice %arg6[%add3A_102, %dma_wait3A_103] : memref<158x128xi32, #tpu.memory_space<vmem>> -> memref<1x128xi32, #tpu.memory_space<vmem>>
      %dma_wait3A_105 = tpu.memref_squeeze %dma_wait3A_104 : memref<1x128xi32, #tpu.memory_space<vmem>> -> memref<128xi32, #tpu.memory_space<vmem>>
      %dma_wait3A_106 = arith.constant 0 : i32
      %dma_wait3A_107 = arith.constant 0 : i32
      %dma_wait3A_108 = tpu.memref_slice %arg2[%arg0, %dma_wait3A_106, %dma_wait3A_107] : memref<2x10000x96xf32, #tpu.memory_space<hbm>> -> memref<1x10000x96xf32, #tpu.memory_space<hbm>>
      %dma_wait3A_109 = tpu.memref_squeeze %dma_wait3A_108 : memref<1x10000x96xf32, #tpu.memory_space<hbm>> -> memref<10000x96xf32, #tpu.memory_space<hbm>>
      %dma_wait3A_110 = arith.constant 0 : i32
      %dma_wait3A_111 = arith.constant 0 : i32
      %dma_wait3A_112 = tpu.memref_slice %dma_wait3A_109[%dma_wait3A_110, %dma_wait3A_111] : memref<10000x96xf32, #tpu.memory_space<hbm>> -> memref<10000x96xf32, #tpu.memory_space<hbm>>
      tpu.wait_indirect_dma semaphore(%arg12 : memref<!tpu.dma_semaphore, #tpu.memory_space<semaphore_mem>>) src(%dma_wait3A_112 : memref<10000x96xf32, #tpu.memory_space<hbm>>) dst(%arg9 : memref<128x96xf32, #tpu.memory_space<vmem>>)
      "tpu.region"() ({
        %run_scoped3A = tpu.sem_alloc : memref<!tpu.dma_semaphore, #tpu.memory_space<semaphore_mem>>
        %dma_start3A_114 = arith.constant 0 : i32
        %dma_start3A_115 = tpu.memref_slice %arg7[%add3A_102, %dma_start3A_114] : memref<158x128xi32, #tpu.memory_space<vmem>> -> memref<1x128xi32, #tpu.memory_space<vmem>>
        %dma_start3A_116 = tpu.memref_squeeze %dma_start3A_115 : memref<1x128xi32, #tpu.memory_space<vmem>> -> memref<128xi32, #tpu.memory_space<vmem>>
        %dma_start3A_117 = arith.constant 0 : i32
        %dma_start3A_118 = arith.constant 0 : i32
        %dma_start3A_119 = tpu.memref_slice %arg10[%dma_start3A_117, %dma_start3A_118] : memref<10240x96xf32, #tpu.memory_space<vmem_shared>> -> memref<10240x96xf32, #tpu.memory_space<vmem_shared>>
        tpu.enqueue_indirect_dma source(%arg9 : memref<128x96xf32, #tpu.memory_space<vmem>>) target(%dma_start3A_119 : memref<10240x96xf32, #tpu.memory_space<vmem_shared>>) offsets(%dma_start3A_116 : memref<128xi32, #tpu.memory_space<vmem>>) semaphore(%run_scoped3A : memref<!tpu.dma_semaphore, #tpu.memory_space<semaphore_mem>>) {add = true}
        %dma_wait3A_120 = arith.constant 0 : i32
        %dma_wait3A_121 = tpu.memref_slice %arg7[%add3A_102, %dma_wait3A_120] : memref<158x128xi32, #tpu.memory_space<vmem>> -> memref<1x128xi32, #tpu.memory_space<vmem>>
        %dma_wait3A_122 = tpu.memref_squeeze %dma_wait3A_121 : memref<1x128xi32, #tpu.memory_space<vmem>> -> memref<128xi32, #tpu.memory_space<vmem>>
        %dma_wait3A_123 = arith.constant 0 : i32
        %dma_wait3A_124 = arith.constant 0 : i32
        %dma_wait3A_125 = tpu.memref_slice %arg10[%dma_wait3A_123, %dma_wait3A_124] : memref<10240x96xf32, #tpu.memory_space<vmem_shared>> -> memref<10240x96xf32, #tpu.memory_space<vmem_shared>>
        tpu.wait_indirect_dma semaphore(%run_scoped3A : memref<!tpu.dma_semaphore, #tpu.memory_space<semaphore_mem>>) src(%arg9 : memref<128x96xf32, #tpu.memory_space<vmem>>) dst(%dma_wait3A_125 : memref<10240x96xf32, #tpu.memory_space<vmem_shared>>)
        tpu.yield
      }) : () -> ()
      %scan3A_113 = arith.constant 0 : i32
      scf.yield %scan3A_113 : i32
    }
    %scan3A_41 = arith.constant 79 : i32
    %dma_wait3A = arith.constant 0 : i32
    %dma_wait3A_42 = arith.constant 0 : i32
    %dma_wait3A_43 = tpu.memref_slice %arg6[%dma_wait3A, %dma_wait3A_42] : memref<158x128xi32, #tpu.memory_space<vmem>> -> memref<1x128xi32, #tpu.memory_space<vmem>>
    %dma_wait3A_44 = tpu.memref_squeeze %dma_wait3A_43 : memref<1x128xi32, #tpu.memory_space<vmem>> -> memref<128xi32, #tpu.memory_space<vmem>>
    %dma_wait3A_45 = arith.constant 0 : i32
    %dma_wait3A_46 = arith.constant 0 : i32
    %dma_wait3A_47 = tpu.memref_slice %arg2[%arg0, %dma_wait3A_45, %dma_wait3A_46] : memref<2x10000x96xf32, #tpu.memory_space<hbm>> -> memref<1x10000x96xf32, #tpu.memory_space<hbm>>
    %dma_wait3A_48 = tpu.memref_squeeze %dma_wait3A_47 : memref<1x10000x96xf32, #tpu.memory_space<hbm>> -> memref<10000x96xf32, #tpu.memory_space<hbm>>
    %dma_wait3A_49 = arith.constant 0 : i32
    %dma_wait3A_50 = arith.constant 0 : i32
    %dma_wait3A_51 = tpu.memref_slice %dma_wait3A_48[%dma_wait3A_49, %dma_wait3A_50] : memref<10000x96xf32, #tpu.memory_space<hbm>> -> memref<10000x96xf32, #tpu.memory_space<hbm>>
    tpu.wait_indirect_dma semaphore(%arg11 : memref<!tpu.dma_semaphore, #tpu.memory_space<semaphore_mem>>) src(%dma_wait3A_51 : memref<10000x96xf32, #tpu.memory_space<hbm>>) dst(%arg8 : memref<128x96xf32, #tpu.memory_space<vmem>>)
    %barrier3A_52 = arith.constant 0 : index
    tpu.barrier barrier_id(%barrier3A_52)
    %mul3A_53 = arith.constant 640 : i32
    %mul3A_54 = arith.muli %arg1, %mul3A_53 : i32
    %mul3A_55 = arith.constant 640 : i32
    %mul3A_56 = arith.muli %arg1, %mul3A_55 : i32
    "tpu.region"() ({
      %run_scoped3A = tpu.sem_alloc : memref<!tpu.dma_semaphore, #tpu.memory_space<semaphore_mem>>
      %dma_start3A_57 = arith.constant 0 : i32
      %dma_start3A_58 = tpu.memref_slice %arg5[%arg0, %mul3A_56, %dma_start3A_57] : memref<2x10240x96xf32, #tpu.memory_space<hbm>> -> memref<1x640x96xf32, #tpu.memory_space<hbm>>
      %dma_start3A_59 = tpu.memref_squeeze %dma_start3A_58 : memref<1x640x96xf32, #tpu.memory_space<hbm>> -> memref<640x96xf32, #tpu.memory_space<hbm>>
      %dma_start3A_60 = arith.constant 0 : i32
      %dma_start3A_61 = tpu.memref_slice %arg10[%mul3A_54, %dma_start3A_60] : memref<10240x96xf32, #tpu.memory_space<vmem_shared>> -> memref<640x96xf32, #tpu.memory_space<vmem_shared>>
      tpu.enqueue_dma source(%dma_start3A_61 : memref<640x96xf32, #tpu.memory_space<vmem_shared>>) target(%dma_start3A_59 : memref<640x96xf32, #tpu.memory_space<hbm>>) target_semaphore(%run_scoped3A : memref<!tpu.dma_semaphore, #tpu.memory_space<semaphore_mem>>)
      %dma_wait3A_62 = arith.constant 0 : i32
      %dma_wait3A_63 = tpu.memref_slice %arg5[%arg0, %mul3A_56, %dma_wait3A_62] : memref<2x10240x96xf32, #tpu.memory_space<hbm>> -> memref<1x640x96xf32, #tpu.memory_space<hbm>>
      %dma_wait3A_64 = tpu.memref_squeeze %dma_wait3A_63 : memref<1x640x96xf32, #tpu.memory_space<hbm>> -> memref<640x96xf32, #tpu.memory_space<hbm>>
      %dma_wait3A_65 = arith.constant 0 : i32
      %dma_wait3A_66 = tpu.memref_slice %arg10[%mul3A_54, %dma_wait3A_65] : memref<10240x96xf32, #tpu.memory_space<vmem_shared>> -> memref<640x96xf32, #tpu.memory_space<vmem_shared>>
      tpu.wait_dma2 semaphore(%run_scoped3A : memref<!tpu.dma_semaphore, #tpu.memory_space<semaphore_mem>>) src(%dma_wait3A_66 : memref<640x96xf32, #tpu.memory_space<vmem_shared>>) dst(%dma_wait3A_64 : memref<640x96xf32, #tpu.memory_space<hbm>>)
      tpu.yield
    }) : () -> ()
    return
  }
}

module attributes {stable_mosaic.version = 14 : i64} {
  func.func @_stage_a_body(%arg0: i32, %arg1: memref<1000x128xf32, #tpu.memory_space<vmem>>, %arg2: memref<128x128xf32, #tpu.memory_space<vmem>>, %arg3: memref<128x64xf32, #tpu.memory_space<vmem>>, %arg4: memref<1x1000x16xf32, #tpu.memory_space<vmem>>, %arg5: memref<1x1000x16xf32, #tpu.memory_space<vmem>>, %arg6: memref<2x1000x96xf32, #tpu.memory_space<vmem>>, %arg7: memref<1000x1xf32, #tpu.memory_space<vmem>>) attributes {dimension_semantics = [#tpu.dimension_semantics<arbitrary>], iteration_bounds = array<i64: 10>, scalar_prefetch = 0 : i64, scratch_operands = 0 : i64, tpu.core_type = #tpu.core_type<tc>, window_params = [{transform_indices = @transform_0, window_bounds = array<i64: 1000, 128>}, {pipeline_mode = #tpu.pipeline_mode<synchronous>, transform_indices = @transform_1, window_bounds = array<i64: 128, 128>}, {pipeline_mode = #tpu.pipeline_mode<synchronous>, transform_indices = @transform_2, window_bounds = array<i64: 128, 64>}, {transform_indices = @transform_3, window_bounds = array<i64: 1, 1000, 16>}, {transform_indices = @transform_4, window_bounds = array<i64: 1, 1000, 16>}, {transform_indices = @transform_5, window_bounds = array<i64: 2, 1000, 96>}, {transform_indices = @transform_6, window_bounds = array<i64: 1000, 1>}]} {
    %get3A = arith.constant 0 : index
    %get3A_0 = arith.constant 0 : index
    %get3A_1 = arith.constant 0 : index
    %get3A_2 = vector.load %arg4[%get3A, %get3A_0, %get3A_1] : memref<1x1000x16xf32, #tpu.memory_space<vmem>>, vector<1x1000x1xf32>
    %get3A_3 = vector.shape_cast %get3A_2 : vector<1x1000x1xf32> to vector<1000x1xf32>
    %add3A = arith.constant 1.000000e+00 : f32
    %add3A_4 = vector.broadcast %add3A : f32 to vector<1000x1xf32>
    %add3A_5 = arith.addf %add3A_4, %get3A_3 : vector<1000x1xf32>
    %get3A_6 = arith.constant 0 : index
    %get3A_7 = arith.constant 0 : index
    %get3A_8 = arith.constant 0 : index
    %get3A_9 = vector.load %arg5[%get3A_6, %get3A_7, %get3A_8] : memref<1x1000x16xf32, #tpu.memory_space<vmem>>, vector<1x1000x1xf32>
    %get3A_10 = vector.shape_cast %get3A_9 : vector<1x1000x1xf32> to vector<1000x1xf32>
    %add3A_11 = arith.addf %add3A_5, %get3A_10 : vector<1000x1xf32>
    %rsqrt3A = math.rsqrt %add3A_11 : vector<1000x1xf32>
    %swap3A = arith.constant 0 : index
    %swap3A_12 = arith.constant 0 : index
    %swap3A_13 = vector.load %arg7[%swap3A, %swap3A_12] : memref<1000x1xf32, #tpu.memory_space<vmem>>, vector<1000x1xf32>
    tpu.vector_store %arg7[%swap3A, %swap3A_12], %rsqrt3A {strides = array<i32>} : memref<1000x1xf32, #tpu.memory_space<vmem>>, vector<1000x1xf32>,
    %get3A_14 = arith.constant 0 : index
    %get3A_15 = arith.constant 0 : index
    %get3A_16 = vector.load %arg1[%get3A_14, %get3A_15] : memref<1000x128xf32, #tpu.memory_space<vmem>>, vector<1000x128xf32>
    %get3A_17 = arith.constant 0 : index
    %get3A_18 = arith.constant 0 : index
    %get3A_19 = vector.load %arg2[%get3A_17, %get3A_18] : memref<128x128xf32, #tpu.memory_space<vmem>>, vector<128x128xf32>
    %dot_general3A = arith.constant dense<0.000000e+00> : vector<1000x128xf32>
    %dot_general3A_20 = tpu.matmul %get3A_16, %get3A_19, %dot_general3A {dimension_numbers = #tpu.dot_dimension_numbers<[1], [0], [0], [1], [0, 0, 1, 1], [], []>, transpose_lhs_hint = false} : vector<1000x128xf32>, vector<128x128xf32>, vector<1000x128xf32> -> vector<1000x128xf32>
    %mul3A = vector.broadcast %rsqrt3A : vector<1000x1xf32> to vector<1000x128xf32>
    %mul3A_21 = arith.mulf %mul3A, %dot_general3A_20 : vector<1000x128xf32>
    %get3A_22 = arith.constant 0 : index
    %get3A_23 = arith.constant 0 : index
    %get3A_24 = vector.load %arg3[%get3A_22, %get3A_23] : memref<128x64xf32, #tpu.memory_space<vmem>>, vector<128x64xf32>
    %dot_general3A_25 = arith.constant dense<0.000000e+00> : vector<1000x64xf32>
    %dot_general3A_26 = tpu.matmul %get3A_16, %get3A_24, %dot_general3A_25 {dimension_numbers = #tpu.dot_dimension_numbers<[1], [0], [0], [1], [0, 0, 1, 1], [], []>, transpose_lhs_hint = false} : vector<1000x128xf32>, vector<128x64xf32>, vector<1000x64xf32> -> vector<1000x64xf32>
    %mul3A_27 = vector.broadcast %rsqrt3A : vector<1000x1xf32> to vector<1000x64xf32>
    %mul3A_28 = arith.mulf %mul3A_27, %dot_general3A_26 : vector<1000x64xf32>
    %concatenate3A = tpu.concatenate %mul3A_21, %mul3A_28 in 1 : vector<1000x128xf32>, vector<1000x64xf32> -> vector<1000x192xf32>
    %slice3A = vector.extract_strided_slice %concatenate3A {offsets = [0, 0], sizes = [1000, 96], strides = [1, 1]} : vector<1000x192xf32> to vector<1000x96xf32>
    %swap3A_29 = arith.constant 0 : index
    %swap3A_30 = arith.constant 0 : index
    %swap3A_31 = arith.constant 0 : index
    %swap3A_32 = vector.load %arg6[%swap3A_29, %swap3A_30, %swap3A_31] : memref<2x1000x96xf32, #tpu.memory_space<vmem>>, vector<1x1000x96xf32>
    %swap3A_33 = vector.shape_cast %swap3A_32 : vector<1x1000x96xf32> to vector<1000x96xf32>
    %swap3A_34 = vector.shape_cast %slice3A : vector<1000x96xf32> to vector<1x1000x96xf32>
    tpu.vector_store %arg6[%swap3A_29, %swap3A_30, %swap3A_31], %swap3A_34 {strides = array<i32>} : memref<2x1000x96xf32, #tpu.memory_space<vmem>>, vector<1x1000x96xf32>,
    %slice3A_35 = vector.extract_strided_slice %concatenate3A {offsets = [0, 96], sizes = [1000, 96], strides = [1, 1]} : vector<1000x192xf32> to vector<1000x96xf32>
    %swap3A_36 = arith.constant 1 : index
    %swap3A_37 = arith.constant 0 : index
    %swap3A_38 = arith.constant 0 : index
    %swap3A_39 = vector.load %arg6[%swap3A_36, %swap3A_37, %swap3A_38] : memref<2x1000x96xf32, #tpu.memory_space<vmem>>, vector<1x1000x96xf32>
    %swap3A_40 = vector.shape_cast %swap3A_39 : vector<1x1000x96xf32> to vector<1000x96xf32>
    %swap3A_41 = vector.shape_cast %slice3A_35 : vector<1000x96xf32> to vector<1x1000x96xf32>
    tpu.vector_store %arg6[%swap3A_36, %swap3A_37, %swap3A_38], %swap3A_41 {strides = array<i32>} : memref<2x1000x96xf32, #tpu.memory_space<vmem>>, vector<1x1000x96xf32>,
    return
  }
  func.func @transform_0(%arg0: i32) -> (i32, i32) {
    %c0_i32 = arith.constant 0 : i32
    %c0_i32_0 = arith.constant 0 : i32
    return %arg0, %c0_i32 : i32, i32
  }
  func.func @transform_1(%arg0: i32) -> (i32, i32) {
    %c0_i32 = arith.constant 0 : i32
    %c0_i32_0 = arith.constant 0 : i32
    %c0_i32_1 = arith.constant 0 : i32
    return %c0_i32, %c0_i32_0 : i32, i32
  }
  func.func @transform_2(%arg0: i32) -> (i32, i32) {
    %c0_i32 = arith.constant 0 : i32
    %c0_i32_0 = arith.constant 0 : i32
    %c0_i32_1 = arith.constant 0 : i32
    return %c0_i32, %c0_i32_0 : i32, i32
  }
  func.func @transform_3(%arg0: i32) -> (i32, i32, i32) {
    %c0_i32 = arith.constant 0 : i32
    %c0_i32_0 = arith.constant 0 : i32
    %c0_i32_1 = arith.constant 0 : i32
    return %c0_i32, %arg0, %c0_i32_0 : i32, i32, i32
  }
  func.func @transform_4(%arg0: i32) -> (i32, i32, i32) {
    %c1_i32 = arith.constant 1 : i32
    %c0_i32 = arith.constant 0 : i32
    %c0_i32_0 = arith.constant 0 : i32
    return %c1_i32, %arg0, %c0_i32 : i32, i32, i32
  }
  func.func @transform_5(%arg0: i32) -> (i32, i32, i32) {
    %c0_i32 = arith.constant 0 : i32
    %c0_i32_0 = arith.constant 0 : i32
    %c0_i32_1 = arith.constant 0 : i32
    return %c0_i32, %arg0, %c0_i32_0 : i32, i32, i32
  }
  func.func @transform_6(%arg0: i32) -> (i32, i32) {
    %c0_i32 = arith.constant 0 : i32
    %c0_i32_0 = arith.constant 0 : i32
    return %arg0, %c0_i32 : i32, i32
  }
}

module attributes {stable_mosaic.version = 14 : i64} {
  func.func @_stage_bc_body(%arg0: i32, %arg1: memref<1x1000x96xf32, #tpu.memory_space<vmem>>, %arg2: memref<1x1000x96xf32, #tpu.memory_space<vmem>>, %arg3: memref<1x1000x96xf32, #tpu.memory_space<vmem>>, %arg4: memref<1x1000x96xf32, #tpu.memory_space<vmem>>, %arg5: memref<1000x1xf32, #tpu.memory_space<vmem>>, %arg6: memref<1x128xf32, #tpu.memory_space<vmem>>, %arg7: memref<1x64xf32, #tpu.memory_space<vmem>>, %arg8: memref<128x128xf32, #tpu.memory_space<vmem>>, %arg9: memref<64x32xf32, #tpu.memory_space<vmem>>, %arg10: memref<2x1000x80xf32, #tpu.memory_space<vmem>>) attributes {dimension_semantics = [#tpu.dimension_semantics<arbitrary>], iteration_bounds = array<i64: 10>, scalar_prefetch = 0 : i64, scratch_operands = 0 : i64, tpu.core_type = #tpu.core_type<tc>, window_params = [{transform_indices = @transform_0, window_bounds = array<i64: 1, 1000, 96>}, {transform_indices = @transform_1, window_bounds = array<i64: 1, 1000, 96>}, {transform_indices = @transform_2, window_bounds = array<i64: 1, 1000, 96>}, {transform_indices = @transform_3, window_bounds = array<i64: 1, 1000, 96>}, {transform_indices = @transform_4, window_bounds = array<i64: 1000, 1>}, {pipeline_mode = #tpu.pipeline_mode<synchronous>, transform_indices = @transform_5, window_bounds = array<i64: 1, 128>}, {pipeline_mode = #tpu.pipeline_mode<synchronous>, transform_indices = @transform_6, window_bounds = array<i64: 1, 64>}, {pipeline_mode = #tpu.pipeline_mode<synchronous>, transform_indices = @transform_7, window_bounds = array<i64: 128, 128>}, {pipeline_mode = #tpu.pipeline_mode<synchronous>, transform_indices = @transform_8, window_bounds = array<i64: 64, 32>}, {transform_indices = @transform_9, window_bounds = array<i64: 2, 1000, 80>}]} {
    %get3A = arith.constant 0 : index
    %get3A_0 = arith.constant 0 : index
    %get3A_1 = arith.constant 0 : index
    %get3A_2 = vector.load %arg1[%get3A, %get3A_0, %get3A_1] : memref<1x1000x96xf32, #tpu.memory_space<vmem>>, vector<1x1000x96xf32>
    %get3A_3 = vector.shape_cast %get3A_2 : vector<1x1000x96xf32> to vector<1000x96xf32>
    %get3A_4 = arith.constant 0 : index
    %get3A_5 = arith.constant 0 : index
    %get3A_6 = arith.constant 0 : index
    %get3A_7 = vector.load %arg3[%get3A_4, %get3A_5, %get3A_6] : memref<1x1000x96xf32, #tpu.memory_space<vmem>>, vector<1x1000x96xf32>
    %get3A_8 = vector.shape_cast %get3A_7 : vector<1x1000x96xf32> to vector<1000x96xf32>
    %add3A = arith.addf %get3A_3, %get3A_8 : vector<1000x96xf32>
    %get3A_9 = arith.constant 0 : index
    %get3A_10 = arith.constant 0 : index
    %get3A_11 = arith.constant 0 : index
    %get3A_12 = vector.load %arg2[%get3A_9, %get3A_10, %get3A_11] : memref<1x1000x96xf32, #tpu.memory_space<vmem>>, vector<1x1000x96xf32>
    %get3A_13 = vector.shape_cast %get3A_12 : vector<1x1000x96xf32> to vector<1000x96xf32>
    %get3A_14 = arith.constant 0 : index
    %get3A_15 = arith.constant 0 : index
    %get3A_16 = arith.constant 0 : index
    %get3A_17 = vector.load %arg4[%get3A_14, %get3A_15, %get3A_16] : memref<1x1000x96xf32, #tpu.memory_space<vmem>>, vector<1x1000x96xf32>
    %get3A_18 = vector.shape_cast %get3A_17 : vector<1x1000x96xf32> to vector<1000x96xf32>
    %add3A_19 = arith.addf %get3A_13, %get3A_18 : vector<1000x96xf32>
    %concatenate3A = tpu.concatenate %add3A, %add3A_19 in 1 : vector<1000x96xf32>, vector<1000x96xf32> -> vector<1000x192xf32>
    %get3A_20 = arith.constant 0 : index
    %get3A_21 = arith.constant 0 : index
    %get3A_22 = vector.load %arg5[%get3A_20, %get3A_21] : memref<1000x1xf32, #tpu.memory_space<vmem>>, vector<1000x1xf32>
    %slice3A = vector.extract_strided_slice %concatenate3A {offsets = [0, 0], sizes = [1000, 128], strides = [1, 1]} : vector<1000x192xf32> to vector<1000x128xf32>
    %mul3A = vector.broadcast %get3A_22 : vector<1000x1xf32> to vector<1000x128xf32>
    %mul3A_23 = arith.mulf %mul3A, %slice3A : vector<1000x128xf32>
    %get3A_24 = arith.constant 0 : index
    %get3A_25 = arith.constant 0 : index
    %get3A_26 = vector.load %arg6[%get3A_24, %get3A_25] : memref<1x128xf32, #tpu.memory_space<vmem>>, vector<1x128xf32>
    %add3A_27 = vector.broadcast %get3A_26 : vector<1x128xf32> to vector<1000x128xf32>
    %add3A_28 = arith.addf %mul3A_23, %add3A_27 : vector<1000x128xf32>
    %max3A = arith.constant 0.000000e+00 : f32
    %max3A_29 = vector.broadcast %max3A : f32 to vector<1000x128xf32>
    %max3A_30 = arith.maximumf %add3A_28, %max3A_29 : vector<1000x128xf32>
    %slice3A_31 = vector.extract_strided_slice %concatenate3A {offsets = [0, 128], sizes = [1000, 64], strides = [1, 1]} : vector<1000x192xf32> to vector<1000x64xf32>
    %mul3A_32 = vector.broadcast %get3A_22 : vector<1000x1xf32> to vector<1000x64xf32>
    %mul3A_33 = arith.mulf %mul3A_32, %slice3A_31 : vector<1000x64xf32>
    %get3A_34 = arith.constant 0 : index
    %get3A_35 = arith.constant 0 : index
    %get3A_36 = vector.load %arg7[%get3A_34, %get3A_35] : memref<1x64xf32, #tpu.memory_space<vmem>>, vector<1x64xf32>
    %add3A_37 = vector.broadcast %get3A_36 : vector<1x64xf32> to vector<1000x64xf32>
    %add3A_38 = arith.addf %mul3A_33, %add3A_37 : vector<1000x64xf32>
    %max3A_39 = arith.constant 0.000000e+00 : f32
    %max3A_40 = vector.broadcast %max3A_39 : f32 to vector<1000x64xf32>
    %max3A_41 = arith.maximumf %add3A_38, %max3A_40 : vector<1000x64xf32>
    %get3A_42 = arith.constant 0 : index
    %get3A_43 = arith.constant 0 : index
    %get3A_44 = vector.load %arg8[%get3A_42, %get3A_43] : memref<128x128xf32, #tpu.memory_space<vmem>>, vector<128x128xf32>
    %dot_general3A = arith.constant dense<0.000000e+00> : vector<1000x128xf32>
    %dot_general3A_45 = tpu.matmul %max3A_30, %get3A_44, %dot_general3A {dimension_numbers = #tpu.dot_dimension_numbers<[1], [0], [0], [1], [0, 0, 1, 1], [], []>, transpose_lhs_hint = false} : vector<1000x128xf32>, vector<128x128xf32>, vector<1000x128xf32> -> vector<1000x128xf32>
    %mul3A_46 = vector.broadcast %get3A_22 : vector<1000x1xf32> to vector<1000x128xf32>
    %mul3A_47 = arith.mulf %mul3A_46, %dot_general3A_45 : vector<1000x128xf32>
    %get3A_48 = arith.constant 0 : index
    %get3A_49 = arith.constant 0 : index
    %get3A_50 = vector.load %arg9[%get3A_48, %get3A_49] : memref<64x32xf32, #tpu.memory_space<vmem>>, vector<64x32xf32>
    %dot_general3A_51 = arith.constant dense<0.000000e+00> : vector<1000x32xf32>
    %dot_general3A_52 = tpu.matmul %max3A_41, %get3A_50, %dot_general3A_51 {dimension_numbers = #tpu.dot_dimension_numbers<[1], [0], [0], [1], [0, 0, 1, 1], [], []>, transpose_lhs_hint = false} : vector<1000x64xf32>, vector<64x32xf32>, vector<1000x32xf32> -> vector<1000x32xf32>
    %mul3A_53 = vector.broadcast %get3A_22 : vector<1000x1xf32> to vector<1000x32xf32>
    %mul3A_54 = arith.mulf %mul3A_53, %dot_general3A_52 : vector<1000x32xf32>
    %concatenate3A_55 = tpu.concatenate %mul3A_47, %mul3A_54 in 1 : vector<1000x128xf32>, vector<1000x32xf32> -> vector<1000x160xf32>
    %slice3A_56 = vector.extract_strided_slice %concatenate3A_55 {offsets = [0, 0], sizes = [1000, 80], strides = [1, 1]} : vector<1000x160xf32> to vector<1000x80xf32>
    %swap3A = arith.constant 0 : index
    %swap3A_57 = arith.constant 0 : index
    %swap3A_58 = arith.constant 0 : index
    %swap3A_59 = vector.load %arg10[%swap3A, %swap3A_57, %swap3A_58] : memref<2x1000x80xf32, #tpu.memory_space<vmem>>, vector<1x1000x80xf32>
    %swap3A_60 = vector.shape_cast %swap3A_59 : vector<1x1000x80xf32> to vector<1000x80xf32>
    %swap3A_61 = vector.shape_cast %slice3A_56 : vector<1000x80xf32> to vector<1x1000x80xf32>
    tpu.vector_store %arg10[%swap3A, %swap3A_57, %swap3A_58], %swap3A_61 {strides = array<i32>} : memref<2x1000x80xf32, #tpu.memory_space<vmem>>, vector<1x1000x80xf32>,
    %slice3A_62 = vector.extract_strided_slice %concatenate3A_55 {offsets = [0, 80], sizes = [1000, 80], strides = [1, 1]} : vector<1000x160xf32> to vector<1000x80xf32>
    %swap3A_63 = arith.constant 1 : index
    %swap3A_64 = arith.constant 0 : index
    %swap3A_65 = arith.constant 0 : index
    %swap3A_66 = vector.load %arg10[%swap3A_63, %swap3A_64, %swap3A_65] : memref<2x1000x80xf32, #tpu.memory_space<vmem>>, vector<1x1000x80xf32>
    %swap3A_67 = vector.shape_cast %swap3A_66 : vector<1x1000x80xf32> to vector<1000x80xf32>
    %swap3A_68 = vector.shape_cast %slice3A_62 : vector<1000x80xf32> to vector<1x1000x80xf32>
    tpu.vector_store %arg10[%swap3A_63, %swap3A_64, %swap3A_65], %swap3A_68 {strides = array<i32>} : memref<2x1000x80xf32, #tpu.memory_space<vmem>>, vector<1x1000x80xf32>,
    return
  }
  func.func @transform_0(%arg0: i32) -> (i32, i32, i32) {
    %c0_i32 = arith.constant 0 : i32
    %c0_i32_0 = arith.constant 0 : i32
    %c0_i32_1 = arith.constant 0 : i32
    return %c0_i32, %arg0, %c0_i32_0 : i32, i32, i32
  }
  func.func @transform_1(%arg0: i32) -> (i32, i32, i32) {
    %c1_i32 = arith.constant 1 : i32
    %c0_i32 = arith.constant 0 : i32
    %c0_i32_0 = arith.constant 0 : i32
    return %c1_i32, %arg0, %c0_i32 : i32, i32, i32
  }
  func.func @transform_2(%arg0: i32) -> (i32, i32, i32) {
    %c0_i32 = arith.constant 0 : i32
    %c0_i32_0 = arith.constant 0 : i32
    %c0_i32_1 = arith.constant 0 : i32
    return %c0_i32, %arg0, %c0_i32_0 : i32, i32, i32
  }
  func.func @transform_3(%arg0: i32) -> (i32, i32, i32) {
    %c1_i32 = arith.constant 1 : i32
    %c0_i32 = arith.constant 0 : i32
    %c0_i32_0 = arith.constant 0 : i32
    return %c1_i32, %arg0, %c0_i32 : i32, i32, i32
  }
  func.func @transform_4(%arg0: i32) -> (i32, i32) {
    %c0_i32 = arith.constant 0 : i32
    %c0_i32_0 = arith.constant 0 : i32
    return %arg0, %c0_i32 : i32, i32
  }
  func.func @transform_5(%arg0: i32) -> (i32, i32) {
    %c0_i32 = arith.constant 0 : i32
    %c0_i32_0 = arith.constant 0 : i32
    %c0_i32_1 = arith.constant 0 : i32
    return %c0_i32, %c0_i32_0 : i32, i32
  }
  func.func @transform_6(%arg0: i32) -> (i32, i32) {
    %c0_i32 = arith.constant 0 : i32
    %c0_i32_0 = arith.constant 0 : i32
    %c0_i32_1 = arith.constant 0 : i32
    return %c0_i32, %c0_i32_0 : i32, i32
  }
  func.func @transform_7(%arg0: i32) -> (i32, i32) {
    %c0_i32 = arith.constant 0 : i32
    %c0_i32_0 = arith.constant 0 : i32
    %c0_i32_1 = arith.constant 0 : i32
    return %c0_i32, %c0_i32_0 : i32, i32
  }
  func.func @transform_8(%arg0: i32) -> (i32, i32) {
    %c0_i32 = arith.constant 0 : i32
    %c0_i32_0 = arith.constant 0 : i32
    %c0_i32_1 = arith.constant 0 : i32
    return %c0_i32, %c0_i32_0 : i32, i32
  }
  func.func @transform_9(%arg0: i32) -> (i32, i32, i32) {
    %c0_i32 = arith.constant 0 : i32
    %c0_i32_0 = arith.constant 0 : i32
    %c0_i32_1 = arith.constant 0 : i32
    return %c0_i32, %arg0, %c0_i32_0 : i32, i32, i32
  }
}

module attributes {stable_mosaic.version = 14 : i64} {
  func.func @_stage_bc_body(%arg0: i32, %arg1: memref<1x1000x80xf32, #tpu.memory_space<vmem>>, %arg2: memref<1x1000x80xf32, #tpu.memory_space<vmem>>, %arg3: memref<1x1000x80xf32, #tpu.memory_space<vmem>>, %arg4: memref<1x1000x80xf32, #tpu.memory_space<vmem>>, %arg5: memref<1000x1xf32, #tpu.memory_space<vmem>>, %arg6: memref<1x128xf32, #tpu.memory_space<vmem>>, %arg7: memref<1x32xf32, #tpu.memory_space<vmem>>, %arg8: memref<128x128xf32, #tpu.memory_space<vmem>>, %arg9: memref<32x32xf32, #tpu.memory_space<vmem>>, %arg10: memref<2x1000x80xf32, #tpu.memory_space<vmem>>) attributes {dimension_semantics = [#tpu.dimension_semantics<arbitrary>], iteration_bounds = array<i64: 10>, scalar_prefetch = 0 : i64, scratch_operands = 0 : i64, tpu.core_type = #tpu.core_type<tc>, window_params = [{transform_indices = @transform_0, window_bounds = array<i64: 1, 1000, 80>}, {transform_indices = @transform_1, window_bounds = array<i64: 1, 1000, 80>}, {transform_indices = @transform_2, window_bounds = array<i64: 1, 1000, 80>}, {transform_indices = @transform_3, window_bounds = array<i64: 1, 1000, 80>}, {transform_indices = @transform_4, window_bounds = array<i64: 1000, 1>}, {pipeline_mode = #tpu.pipeline_mode<synchronous>, transform_indices = @transform_5, window_bounds = array<i64: 1, 128>}, {pipeline_mode = #tpu.pipeline_mode<synchronous>, transform_indices = @transform_6, window_bounds = array<i64: 1, 32>}, {pipeline_mode = #tpu.pipeline_mode<synchronous>, transform_indices = @transform_7, window_bounds = array<i64: 128, 128>}, {pipeline_mode = #tpu.pipeline_mode<synchronous>, transform_indices = @transform_8, window_bounds = array<i64: 32, 32>}, {transform_indices = @transform_9, window_bounds = array<i64: 2, 1000, 80>}]} {
    %get3A = arith.constant 0 : index
    %get3A_0 = arith.constant 0 : index
    %get3A_1 = arith.constant 0 : index
    %get3A_2 = vector.load %arg1[%get3A, %get3A_0, %get3A_1] : memref<1x1000x80xf32, #tpu.memory_space<vmem>>, vector<1x1000x80xf32>
    %get3A_3 = vector.shape_cast %get3A_2 : vector<1x1000x80xf32> to vector<1000x80xf32>
    %get3A_4 = arith.constant 0 : index
    %get3A_5 = arith.constant 0 : index
    %get3A_6 = arith.constant 0 : index
    %get3A_7 = vector.load %arg3[%get3A_4, %get3A_5, %get3A_6] : memref<1x1000x80xf32, #tpu.memory_space<vmem>>, vector<1x1000x80xf32>
    %get3A_8 = vector.shape_cast %get3A_7 : vector<1x1000x80xf32> to vector<1000x80xf32>
    %add3A = arith.addf %get3A_3, %get3A_8 : vector<1000x80xf32>
    %get3A_9 = arith.constant 0 : index
    %get3A_10 = arith.constant 0 : index
    %get3A_11 = arith.constant 0 : index
    %get3A_12 = vector.load %arg2[%get3A_9, %get3A_10, %get3A_11] : memref<1x1000x80xf32, #tpu.memory_space<vmem>>, vector<1x1000x80xf32>
    %get3A_13 = vector.shape_cast %get3A_12 : vector<1x1000x80xf32> to vector<1000x80xf32>
    %get3A_14 = arith.constant 0 : index
    %get3A_15 = arith.constant 0 : index
    %get3A_16 = arith.constant 0 : index
    %get3A_17 = vector.load %arg4[%get3A_14, %get3A_15, %get3A_16] : memref<1x1000x80xf32, #tpu.memory_space<vmem>>, vector<1x1000x80xf32>
    %get3A_18 = vector.shape_cast %get3A_17 : vector<1x1000x80xf32> to vector<1000x80xf32>
    %add3A_19 = arith.addf %get3A_13, %get3A_18 : vector<1000x80xf32>
    %concatenate3A = tpu.concatenate %add3A, %add3A_19 in 1 : vector<1000x80xf32>, vector<1000x80xf32> -> vector<1000x160xf32>
    %get3A_20 = arith.constant 0 : index
    %get3A_21 = arith.constant 0 : index
    %get3A_22 = vector.load %arg5[%get3A_20, %get3A_21] : memref<1000x1xf32, #tpu.memory_space<vmem>>, vector<1000x1xf32>
    %slice3A = vector.extract_strided_slice %concatenate3A {offsets = [0, 0], sizes = [1000, 128], strides = [1, 1]} : vector<1000x160xf32> to vector<1000x128xf32>
    %mul3A = vector.broadcast %get3A_22 : vector<1000x1xf32> to vector<1000x128xf32>
    %mul3A_23 = arith.mulf %mul3A, %slice3A : vector<1000x128xf32>
    %get3A_24 = arith.constant 0 : index
    %get3A_25 = arith.constant 0 : index
    %get3A_26 = vector.load %arg6[%get3A_24, %get3A_25] : memref<1x128xf32, #tpu.memory_space<vmem>>, vector<1x128xf32>
    %add3A_27 = vector.broadcast %get3A_26 : vector<1x128xf32> to vector<1000x128xf32>
    %add3A_28 = arith.addf %mul3A_23, %add3A_27 : vector<1000x128xf32>
    %max3A = arith.constant 0.000000e+00 : f32
    %max3A_29 = vector.broadcast %max3A : f32 to vector<1000x128xf32>
    %max3A_30 = arith.maximumf %add3A_28, %max3A_29 : vector<1000x128xf32>
    %slice3A_31 = vector.extract_strided_slice %concatenate3A {offsets = [0, 128], sizes = [1000, 32], strides = [1, 1]} : vector<1000x160xf32> to vector<1000x32xf32>
    %mul3A_32 = vector.broadcast %get3A_22 : vector<1000x1xf32> to vector<1000x32xf32>
    %mul3A_33 = arith.mulf %mul3A_32, %slice3A_31 : vector<1000x32xf32>
    %get3A_34 = arith.constant 0 : index
    %get3A_35 = arith.constant 0 : index
    %get3A_36 = vector.load %arg7[%get3A_34, %get3A_35] : memref<1x32xf32, #tpu.memory_space<vmem>>, vector<1x32xf32>
    %add3A_37 = vector.broadcast %get3A_36 : vector<1x32xf32> to vector<1000x32xf32>
    %add3A_38 = arith.addf %mul3A_33, %add3A_37 : vector<1000x32xf32>
    %max3A_39 = arith.constant 0.000000e+00 : f32
    %max3A_40 = vector.broadcast %max3A_39 : f32 to vector<1000x32xf32>
    %max3A_41 = arith.maximumf %add3A_38, %max3A_40 : vector<1000x32xf32>
    %get3A_42 = arith.constant 0 : index
    %get3A_43 = arith.constant 0 : index
    %get3A_44 = vector.load %arg8[%get3A_42, %get3A_43] : memref<128x128xf32, #tpu.memory_space<vmem>>, vector<128x128xf32>
    %dot_general3A = arith.constant dense<0.000000e+00> : vector<1000x128xf32>
    %dot_general3A_45 = tpu.matmul %max3A_30, %get3A_44, %dot_general3A {dimension_numbers = #tpu.dot_dimension_numbers<[1], [0], [0], [1], [0, 0, 1, 1], [], []>, transpose_lhs_hint = false} : vector<1000x128xf32>, vector<128x128xf32>, vector<1000x128xf32> -> vector<1000x128xf32>
    %mul3A_46 = vector.broadcast %get3A_22 : vector<1000x1xf32> to vector<1000x128xf32>
    %mul3A_47 = arith.mulf %mul3A_46, %dot_general3A_45 : vector<1000x128xf32>
    %get3A_48 = arith.constant 0 : index
    %get3A_49 = arith.constant 0 : index
    %get3A_50 = vector.load %arg9[%get3A_48, %get3A_49] : memref<32x32xf32, #tpu.memory_space<vmem>>, vector<32x32xf32>
    %dot_general3A_51 = arith.constant dense<0.000000e+00> : vector<1000x32xf32>
    %dot_general3A_52 = tpu.matmul %max3A_41, %get3A_50, %dot_general3A_51 {dimension_numbers = #tpu.dot_dimension_numbers<[1], [0], [0], [1], [0, 0, 1, 1], [], []>, transpose_lhs_hint = false} : vector<1000x32xf32>, vector<32x32xf32>, vector<1000x32xf32> -> vector<1000x32xf32>
    %mul3A_53 = vector.broadcast %get3A_22 : vector<1000x1xf32> to vector<1000x32xf32>
    %mul3A_54 = arith.mulf %mul3A_53, %dot_general3A_52 : vector<1000x32xf32>
    %concatenate3A_55 = tpu.concatenate %mul3A_47, %mul3A_54 in 1 : vector<1000x128xf32>, vector<1000x32xf32> -> vector<1000x160xf32>
    %slice3A_56 = vector.extract_strided_slice %concatenate3A_55 {offsets = [0, 0], sizes = [1000, 80], strides = [1, 1]} : vector<1000x160xf32> to vector<1000x80xf32>
    %swap3A = arith.constant 0 : index
    %swap3A_57 = arith.constant 0 : index
    %swap3A_58 = arith.constant 0 : index
    %swap3A_59 = vector.load %arg10[%swap3A, %swap3A_57, %swap3A_58] : memref<2x1000x80xf32, #tpu.memory_space<vmem>>, vector<1x1000x80xf32>
    %swap3A_60 = vector.shape_cast %swap3A_59 : vector<1x1000x80xf32> to vector<1000x80xf32>
    %swap3A_61 = vector.shape_cast %slice3A_56 : vector<1000x80xf32> to vector<1x1000x80xf32>
    tpu.vector_store %arg10[%swap3A, %swap3A_57, %swap3A_58], %swap3A_61 {strides = array<i32>} : memref<2x1000x80xf32, #tpu.memory_space<vmem>>, vector<1x1000x80xf32>,
    %slice3A_62 = vector.extract_strided_slice %concatenate3A_55 {offsets = [0, 80], sizes = [1000, 80], strides = [1, 1]} : vector<1000x160xf32> to vector<1000x80xf32>
    %swap3A_63 = arith.constant 1 : index
    %swap3A_64 = arith.constant 0 : index
    %swap3A_65 = arith.constant 0 : index
    %swap3A_66 = vector.load %arg10[%swap3A_63, %swap3A_64, %swap3A_65] : memref<2x1000x80xf32, #tpu.memory_space<vmem>>, vector<1x1000x80xf32>
    %swap3A_67 = vector.shape_cast %swap3A_66 : vector<1x1000x80xf32> to vector<1000x80xf32>
    %swap3A_68 = vector.shape_cast %slice3A_62 : vector<1000x80xf32> to vector<1x1000x80xf32>
    tpu.vector_store %arg10[%swap3A_63, %swap3A_64, %swap3A_65], %swap3A_68 {strides = array<i32>} : memref<2x1000x80xf32, #tpu.memory_space<vmem>>, vector<1x1000x80xf32>,
    return
  }
  func.func @transform_0(%arg0: i32) -> (i32, i32, i32) {
    %c0_i32 = arith.constant 0 : i32
    %c0_i32_0 = arith.constant 0 : i32
    %c0_i32_1 = arith.constant 0 : i32
    return %c0_i32, %arg0, %c0_i32_0 : i32, i32, i32
  }
  func.func @transform_1(%arg0: i32) -> (i32, i32, i32) {
    %c1_i32 = arith.constant 1 : i32
    %c0_i32 = arith.constant 0 : i32
    %c0_i32_0 = arith.constant 0 : i32
    return %c1_i32, %arg0, %c0_i32 : i32, i32, i32
  }
  func.func @transform_2(%arg0: i32) -> (i32, i32, i32) {
    %c0_i32 = arith.constant 0 : i32
    %c0_i32_0 = arith.constant 0 : i32
    %c0_i32_1 = arith.constant 0 : i32
    return %c0_i32, %arg0, %c0_i32_0 : i32, i32, i32
  }
  func.func @transform_3(%arg0: i32) -> (i32, i32, i32) {
    %c1_i32 = arith.constant 1 : i32
    %c0_i32 = arith.constant 0 : i32
    %c0_i32_0 = arith.constant 0 : i32
    return %c1_i32, %arg0, %c0_i32 : i32, i32, i32
  }
  func.func @transform_4(%arg0: i32) -> (i32, i32) {
    %c0_i32 = arith.constant 0 : i32
    %c0_i32_0 = arith.constant 0 : i32
    return %arg0, %c0_i32 : i32, i32
  }
  func.func @transform_5(%arg0: i32) -> (i32, i32) {
    %c0_i32 = arith.constant 0 : i32
    %c0_i32_0 = arith.constant 0 : i32
    %c0_i32_1 = arith.constant 0 : i32
    return %c0_i32, %c0_i32_0 : i32, i32
  }
  func.func @transform_6(%arg0: i32) -> (i32, i32) {
    %c0_i32 = arith.constant 0 : i32
    %c0_i32_0 = arith.constant 0 : i32
    %c0_i32_1 = arith.constant 0 : i32
    return %c0_i32, %c0_i32_0 : i32, i32
  }
  func.func @transform_7(%arg0: i32) -> (i32, i32) {
    %c0_i32 = arith.constant 0 : i32
    %c0_i32_0 = arith.constant 0 : i32
    %c0_i32_1 = arith.constant 0 : i32
    return %c0_i32, %c0_i32_0 : i32, i32
  }
  func.func @transform_8(%arg0: i32) -> (i32, i32) {
    %c0_i32 = arith.constant 0 : i32
    %c0_i32_0 = arith.constant 0 : i32
    %c0_i32_1 = arith.constant 0 : i32
    return %c0_i32, %c0_i32_0 : i32, i32
  }
  func.func @transform_9(%arg0: i32) -> (i32, i32, i32) {
    %c0_i32 = arith.constant 0 : i32
    %c0_i32_0 = arith.constant 0 : i32
    %c0_i32_1 = arith.constant 0 : i32
    return %c0_i32, %arg0, %c0_i32_0 : i32, i32, i32
  }
}

module attributes {stable_mosaic.version = 14 : i64} {
  func.func @_stage_d1_body(%arg0: i32, %arg1: memref<1x1000x80xf32, #tpu.memory_space<vmem>>, %arg2: memref<1x1000x80xf32, #tpu.memory_space<vmem>>, %arg3: memref<1x1000x80xf32, #tpu.memory_space<vmem>>, %arg4: memref<1x1000x80xf32, #tpu.memory_space<vmem>>, %arg5: memref<1000x1xf32, #tpu.memory_space<vmem>>, %arg6: memref<1x128xf32, #tpu.memory_space<vmem>>, %arg7: memref<1x1xf32, #tpu.memory_space<vmem>>, %arg8: memref<1000x128xf32, #tpu.memory_space<vmem>>, %arg9: memref<1000x1xf32, #tpu.memory_space<vmem>>) attributes {dimension_semantics = [#tpu.dimension_semantics<arbitrary>], iteration_bounds = array<i64: 10>, scalar_prefetch = 0 : i64, scratch_operands = 0 : i64, tpu.core_type = #tpu.core_type<tc>, window_params = [{transform_indices = @transform_0, window_bounds = array<i64: 1, 1000, 80>}, {transform_indices = @transform_1, window_bounds = array<i64: 1, 1000, 80>}, {transform_indices = @transform_2, window_bounds = array<i64: 1, 1000, 80>}, {transform_indices = @transform_3, window_bounds = array<i64: 1, 1000, 80>}, {transform_indices = @transform_4, window_bounds = array<i64: 1000, 1>}, {pipeline_mode = #tpu.pipeline_mode<synchronous>, transform_indices = @transform_5, window_bounds = array<i64: 1, 128>}, {pipeline_mode = #tpu.pipeline_mode<synchronous>, transform_indices = @transform_6, window_bounds = array<i64: 1, 1>}, {transform_indices = @transform_7, window_bounds = array<i64: 1000, 128>}, {transform_indices = @transform_8, window_bounds = array<i64: 1000, 1>}]} {
    %get3A = arith.constant 0 : index
    %get3A_0 = arith.constant 0 : index
    %get3A_1 = arith.constant 0 : index
    %get3A_2 = vector.load %arg1[%get3A, %get3A_0, %get3A_1] : memref<1x1000x80xf32, #tpu.memory_space<vmem>>, vector<1x1000x80xf32>
    %get3A_3 = vector.shape_cast %get3A_2 : vector<1x1000x80xf32> to vector<1000x80xf32>
    %get3A_4 = arith.constant 0 : index
    %get3A_5 = arith.constant 0 : index
    %get3A_6 = arith.constant 0 : index
    %get3A_7 = vector.load %arg3[%get3A_4, %get3A_5, %get3A_6] : memref<1x1000x80xf32, #tpu.memory_space<vmem>>, vector<1x1000x80xf32>
    %get3A_8 = vector.shape_cast %get3A_7 : vector<1x1000x80xf32> to vector<1000x80xf32>
    %add3A = arith.addf %get3A_3, %get3A_8 : vector<1000x80xf32>
    %get3A_9 = arith.constant 0 : index
    %get3A_10 = arith.constant 0 : index
    %get3A_11 = arith.constant 0 : index
    %get3A_12 = vector.load %arg2[%get3A_9, %get3A_10, %get3A_11] : memref<1x1000x80xf32, #tpu.memory_space<vmem>>, vector<1x1000x80xf32>
    %get3A_13 = vector.shape_cast %get3A_12 : vector<1x1000x80xf32> to vector<1000x80xf32>
    %get3A_14 = arith.constant 0 : index
    %get3A_15 = arith.constant 0 : index
    %get3A_16 = arith.constant 0 : index
    %get3A_17 = vector.load %arg4[%get3A_14, %get3A_15, %get3A_16] : memref<1x1000x80xf32, #tpu.memory_space<vmem>>, vector<1x1000x80xf32>
    %get3A_18 = vector.shape_cast %get3A_17 : vector<1x1000x80xf32> to vector<1000x80xf32>
    %add3A_19 = arith.addf %get3A_13, %get3A_18 : vector<1000x80xf32>
    %concatenate3A = tpu.concatenate %add3A, %add3A_19 in 1 : vector<1000x80xf32>, vector<1000x80xf32> -> vector<1000x160xf32>
    %get3A_20 = arith.constant 0 : index
    %get3A_21 = arith.constant 0 : index
    %get3A_22 = vector.load %arg5[%get3A_20, %get3A_21] : memref<1000x1xf32, #tpu.memory_space<vmem>>, vector<1000x1xf32>
    %slice3A = vector.extract_strided_slice %concatenate3A {offsets = [0, 0], sizes = [1000, 128], strides = [1, 1]} : vector<1000x160xf32> to vector<1000x128xf32>
    %mul3A = vector.broadcast %get3A_22 : vector<1000x1xf32> to vector<1000x128xf32>
    %mul3A_23 = arith.mulf %mul3A, %slice3A : vector<1000x128xf32>
    %get3A_24 = arith.constant 0 : index
    %get3A_25 = arith.constant 0 : index
    %get3A_26 = vector.load %arg6[%get3A_24, %get3A_25] : memref<1x128xf32, #tpu.memory_space<vmem>>, vector<1x128xf32>
    %add3A_27 = vector.broadcast %get3A_26 : vector<1x128xf32> to vector<1000x128xf32>
    %add3A_28 = arith.addf %mul3A_23, %add3A_27 : vector<1000x128xf32>
    %max3A = arith.constant 0.000000e+00 : f32
    %max3A_29 = vector.broadcast %max3A : f32 to vector<1000x128xf32>
    %max3A_30 = arith.maximumf %add3A_28, %max3A_29 : vector<1000x128xf32>
    %swap3A = arith.constant 0 : index
    %swap3A_31 = arith.constant 0 : index
    %swap3A_32 = vector.load %arg8[%swap3A, %swap3A_31] : memref<1000x128xf32, #tpu.memory_space<vmem>>, vector<1000x128xf32>
    tpu.vector_store %arg8[%swap3A, %swap3A_31], %max3A_30 {strides = array<i32>} : memref<1000x128xf32, #tpu.memory_space<vmem>>, vector<1000x128xf32>,
    %slice3A_33 = vector.extract_strided_slice %concatenate3A {offsets = [0, 128], sizes = [1000, 1], strides = [1, 1]} : vector<1000x160xf32> to vector<1000x1xf32>
    %mul3A_34 = arith.mulf %get3A_22, %slice3A_33 : vector<1000x1xf32>
    %get3A_35 = arith.constant 0 : index
    %get3A_36 = arith.constant 0 : index
    %get3A_37 = vector.load %arg7[%get3A_35, %get3A_36] : memref<1x1xf32, #tpu.memory_space<vmem>>, vector<1x1xf32>
    %add3A_38 = vector.broadcast %get3A_37 : vector<1x1xf32> to vector<1000x1xf32>
    %add3A_39 = arith.addf %mul3A_34, %add3A_38 : vector<1000x1xf32>
    %max3A_40 = arith.constant 0.000000e+00 : f32
    %max3A_41 = vector.broadcast %max3A_40 : f32 to vector<1000x1xf32>
    %max3A_42 = arith.maximumf %add3A_39, %max3A_41 : vector<1000x1xf32>
    %swap3A_43 = arith.constant 0 : index
    %swap3A_44 = arith.constant 0 : index
    %swap3A_45 = vector.load %arg9[%swap3A_43, %swap3A_44] : memref<1000x1xf32, #tpu.memory_space<vmem>>, vector<1000x1xf32>
    tpu.vector_store %arg9[%swap3A_43, %swap3A_44], %max3A_42 {strides = array<i32>} : memref<1000x1xf32, #tpu.memory_space<vmem>>, vector<1000x1xf32>,
    return
  }
  func.func @transform_0(%arg0: i32) -> (i32, i32, i32) {
    %c0_i32 = arith.constant 0 : i32
    %c0_i32_0 = arith.constant 0 : i32
    %c0_i32_1 = arith.constant 0 : i32
    return %c0_i32, %arg0, %c0_i32_0 : i32, i32, i32
  }
  func.func @transform_1(%arg0: i32) -> (i32, i32, i32) {
    %c1_i32 = arith.constant 1 : i32
    %c0_i32 = arith.constant 0 : i32
    %c0_i32_0 = arith.constant 0 : i32
    return %c1_i32, %arg0, %c0_i32 : i32, i32, i32
  }
  func.func @transform_2(%arg0: i32) -> (i32, i32, i32) {
    %c0_i32 = arith.constant 0 : i32
    %c0_i32_0 = arith.constant 0 : i32
    %c0_i32_1 = arith.constant 0 : i32
    return %c0_i32, %arg0, %c0_i32_0 : i32, i32, i32
  }
  func.func @transform_3(%arg0: i32) -> (i32, i32, i32) {
    %c1_i32 = arith.constant 1 : i32
    %c0_i32 = arith.constant 0 : i32
    %c0_i32_0 = arith.constant 0 : i32
    return %c1_i32, %arg0, %c0_i32 : i32, i32, i32
  }
  func.func @transform_4(%arg0: i32) -> (i32, i32) {
    %c0_i32 = arith.constant 0 : i32
    %c0_i32_0 = arith.constant 0 : i32
    return %arg0, %c0_i32 : i32, i32
  }
  func.func @transform_5(%arg0: i32) -> (i32, i32) {
    %c0_i32 = arith.constant 0 : i32
    %c0_i32_0 = arith.constant 0 : i32
    %c0_i32_1 = arith.constant 0 : i32
    return %c0_i32, %c0_i32_0 : i32, i32
  }
  func.func @transform_6(%arg0: i32) -> (i32, i32) {
    %c0_i32 = arith.constant 0 : i32
    %c0_i32_0 = arith.constant 0 : i32
    %c0_i32_1 = arith.constant 0 : i32
    return %c0_i32, %c0_i32_0 : i32, i32
  }
  func.func @transform_7(%arg0: i32) -> (i32, i32) {
    %c0_i32 = arith.constant 0 : i32
    %c0_i32_0 = arith.constant 0 : i32
    return %arg0, %c0_i32 : i32, i32
  }
  func.func @transform_8(%arg0: i32) -> (i32, i32) {
    %c0_i32 = arith.constant 0 : i32
    %c0_i32_0 = arith.constant 0 : i32
    return %arg0, %c0_i32 : i32, i32
  }
}

module attributes {stable_mosaic.version = 14 : i64} {
  func.func @_stage_d2_body(%arg0: memref<10000x128xf32, #tpu.memory_space<vmem>>, %arg1: memref<10000x1xf32, #tpu.memory_space<vmem>>, %arg2: memref<10000x1xi32, #tpu.memory_space<vmem>>, %arg3: memref<128x128xf32, #tpu.memory_space<vmem>>, %arg4: memref<1x128xf32, #tpu.memory_space<vmem>>, %arg5: memref<128x256xf32, #tpu.memory_space<vmem>>, %arg6: memref<1x256xf32, #tpu.memory_space<vmem>>, %arg7: memref<64x256xf32, #tpu.memory_space<vmem>>) attributes {dimension_semantics = [], scalar_prefetch = 0 : i64, scratch_operands = 0 : i64, tpu.core_type = #tpu.core_type<tc>} {
    %get3A = arith.constant 0 : index
    %get3A_0 = arith.constant 0 : index
    %get3A_1 = vector.load %arg2[%get3A, %get3A_0] : memref<10000x1xi32, #tpu.memory_space<vmem>>, vector<10000x1xi32>
    %iota3A = tpu.iota {dimensions = array<i32: 1>} : vector<10000x64xi32>
    %eq3A = vector.broadcast %get3A_1 : vector<10000x1xi32> to vector<10000x64xi32>
    %eq3A_2 = arith.cmpi eq, %iota3A, %eq3A : vector<10000x64xi32>
    %jit3A = arith.constant 1.000000e+00 : f32
    %jit3A_3 = arith.constant 0.000000e+00 : f32
    %broadcast_in_dim3A = vector.broadcast %jit3A : f32 to vector<10000x64xf32>
    %broadcast_in_dim3A_4 = vector.broadcast %jit3A_3 : f32 to vector<10000x64xf32>
    %select_n3A = arith.select %eq3A_2, %broadcast_in_dim3A, %broadcast_in_dim3A_4 : vector<10000x64xi1>, vector<10000x64xf32>
    %get3A_5 = arith.constant 0 : index
    %get3A_6 = arith.constant 0 : index
    %get3A_7 = vector.load %arg1[%get3A_5, %get3A_6] : memref<10000x1xf32, #tpu.memory_space<vmem>>, vector<10000x1xf32>
    %gt3A = arith.constant 5.000000e-01 : f32
    %gt3A_8 = vector.broadcast %gt3A : f32 to vector<10000x64xf32>
    %gt3A_9 = arith.cmpf ogt, %select_n3A, %gt3A_8 : vector<10000x64xf32>
    %jit3A_10 = arith.constant 0xFF800000 : f32
    %broadcast_in_dim3A_11 = vector.shape_cast %get3A_7 : vector<10000x1xf32> to vector<10000x1xf32>
    %broadcast_in_dim3A_12 = vector.broadcast %broadcast_in_dim3A_11 : vector<10000x1xf32> to vector<10000x64xf32>
    %broadcast_in_dim3A_13 = vector.broadcast %jit3A_10 : f32 to vector<10000x64xf32>
    %select_n3A_14 = arith.select %gt3A_9, %broadcast_in_dim3A_12, %broadcast_in_dim3A_13 : vector<10000x64xi1>, vector<10000x64xf32>
    %reduce_max3A = arith.constant dense<0xFF800000> : vector<64xf32>
    %reduce_max3A_15 = vector.multi_reduction <maximumf>, %select_n3A_14, %reduce_max3A [0] : vector<10000x64xf32> to vector<64xf32>
    %broadcast_in_dim3A_16 = vector.shape_cast %reduce_max3A_15 : vector<64xf32> to vector<1x64xf32>
    %is_finite3A = tpu.weird %broadcast_in_dim3A_16 : vector<1x64xf32> -> vector<1x64xi1>
    %is_finite3A_17 = arith.constant dense<true> : vector<1x64xi1>
    %is_finite3A_18 = arith.xori %is_finite3A, %is_finite3A_17 : vector<1x64xi1>
    %jit3A_19 = arith.constant 0.000000e+00 : f32
    %broadcast_in_dim3A_20 = vector.broadcast %jit3A_19 : f32 to vector<1x64xf32>
    %select_n3A_21 = arith.select %is_finite3A_18, %broadcast_in_dim3A_16, %broadcast_in_dim3A_20 : vector<1x64xi1>, vector<1x64xf32>
    %mul3A = vector.broadcast %select_n3A_21 : vector<1x64xf32> to vector<10000x64xf32>
    %mul3A_22 = arith.mulf %select_n3A, %mul3A : vector<10000x64xf32>
    %reduce_sum3A = arith.constant dense<0.000000e+00> : vector<10000xf32>
    %reduce_sum3A_23 = vector.multi_reduction <add>, %mul3A_22, %reduce_sum3A [1] : vector<10000x64xf32> to vector<10000xf32>
    %broadcast_in_dim3A_24 = vector.shape_cast %reduce_sum3A_23 : vector<10000xf32> to vector<10000x1xf32>
    %sub3A = arith.subf %get3A_7, %broadcast_in_dim3A_24 : vector<10000x1xf32>
    %exp3A = math.exp %sub3A : vector<10000x1xf32>
    %dot_general3A = arith.constant dense<0.000000e+00> : vector<1x64xf32>
    %dot_general3A_25 = tpu.matmul %exp3A, %select_n3A, %dot_general3A {dimension_numbers = #tpu.dot_dimension_numbers<[0], [0], [1], [1], [0, 1, 1, 1], [], []>, transpose_lhs_hint = false} : vector<10000x1xf32>, vector<10000x64xf32>, vector<1x64xf32> -> vector<1x64xf32>
    %mul3A_26 = vector.broadcast %dot_general3A_25 : vector<1x64xf32> to vector<10000x64xf32>
    %mul3A_27 = arith.mulf %select_n3A, %mul3A_26 : vector<10000x64xf32>
    %reduce_sum3A_28 = arith.constant dense<0.000000e+00> : vector<10000xf32>
    %reduce_sum3A_29 = vector.multi_reduction <add>, %mul3A_27, %reduce_sum3A_28 [1] : vector<10000x64xf32> to vector<10000xf32>
    %broadcast_in_dim3A_30 = vector.shape_cast %reduce_sum3A_29 : vector<10000xf32> to vector<10000x1xf32>
    %add3A = arith.constant 1.000000e-16 : f32
    %add3A_31 = vector.broadcast %add3A : f32 to vector<10000x1xf32>
    %add3A_32 = arith.addf %broadcast_in_dim3A_30, %add3A_31 : vector<10000x1xf32>
    %div3A = arith.divf %exp3A, %add3A_32 : vector<10000x1xf32>
    %mul3A_33 = vector.broadcast %div3A : vector<10000x1xf32> to vector<10000x64xf32>
    %mul3A_34 = arith.mulf %select_n3A, %mul3A_33 : vector<10000x64xf32>
    %get3A_35 = arith.constant 0 : index
    %get3A_36 = arith.constant 0 : index
    %get3A_37 = vector.load %arg0[%get3A_35, %get3A_36] : memref<10000x128xf32, #tpu.memory_space<vmem>>, vector<10000x128xf32>
    %dot_general3A_38 = arith.constant dense<0.000000e+00> : vector<64x128xf32>
    %dot_general3A_39 = tpu.matmul %mul3A_34, %get3A_37, %dot_general3A_38 {dimension_numbers = #tpu.dot_dimension_numbers<[0], [0], [1], [1], [0, 1, 1, 1], [], []>, transpose_lhs_hint = false} : vector<10000x64xf32>, vector<10000x128xf32>, vector<64x128xf32> -> vector<64x128xf32>
    %get3A_40 = arith.constant 0 : index
    %get3A_41 = arith.constant 0 : index
    %get3A_42 = vector.load %arg3[%get3A_40, %get3A_41] : memref<128x128xf32, #tpu.memory_space<vmem>>, vector<128x128xf32>
    %dot_general3A_43 = arith.constant dense<0.000000e+00> : vector<64x128xf32>
    %dot_general3A_44 = tpu.matmul %dot_general3A_39, %get3A_42, %dot_general3A_43 {dimension_numbers = #tpu.dot_dimension_numbers<[1], [0], [0], [1], [0, 0, 1, 1], [], []>, transpose_lhs_hint = false} : vector<64x128xf32>, vector<128x128xf32>, vector<64x128xf32> -> vector<64x128xf32>
    %get3A_45 = arith.constant 0 : index
    %get3A_46 = arith.constant 0 : index
    %get3A_47 = vector.load %arg4[%get3A_45, %get3A_46] : memref<1x128xf32, #tpu.memory_space<vmem>>, vector<1x128xf32>
    %add3A_48 = vector.broadcast %get3A_47 : vector<1x128xf32> to vector<64x128xf32>
    %add3A_49 = arith.addf %dot_general3A_44, %add3A_48 : vector<64x128xf32>
    %max3A = arith.constant 0.000000e+00 : f32
    %max3A_50 = vector.broadcast %max3A : f32 to vector<64x128xf32>
    %max3A_51 = arith.maximumf %add3A_49, %max3A_50 : vector<64x128xf32>
    %get3A_52 = arith.constant 0 : index
    %get3A_53 = arith.constant 0 : index
    %get3A_54 = vector.load %arg5[%get3A_52, %get3A_53] : memref<128x256xf32, #tpu.memory_space<vmem>>, vector<128x256xf32>
    %dot_general3A_55 = arith.constant dense<0.000000e+00> : vector<64x256xf32>
    %dot_general3A_56 = tpu.matmul %max3A_51, %get3A_54, %dot_general3A_55 {dimension_numbers = #tpu.dot_dimension_numbers<[1], [0], [0], [1], [0, 0, 1, 1], [], []>, transpose_lhs_hint = false} : vector<64x128xf32>, vector<128x256xf32>, vector<64x256xf32> -> vector<64x256xf32>
    %get3A_57 = arith.constant 0 : index
    %get3A_58 = arith.constant 0 : index
    %get3A_59 = vector.load %arg6[%get3A_57, %get3A_58] : memref<1x256xf32, #tpu.memory_space<vmem>>, vector<1x256xf32>
    %add3A_60 = vector.broadcast %get3A_59 : vector<1x256xf32> to vector<64x256xf32>
    %add3A_61 = arith.addf %dot_general3A_56, %add3A_60 : vector<64x256xf32>
    %swap3A = arith.constant 0 : index
    %swap3A_62 = arith.constant 0 : index
    %swap3A_63 = vector.load %arg7[%swap3A, %swap3A_62] : memref<64x256xf32, #tpu.memory_space<vmem>>, vector<64x256xf32>
    tpu.vector_store %arg7[%swap3A, %swap3A_62], %add3A_61 {strides = array<i32>} : memref<64x256xf32, #tpu.memory_space<vmem>>, vector<64x256xf32>,
    return
  }
}

</mosaic_0001>

<sc_bundles>
// kernel: kernel.11.cloned.1.call-start
scs
__scs_entry_jumppad:
0x0: {  	(pc) =	sbr.rel $0x88, $3  }
0x1: {  	(tag) =	ssettag $0x0;
	lr =	simm.s32 $0x1  }
0x2: {  	[smem:$0x3F8E] =	sst lr;
	_ =	strace $0xD0000000  }
0x3: {  	_ = 	snop  }
0x4: {  	_ = 	snop  }
0x5: {  	_ = 	snop  }
0x6: {  	_ = 	snop  }
0x7: {  	_ = 	snop  }
__scs_overlays_trampoline_lowered:
0x8: {  	[smem:$0x3F9D] =	sst s0  }
0x9: {  	[smem:$0x3F9E] =	sst s1  }
0xa: {  	[smem:$0x3F9F] =	sst s2  }
0xb: {  	[smem:$0x3FA0] =	sst s3  }
0xc: {  	[smem:$0x3FA1] =	sst s4  }
0xd: {  	[smem:$0x3FA2] =	sst s5  }
0xe: {  	[smem:$0x3FA3] =	sst s6  }
0xf: {  	[smem:$0x3FA4] =	sst s7  }
0x10: {  	[smem:$0x3FA5] =	sst s8  }
0x11: {  	[smem:$0x3FA6] =	sst s9;
	s0 =	simm.s32 @!p0 $0x0  }
0x12: {  	s1 =	sld [smem:$0x3F8C];
	s0 =	simm.s32 @p0 $0x1  }
0x13: {  	[smem:$0x3FA7] =	sst s0;
	s0 =	simm.s32 @!p1 $0x0  }
0x14: {  	s2 =	sld [smem:$0x3F8B];
	s0 =	simm.s32 @p1 $0x1  }
0x15: {  	[smem:$0x3FA8] =	sst s0;
	s0 =	simm.s32 @!p2 $0x0  }
0x16: {  	s3 =	sld [smem:$0x3FDB];
	s0 =	simm.s32 @p2 $0x1  }
0x17: {  	s4 =	simm.s32 $0x1BF5;
	[smem:$0x3FAA] =	sst s0  }
0x18: {  	s0 =	sld [smem:$0x3F8D];
	_ =	swait.ge [sflag:s4], $0x0  }
0x19: {  	s7 =	sld [smem:$0x3F8E]  }
0x1a: {  	s8 =	sadd.s32 $0xFFFFE003, lr  }
0x1b: {  	s9 =	sadd.s32 $0xFFFFFEF7, lr;
	s5 =	simm.s32 $0xFFFFFFFF;
	p2 =	slt.u32 s8, $0xFFFFF086  }
0x1c: {  	p1 =	slt.u32 s9, $0xF7A;
	s5 =	simm.s32 @!p2 $0x0  }
0x1d: {  	s5 =	simm.s32 @p1 $0x1;
	p0 =	seq.s32 s7, s2  }
0x1e: {  	s7 =	smul.u32 @!p0 $0xF7A, s2;
	p2 =	seq.s32 @!p0 s5, $0x0  }
0x1f: {  	s9 =	smul.u32 $0xF7A, s1;
	s8 =	simm.s32 @!p0 $0x1BF5;
	p2 =	por !p2, p0  }
0x20: {  	[sflag:s8] =	ssyncset.s32 @!p0 $0xFFFFF086;
	s6 =	sadd.s32 @!p0 s3, s7;
	s7 =	simm.s32 @!p0 $0x108  }
0x21: {  	s3 =	sadd.s32 s3, s9;
	s6 =	sadd.s32 @!p0 $0x88, s6;
	s7 =	simm.s32 @p2 $0x1082  }
0x22: {  	[simem:s7], [sflag:s8] =	dma.local @!p0 [hbm:s6], $0xF7A  }
0x23: {  	s9 =	sor.u32 $0xD0000000, s2;
	s6 =	simm.s32 $0x108;
	_ =	swait.ge @!p0 [sflag:s8], $0x0  }
0x24: {  	s3 =	sadd.s32 $0x88, s3;
	s6 =	simm.s32 @!p1 $0x1082;
	[sflag:s4] =	ssyncset.s32 $0xFFFFF086  }
0x25: {  	[simem:s6], [sflag:s4] =	dma.local [hbm:s3], $0xF7A  }
0x26: {  	[smem:$0x3F8E] =	sst s1;
	(tag) =	ssettag s2;
	_ =	strace s9  }
0x27: {  	s1 =	sld [smem:$0x3F9E]  }
0x28: {  	s2 =	sld [smem:$0x3F9F]  }
0x29: {  	s4 =	sld [smem:$0x3FA1]  }
0x2a: {  	p0 =	seq.s32 s5, $0x0;
	s5 =	sld [smem:$0x3FA2]  }
0x2b: {  	s6 =	sld [smem:$0x3FA3]  }
0x2c: {  	s7 =	sld [smem:$0x3FA4]  }
0x2d: {  	s3 =	simm.s32 $0x108;
	s8 =	sld [smem:$0x3FA5]  }
0x2e: {  	s3 =	simm.s32 @!p0 $0x1082;
	s9 =	sld [smem:$0x3FA6]  }
0x2f: {  	lr =	sadd.s32 s0, s3;
	s0 =	sld [smem:$0x3F9D]  }
0x30: {  	s3 =	sld [smem:$0x3FA0]  }
0x31: {  	[smem:$0x3FA9] =	sst s10  }
0x32: {  	s10 =	sld [smem:$0x3FA7];
	_ =	sdelay $0x3  }
0x33: {  	p0 =	seq.s32 s10, $0x1;
	s10 =	sld [smem:$0x3FA9];
	_ =	sdelay $0x3  }
0x34: {  	[smem:$0x3FA9] =	sst s10  }
0x35: {  	s10 =	sld [smem:$0x3FA8];
	_ =	sdelay $0x3  }
0x36: {  	p1 =	seq.s32 s10, $0x1;
	s10 =	sld [smem:$0x3FA9];
	_ =	sdelay $0x3  }
0x37: {  	[smem:$0x3FA9] =	sst s10  }
0x38: {  	s10 =	sld [smem:$0x3FAA]  }
0x39: {  	_ = 	snop;
	(pc) =	sbr.ind lr, $3  }
0x3a: {  	_ = 	snop  }
0x3b: {  	_ = 	snop  }
0x3c: {  	p2 =	seq.s32 s10, $0x1;
	s10 =	sld [smem:$0x3FA9]  }
0x3d: {  	_ =	shalt  }
0x3e: {  	_ =	shalt  }
0x3f: {  	_ =	shalt  }
0x40: {  	_ =	shalt  }
0x41: {  	_ =	shalt  }
0x42: {  	_ =	shalt  }
0x43: {  	_ =	shalt  }
0x44: {  	_ =	shalt  }
0x45: {  	_ =	shalt  }
0x46: {  	_ =	shalt  }
0x47: {  	_ =	shalt  }
0x48: {  	_ =	shalt  }
0x49: {  	_ =	shalt  }
0x4a: {  	_ =	shalt  }
0x4b: {  	_ =	shalt  }
0x4c: {  	_ =	shalt  }
0x4d: {  	_ =	shalt  }
0x4e: {  	_ =	shalt  }
0x4f: {  	_ =	shalt  }
0x50: {  	_ =	shalt  }
0x51: {  	_ =	shalt  }
0x52: {  	_ =	shalt  }
0x53: {  	_ =	shalt  }
0x54: {  	_ =	shalt  }
0x55: {  	_ =	shalt  }
0x56: {  	_ =	shalt  }
0x57: {  	_ =	shalt  }
0x58: {  	_ =	shalt  }
0x59: {  	_ =	shalt  }
0x5a: {  	_ =	shalt  }
0x5b: {  	_ =	shalt  }
0x5c: {  	_ =	shalt  }
0x5d: {  	_ =	shalt  }
0x5e: {  	_ =	shalt  }
0x5f: {  	_ =	shalt  }
0x60: {  	_ =	shalt  }
0x61: {  	_ =	shalt  }
0x62: {  	_ =	shalt  }
0x63: {  	_ =	shalt  }
0x64: {  	_ =	shalt  }
0x65: {  	_ =	shalt  }
0x66: {  	_ =	shalt  }
0x67: {  	_ =	shalt  }
0x68: {  	_ =	shalt  }
0x69: {  	_ =	shalt  }
0x6a: {  	_ =	shalt  }
0x6b: {  	_ =	shalt  }
0x6c: {  	_ =	shalt  }
0x6d: {  	_ =	shalt  }
0x6e: {  	_ =	shalt  }
0x6f: {  	_ =	shalt  }
0x70: {  	_ =	shalt  }
0x71: {  	_ =	shalt  }
0x72: {  	_ =	shalt  }
0x73: {  	_ =	shalt  }
0x74: {  	_ =	shalt  }
0x75: {  	_ =	shalt  }
0x76: {  	_ =	shalt  }
0x77: {  	_ =	shalt  }
0x78: {  	_ =	shalt  }
0x79: {  	_ =	shalt  }
0x7a: {  	_ =	shalt  }
0x7b: {  	_ =	shalt  }
0x7c: {  	_ =	shalt  }
0x7d: {  	_ =	shalt  }
0x7e: {  	_ =	shalt  }
0x7f: {  	_ =	shalt  }
0x80: {  	_ =	shalt  }
0x81: {  	_ =	shalt  }
0x82: {  	_ =	shalt  }
0x83: {  	_ =	shalt  }
0x84: {  	_ =	shalt  }
0x85: {  	_ =	shalt  }
0x86: {  	_ =	shalt  }
0x87: {  	_ =	shalt  }
.Lfunc_end0:
.L_simem_size_0:
called_computation_lowered:
.L_overlay_start_0:
0x88: {  	s2 =	sld [smem:$0x3FD9]  }
0x89: {  	s3 =	sld [smem:$0x3FFE];
	_ =	sdelay $0x1  }
0x8a: {  	s1 =	srdreg.scid  }
0x8b: {  	s0 =	sand.u32 $0x1, s1  }
0x8c: {  	s16 =	sshll.u32 s0, $0xA;
	s2 =	sadd.s32 s3, s2  }
0x8d: {  	s2 =	sadd.s32 s2, s16  }
0x8e: {  	[smem:$0x3FB5] =	sst s2  }
0x8f: {  	_ = 	snop  }
0x90: {  	(tm) =	ssettm $0x1  }
0x91: {  	s17 =	sld [smem:$0x3FFB];
	_ =	sdelay $0x3  }
0x92: {  	_ =	strace s17  }
0x93: {  	s2 =	sld [smem:$0x3FFC];
	_ =	sdelay $0x3  }
0x94: {  	_ =	strace s2  }
0x95: {  	s2 =	sld [smem:$0x3FFD];
	_ =	sdelay $0x3  }
0x96: {  	_ =	strace s2  }
0x97: {  	_ =	strace $0x8FFFFFFF  }
0x98: {  	s18 =	sld [smem:$0x3FDB];
	_ =	sdelay $0x1  }
0x99: {  	s19 =	simm.s32 $_scs_section_size  }
0x9a: {  	s4 =	simm.s32 $_size__tile_overlayer_lowered;
	s5 =	simm.s32 $_tile_overlayer_lowered  }
0x9b: {  	s22 =	simm.s32 $0x1BFF;
	s21 =	sshll.u32 s5, $0x1;
	s2 =	sadd.s32 s19, s18  }
0x9c: {  	s6 =	simm.s32 $0x0;
	s20 =	sshll.u32 s4, $0x1;
	s4 =	sadd.s32 s21, s2  }
0x9d: {  	[timem:s6], [sflag:s22] =	dma.local [hbm:s4], s20  }
0x9e: {  	_ =	swait.ge [sflag:s22], s20  }
0x9f: {  	s3 =	ssub.s32 $0x0, s20;
	[sflag:s22] =	ssyncset.done $0x0  }
0xa0: {  	[sflag:s22] =	ssyncadd.s32 s3;
	_ =	sdelay $0x1  }
0xa1: {  	s23 =	simm.s32 $0x1B8B  }
0xa2: {  	_ =	swait.ge [sflag:s23], $0x1  }
0xa3: {  	[sflag:s23] =	ssyncset.done $0x0  }
0xa4: {  	s25 =	simm.s32 $0x1B8E;
	s24 =	sld [smem:$0x3FFE];
	[sflag:s23] =	ssyncadd.s32 $0xFFFFFFFF  }
0xa5: {  	s26 =	simm.s32 $execute0_lowered;
	[smem:$0x3FD2] =	sst s25  }
0xa6: {  	s4 =	sshll.u32 s26, $0x1;
	_ =	strace $0x80000046;
	[dreg:$0x1] =	wrdreg $0xFFFFFFFF  }
0xa7: {  	s28 =	simm.s32 $_size_execute0_lowered;
	s2 =	sadd.s32 s2, s4;
	[dreg:$0x0] =	wrdreg $0x0  }
0xa8: {  	s4 =	sshll.u32 s28, $0x1;
	[dreg:$0x2] =	wrdreg s2  }
0xa9: {  	[dreg:$0x3] =	wrdreg s4  }
0xaa: {  	[dreg:$0x4] =	wrdreg $0xC0  }
0xab: {  	_ =	task [dreg:s6], $0x5FFFF  }
0xac: {  	[dreg:$0x1] =	wrdreg $0xFFFFFFFF  }
0xad: {  	[dreg:$0x0] =	wrdreg $0x60  }
0xae: {  	[dreg:$0x2] =	wrdreg s24  }
0xaf: {  	[dreg:$0x3] =	wrdreg $0x57000  }
0xb0: {  	[dreg:$0x4] =	wrdreg $0x9  }
0xb1: {  	_ =	task.clear_ibuf [dreg:s6], $0x5FFFF;
	_ =	strace $0x90000046  }
0xb2: {  	s29 =	simm.s32 $0x9;
	_ =	strace $0x80000048  }
0xb3: {  	_ =	swait.ge [sflag:s29], $0x1  }
0xb4: {  	[sflag:s29] =	ssyncadd.s32 $0xFFFFFFFF  }
0xb5: {  	_ =	strace $0x90000048  }
0xb6: {  	_ =	sfence  }
0xb7: {  	s30 =	sld [smem:$0x0];
	_ =	sdelay $0x2  }
0xb8: {  	s31 =	sshll.u32 s1, $0xD;
	s1 =	sshrl.u32 s1, $0x2  }
0xb9: {  	s3 =	sand.u32 $0x4000, s31;
	s1 =	sadd.s32 s1, s30  }
0xba: {  	s0 =	sor.u32 s3, s0;
	s1 =	sshll.u32 s1, $0x11  }
0xbb: {  	s0 =	sor.u32 s1, s0  }
0xbc: {  	s0 =	sadd.s32 $0x8F2B, s0  }
0xbd: {  	[sflag:s0] =	ssyncadd.remote.s32 $0x1  }
0xbe: {  	_ =	sfence.sel $0xFFFF  }
0xbf: {  	[dreg:$0x0] =	wrdreg $0xFFFFFFFF;
	(pc) =	sbr.abs _section_cstart, $3  }
0xc0: {  	[dreg:$0x1] =	wrdreg $0xFFFFFFFF  }
0xc1: {  	_ =	task.clear_ibuf [dreg:s6], $0x2FFFF;
	_ =	strace $0x9FFFFFFF  }
0xc2: {  	(tm) =	ssettm $0x7FFFFFFF  }
0xc3: {  	_ =	shalt  }
tec
execute0_lowered:
.L_overlay_start_1:
0x0: {  	(tag) =	ssettag $0x1  }
0x1: {  	s4 =	rddreg [dreg:$0x0];
	s0 =	stileid.u32  }
0x2: {  	s1 =	srdreg.scid;
	s2 =	rddreg [dreg:$0x1];
	s3 =	simm.s32 $0x0  }
0x3: {  	s14 =	simm.s32 $0x1;
	s15 =	simm.s32 $0x80;
	s5 =	smul.u32 $0x2800, s0  }
0x4: {  	s7 =	sand.u32 $0x1, s1;
	s1 =	rddreg [dreg:$0x2];
	s8 =	smul.u32 $0x9E0, s0  }
0x5: {  	[smem:$0x7FF] =	sst s3;
	s9 =	smul.u32 $0xA000, s0;
	s16 =	sshll.u32 s0, $0x6  }
0x6: {  	s6 =	smul.u32 $0x28000, s7;
	_ =	strace $0x80000047;
	s28 =	ssub.s32 $0x2, s7  }
0x7: {  	s13 =	smul.u32 $0x9E00, s7;
	s16 =	sor.u32 $0x1C01, s16;
	s10 =	sadd.s32 s8, s4  }
0x8: {  	s29 =	sshrl.u32 s28, $0x1;
	s30 =	sshrl.u32 s9, $0x2;
	s6 =	sadd.s32 s5, s6  }
0x9: {  	s12 =	ssub.s32 s28, s29;
	s31 =	sadd.s32 s30, s2;
	s9 =	sadd.s32 $0x4400, s10  }
0xa: {  	s6 =	sshrl.u32 s6, $0x3;
	s7 =	sadd.s32 $0x1800, s31;
	s8 =	sadd.s32 $0x2000, s31  }
0xb: {  	s11 =	sadd.s32 s6, s4;
	s4 =	sadd.s32 s5, s2;
	s5 =	sadd.s32 $0x800, s31  }
0xc: {  	s6 =	sadd.s32 $0x1000, s31;
	s10 =	sadd.s32 $0xE200, s11;
	s11 =	smax.u32 s12, $0x1  }
0xd: {  	v0 =	vimm.f32 $0.0e+00;
	v1 =	vimm.f32 $1.000000000e+00;
	s12 =	sshrl.u32 s13, $0x2;
	s13 =	simm.s32 $0x4F00;
	s17 =	sshrl.u32 s4, $0x3  }
.LBB2_1:
0xe: {  	s18 =	simm.s32 $0x40;
	s19 =	simm.s32 $0x0  }
.LBB2_2:
0xf: {  	p0 =	sne.s32 s18, $0x1FC0;
	[tilespmem:s19+$0x4F00] =	vst v0;
	s19 =	smov.u32 s18;
	s18 =	sadd.s32 $0x40, s18  }
.Ltmp0:
0x10: {  	(pc) =	sbr.rel @p0 .LBB2_2-.Ltmp0, $2  }
0x11: {  	_ =	sdelay $0x2  }
0x12: {  	s19 =	sshra.s32 s19, $0x2  }
0x13: {  	[tilespmem:s19+$0x4F00] =	vst v0  }
0x14: {  	[spmem:s4] =	stream.linear.scatter [tilespmem:s13], [sflag:$0x1], $0x800, $0x38;
	[tilespmem:$0x7F00] =	vst v63  }
0x15: {  	_ =	swait.ge [sflag:s14], $0x800  }
0x16: {  	[sflag:s14] =	ssyncset.done $0x0  }
0x17: {  	[sflag:s14] =	ssyncadd.s32 $0xFFFFF800  }
0x18: {  	[spmem:s5] =	stream.linear.scatter [tilespmem:s13], [sflag:$0x1], $0x800, $0x38;
	[tilespmem:$0x7F00] =	vst v63  }
0x19: {  	_ =	swait.ge [sflag:s14], $0x800  }
0x1a: {  	[sflag:s14] =	ssyncset.done $0x0  }
0x1b: {  	[sflag:s14] =	ssyncadd.s32 $0xFFFFF800  }
0x1c: {  	[spmem:s6] =	stream.linear.scatter [tilespmem:s13], [sflag:$0x1], $0x800, $0x38;
	[tilespmem:$0x7F00] =	vst v63  }
0x1d: {  	_ =	swait.ge [sflag:s14], $0x800  }
0x1e: {  	[sflag:s14] =	ssyncset.done $0x0  }
0x1f: {  	[sflag:s14] =	ssyncadd.s32 $0xFFFFF800  }
0x20: {  	[spmem:s7] =	stream.linear.scatter [tilespmem:s13], [sflag:$0x1], $0x800, $0x38;
	[tilespmem:$0x7F00] =	vst v63  }
0x21: {  	_ =	swait.ge [sflag:s14], $0x800  }
0x22: {  	[sflag:s14] =	ssyncset.done $0x0  }
0x23: {  	[sflag:s14] =	ssyncadd.s32 $0xFFFFF800  }
0x24: {  	[spmem:s8] =	stream.linear.scatter [tilespmem:s13], [sflag:$0x1], $0x800, $0x38;
	[tilespmem:$0x7F00] =	vst v63  }
0x25: {  	_ =	swait.ge [sflag:s14], $0x800  }
0x26: {  	[sflag:s14] =	ssyncset.done $0x0  }
0x27: {  	[sflag:s14] =	ssyncadd.s32 $0xFFFFF800  }
0x28: {  	s18 =	simm.s32 $0x40;
	s19 =	simm.s32 $0x0;
	[bflag:$0x0] =	sbarrier.arrive $0xFFFF  }
.LBB2_4:
0x29: {  	p0 =	sne.s32 s18, $0x1FC0;
	[tilespmem:s19+$0x4F00] =	vst v1;
	s19 =	smov.u32 s18;
	s18 =	sadd.s32 $0x40, s18  }
.Ltmp1:
0x2a: {  	(pc) =	sbr.rel @p0 .LBB2_4-.Ltmp1, $2  }
0x2b: {  	_ =	sdelay $0x2  }
0x2c: {  	s19 =	sshra.s32 s19, $0x2  }
0x2d: {  	[tilespmem:s19+$0x4F00] =	vst v1;
	s18 =	simm.s32 $0x0  }
0x2e: {  	[tilespmem:s18], [sflag:$0x1] =	stream.linear.gather [hbm4b:s9+s18], $0x4F00, $0x38;
	[tilespmem:$0x7F00] =	vst v63  }
0x2f: {  	_ =	swait.ge [sflag:s14], $0x4F00  }
0x30: {  	[sflag:s14] =	ssyncset.done $0x0  }
0x31: {  	s31 =	sadd.s32 $0x0, s12;
	[sflag:s14] =	ssyncadd.s32 $0xFFFFB100  }
0x32: {  	[spmem:s2] =	stream.indirect.scatter.add.f32 [tilespmem:s13], [sflag:$0x1], $0x10, s31, s15, $0xb8;
	[tilespmem:$0x7F00] =	vst v63  }
0x33: {  	s18 =	simm.s32 $0x200;
	_ =	swait.ge [sflag:s14], $0x800  }
.LBB2_6:
0x34: {  	s19 =	sshra.s32 s18, $0x2;
	[sflag:s14] =	ssyncset.done $0x0;
	p0 =	sne.s32 s18, $0x9C00  }
.Ltmp2:
0x35: {  	s19 =	sadd.s32 s19, s12;
	[sflag:s14] =	ssyncadd.s32 $0xFFFFF800;
	(pc) =	sbr.rel @p0 .LBB2_6-.Ltmp2, $3  }
0x36: {  	[spmem:s2] =	stream.indirect.scatter.add.f32 [tilespmem:s13], [sflag:$0x1], $0x10, s19, s15, $0xb8;
	[tilespmem:$0x7F00] =	vst v63  }
0x37: {  	s18 =	sadd.s32 $0x200, s18;
	_ =	sdelay $0x1  }
0x38: {  	_ =	swait.ge [sflag:s14], $0x800  }
0x39: {  	[sflag:s14] =	ssyncset.done $0x0;
	s3 =	sadd.s32 $0x1, s3  }
0x3a: {  	[sflag:s14] =	ssyncadd.s32 $0xFFFFF800;
	p0 =	sne.s32 s3, s11  }
.Ltmp3:
0x3b: {  	[bflag:$0x0] =	sbarrier.arrive $0xFFFF;
	(pc) =	sbr.rel @p0 .LBB2_1-.Ltmp3, $4  }
0x3c: {  	[hbm:s10], [sflag:s16] =	dma.local [spmem:s17], $0x500  }
0x3d: {  	_ =	swait.ge [sflag:s14], $0x500  }
0x3e: {  	[sflag:s14] =	ssyncset.done $0x0  }
0x3f: {  	[sflag:s14] =	ssyncadd.s32 $0xFFFFFB00  }
0x40: {  	_ =	sfence.sel $0x180000  }
0x41: {  	[bflag:$0x0] =	sbarrier.arrive $0xFFFF  }
0x42: {  	p0 =	sne.s32 s0, $0x0;
	_ =	strace $0x90000047  }
0x43: {  	s0 =	sadd.s32 @!p0 $0x100000, s1;
	[bflag:$0x2] =	sbarrier.arrive $0xFFFF  }
0x44: {  	[sflag:s0] =	ssyncadd.tile.s32 @!p0 $0x1;
	_ =	shalt  }
.Lfunc_end2:
_tile_overlayer_lowered:
.L_overlay_start_2:
0x45: {  	(tag) =	ssettag $0x2  }
0x46: {  	s0 =	rddreg [dreg:$0x0];
	s2 =	stileid.u32  }
0x47: {  	s1 =	rddreg [dreg:$0x1];
	p0 =	sne.s32 s2, $0x0  }
0x48: {  	s3 =	rddreg [dreg:$0x2];
	[bflag:$0x3] =	sbarrier.arrive $0xFFFF;
	s2 =	simm.s32 @!p0 $0x1C01  }
0x49: {  	[timem:s3], [sflag:s2] =	dma.local @!p0 [hbm:s0], s1  }
0x4a: {  	s0 =	simm.s32 @!p0 $0x1  }
0x4b: {  	_ =	swait.ge @!p0 [sflag:s0], s1  }
0x4c: {  	s1 =	ssub.s32 @!p0 $0x0, s1;
	[sflag:s0] =	ssyncset.done @!p0 $0x0  }
0x4d: {  	[sflag:s0] =	ssyncadd.s32 @!p0 s1  }
0x4e: {  	[bflag:$0x3] =	sbarrier.arrive $0xFFFF  }
0x4f: {  	_ =	shalt  }

// kernel: kernel.14.cloned.1.call-start
scs
__scs_entry_jumppad:
0x0: {  	(pc) =	sbr.rel $0x88, $3  }
0x1: {  	(tag) =	ssettag $0x0;
	lr =	simm.s32 $0x1  }
0x2: {  	[smem:$0x3F8E] =	sst lr;
	_ =	strace $0xD0000000  }
0x3: {  	_ = 	snop  }
0x4: {  	_ = 	snop  }
0x5: {  	_ = 	snop  }
0x6: {  	_ = 	snop  }
0x7: {  	_ = 	snop  }
__scs_overlays_trampoline_lowered:
0x8: {  	[smem:$0x3F9D] =	sst s0  }
0x9: {  	[smem:$0x3F9E] =	sst s1  }
0xa: {  	[smem:$0x3F9F] =	sst s2  }
0xb: {  	[smem:$0x3FA0] =	sst s3  }
0xc: {  	[smem:$0x3FA1] =	sst s4  }
0xd: {  	[smem:$0x3FA2] =	sst s5  }
0xe: {  	[smem:$0x3FA3] =	sst s6  }
0xf: {  	[smem:$0x3FA4] =	sst s7  }
0x10: {  	[smem:$0x3FA5] =	sst s8  }
0x11: {  	[smem:$0x3FA6] =	sst s9;
	s0 =	simm.s32 @!p0 $0x0  }
0x12: {  	s1 =	sld [smem:$0x3F8C];
	s0 =	simm.s32 @p0 $0x1  }
0x13: {  	[smem:$0x3FA7] =	sst s0;
	s0 =	simm.s32 @!p1 $0x0  }
0x14: {  	s2 =	sld [smem:$0x3F8B];
	s0 =	simm.s32 @p1 $0x1  }
0x15: {  	[smem:$0x3FA8] =	sst s0;
	s0 =	simm.s32 @!p2 $0x0  }
0x16: {  	s3 =	sld [smem:$0x3FDB];
	s0 =	simm.s32 @p2 $0x1  }
0x17: {  	s4 =	simm.s32 $0x1BF5;
	[smem:$0x3FAA] =	sst s0  }
0x18: {  	s0 =	sld [smem:$0x3F8D];
	_ =	swait.ge [sflag:s4], $0x0  }
0x19: {  	s7 =	sld [smem:$0x3F8E]  }
0x1a: {  	s8 =	sadd.s32 $0xFFFFE003, lr  }
0x1b: {  	s9 =	sadd.s32 $0xFFFFFEF7, lr;
	s5 =	simm.s32 $0xFFFFFFFF;
	p2 =	slt.u32 s8, $0xFFFFF086  }
0x1c: {  	p1 =	slt.u32 s9, $0xF7A;
	s5 =	simm.s32 @!p2 $0x0  }
0x1d: {  	s5 =	simm.s32 @p1 $0x1;
	p0 =	seq.s32 s7, s2  }
0x1e: {  	s7 =	smul.u32 @!p0 $0xF7A, s2;
	p2 =	seq.s32 @!p0 s5, $0x0  }
0x1f: {  	s9 =	smul.u32 $0xF7A, s1;
	s8 =	simm.s32 @!p0 $0x1BF5;
	p2 =	por !p2, p0  }
0x20: {  	[sflag:s8] =	ssyncset.s32 @!p0 $0xFFFFF086;
	s6 =	sadd.s32 @!p0 s3, s7;
	s7 =	simm.s32 @!p0 $0x108  }
0x21: {  	s3 =	sadd.s32 s3, s9;
	s6 =	sadd.s32 @!p0 $0x88, s6;
	s7 =	simm.s32 @p2 $0x1082  }
0x22: {  	[simem:s7], [sflag:s8] =	dma.local @!p0 [hbm:s6], $0xF7A  }
0x23: {  	s9 =	sor.u32 $0xD0000000, s2;
	s6 =	simm.s32 $0x108;
	_ =	swait.ge @!p0 [sflag:s8], $0x0  }
0x24: {  	s3 =	sadd.s32 $0x88, s3;
	s6 =	simm.s32 @!p1 $0x1082;
	[sflag:s4] =	ssyncset.s32 $0xFFFFF086  }
0x25: {  	[simem:s6], [sflag:s4] =	dma.local [hbm:s3], $0xF7A  }
0x26: {  	[smem:$0x3F8E] =	sst s1;
	(tag) =	ssettag s2;
	_ =	strace s9  }
0x27: {  	s1 =	sld [smem:$0x3F9E]  }
0x28: {  	s2 =	sld [smem:$0x3F9F]  }
0x29: {  	s4 =	sld [smem:$0x3FA1]  }
0x2a: {  	p0 =	seq.s32 s5, $0x0;
	s5 =	sld [smem:$0x3FA2]  }
0x2b: {  	s6 =	sld [smem:$0x3FA3]  }
0x2c: {  	s7 =	sld [smem:$0x3FA4]  }
0x2d: {  	s3 =	simm.s32 $0x108;
	s8 =	sld [smem:$0x3FA5]  }
0x2e: {  	s3 =	simm.s32 @!p0 $0x1082;
	s9 =	sld [smem:$0x3FA6]  }
0x2f: {  	lr =	sadd.s32 s0, s3;
	s0 =	sld [smem:$0x3F9D]  }
0x30: {  	s3 =	sld [smem:$0x3FA0]  }
0x31: {  	[smem:$0x3FA9] =	sst s10  }
0x32: {  	s10 =	sld [smem:$0x3FA7];
	_ =	sdelay $0x3  }
0x33: {  	p0 =	seq.s32 s10, $0x1;
	s10 =	sld [smem:$0x3FA9];
	_ =	sdelay $0x3  }
0x34: {  	[smem:$0x3FA9] =	sst s10  }
0x35: {  	s10 =	sld [smem:$0x3FA8];
	_ =	sdelay $0x3  }
0x36: {  	p1 =	seq.s32 s10, $0x1;
	s10 =	sld [smem:$0x3FA9];
	_ =	sdelay $0x3  }
0x37: {  	[smem:$0x3FA9] =	sst s10  }
0x38: {  	s10 =	sld [smem:$0x3FAA]  }
0x39: {  	_ = 	snop;
	(pc) =	sbr.ind lr, $3  }
0x3a: {  	_ = 	snop  }
0x3b: {  	_ = 	snop  }
0x3c: {  	p2 =	seq.s32 s10, $0x1;
	s10 =	sld [smem:$0x3FA9]  }
0x3d: {  	_ =	shalt  }
0x3e: {  	_ =	shalt  }
0x3f: {  	_ =	shalt  }
0x40: {  	_ =	shalt  }
0x41: {  	_ =	shalt  }
0x42: {  	_ =	shalt  }
0x43: {  	_ =	shalt  }
0x44: {  	_ =	shalt  }
0x45: {  	_ =	shalt  }
0x46: {  	_ =	shalt  }
0x47: {  	_ =	shalt  }
0x48: {  	_ =	shalt  }
0x49: {  	_ =	shalt  }
0x4a: {  	_ =	shalt  }
0x4b: {  	_ =	shalt  }
0x4c: {  	_ =	shalt  }
0x4d: {  	_ =	shalt  }
0x4e: {  	_ =	shalt  }
0x4f: {  	_ =	shalt  }
0x50: {  	_ =	shalt  }
0x51: {  	_ =	shalt  }
0x52: {  	_ =	shalt  }
0x53: {  	_ =	shalt  }
0x54: {  	_ =	shalt  }
0x55: {  	_ =	shalt  }
0x56: {  	_ =	shalt  }
0x57: {  	_ =	shalt  }
0x58: {  	_ =	shalt  }
0x59: {  	_ =	shalt  }
0x5a: {  	_ =	shalt  }
0x5b: {  	_ =	shalt  }
0x5c: {  	_ =	shalt  }
0x5d: {  	_ =	shalt  }
0x5e: {  	_ =	shalt  }
0x5f: {  	_ =	shalt  }
0x60: {  	_ =	shalt  }
0x61: {  	_ =	shalt  }
0x62: {  	_ =	shalt  }
0x63: {  	_ =	shalt  }
0x64: {  	_ =	shalt  }
0x65: {  	_ =	shalt  }
0x66: {  	_ =	shalt  }
0x67: {  	_ =	shalt  }
0x68: {  	_ =	shalt  }
0x69: {  	_ =	shalt  }
0x6a: {  	_ =	shalt  }
0x6b: {  	_ =	shalt  }
0x6c: {  	_ =	shalt  }
0x6d: {  	_ =	shalt  }
0x6e: {  	_ =	shalt  }
0x6f: {  	_ =	shalt  }
0x70: {  	_ =	shalt  }
0x71: {  	_ =	shalt  }
0x72: {  	_ =	shalt  }
0x73: {  	_ =	shalt  }
0x74: {  	_ =	shalt  }
0x75: {  	_ =	shalt  }
0x76: {  	_ =	shalt  }
0x77: {  	_ =	shalt  }
0x78: {  	_ =	shalt  }
0x79: {  	_ =	shalt  }
0x7a: {  	_ =	shalt  }
0x7b: {  	_ =	shalt  }
0x7c: {  	_ =	shalt  }
0x7d: {  	_ =	shalt  }
0x7e: {  	_ =	shalt  }
0x7f: {  	_ =	shalt  }
0x80: {  	_ =	shalt  }
0x81: {  	_ =	shalt  }
0x82: {  	_ =	shalt  }
0x83: {  	_ =	shalt  }
0x84: {  	_ =	shalt  }
0x85: {  	_ =	shalt  }
0x86: {  	_ =	shalt  }
0x87: {  	_ =	shalt  }
.Lfunc_end0:
.L_simem_size_0:
called_computation.1_lowered:
.L_overlay_start_0:
0x88: {  	s2 =	sld [smem:$0x3FD9]  }
0x89: {  	s3 =	sld [smem:$0x3FFE];
	_ =	sdelay $0x1  }
0x8a: {  	s1 =	srdreg.scid  }
0x8b: {  	s0 =	sand.u32 $0x1, s1  }
0x8c: {  	s16 =	sshll.u32 s0, $0xA;
	s2 =	sadd.s32 s3, s2  }
0x8d: {  	s2 =	sadd.s32 s2, s16  }
0x8e: {  	[smem:$0x3FB5] =	sst s2  }
0x8f: {  	_ = 	snop  }
0x90: {  	(tm) =	ssettm $0x1  }
0x91: {  	s17 =	sld [smem:$0x3FFB];
	_ =	sdelay $0x3  }
0x92: {  	_ =	strace s17  }
0x93: {  	s2 =	sld [smem:$0x3FFC];
	_ =	sdelay $0x3  }
0x94: {  	_ =	strace s2  }
0x95: {  	s2 =	sld [smem:$0x3FFD];
	_ =	sdelay $0x3  }
0x96: {  	_ =	strace s2  }
0x97: {  	_ =	strace $0x8FFFFFFF  }
0x98: {  	s18 =	sld [smem:$0x3FDB];
	_ =	sdelay $0x1  }
0x99: {  	s19 =	simm.s32 $_scs_section_size  }
0x9a: {  	s4 =	simm.s32 $_size__tile_overlayer_lowered;
	s5 =	simm.s32 $_tile_overlayer_lowered  }
0x9b: {  	s22 =	simm.s32 $0x1BFF;
	s21 =	sshll.u32 s5, $0x1;
	s2 =	sadd.s32 s19, s18  }
0x9c: {  	s6 =	simm.s32 $0x0;
	s20 =	sshll.u32 s4, $0x1;
	s4 =	sadd.s32 s21, s2  }
0x9d: {  	[timem:s6], [sflag:s22] =	dma.local [hbm:s4], s20  }
0x9e: {  	_ =	swait.ge [sflag:s22], s20  }
0x9f: {  	s3 =	ssub.s32 $0x0, s20;
	[sflag:s22] =	ssyncset.done $0x0  }
0xa0: {  	[sflag:s22] =	ssyncadd.s32 s3;
	_ =	sdelay $0x1  }
0xa1: {  	s23 =	simm.s32 $0x1B8B  }
0xa2: {  	_ =	swait.ge [sflag:s23], $0x1  }
0xa3: {  	[sflag:s23] =	ssyncset.done $0x0  }
0xa4: {  	s25 =	simm.s32 $0x1B8E;
	s24 =	sld [smem:$0x3FFE];
	[sflag:s23] =	ssyncadd.s32 $0xFFFFFFFF  }
0xa5: {  	s26 =	simm.s32 $execute0_lowered;
	[smem:$0x3FD2] =	sst s25  }
0xa6: {  	s4 =	sshll.u32 s26, $0x1;
	_ =	strace $0x80000049;
	[dreg:$0x1] =	wrdreg $0xFFFFFFFF  }
0xa7: {  	s28 =	simm.s32 $_size_execute0_lowered;
	s2 =	sadd.s32 s2, s4;
	[dreg:$0x0] =	wrdreg $0x0  }
0xa8: {  	s4 =	sshll.u32 s28, $0x1;
	[dreg:$0x2] =	wrdreg s2  }
0xa9: {  	[dreg:$0x3] =	wrdreg s4  }
0xaa: {  	[dreg:$0x4] =	wrdreg $0xC0  }
0xab: {  	_ =	task [dreg:s6], $0x5FFFF  }
0xac: {  	[dreg:$0x1] =	wrdreg $0xFFFFFFFF  }
0xad: {  	[dreg:$0x0] =	wrdreg $0x60  }
0xae: {  	[dreg:$0x2] =	wrdreg s24  }
0xaf: {  	[dreg:$0x3] =	wrdreg $0xFE000  }
0xb0: {  	[dreg:$0x4] =	wrdreg $0x9  }
0xb1: {  	_ =	task.clear_ibuf [dreg:s6], $0x5FFFF;
	_ =	strace $0x90000049  }
0xb2: {  	s29 =	simm.s32 $0x9;
	_ =	strace $0x8000004B  }
0xb3: {  	_ =	swait.ge [sflag:s29], $0x1  }
0xb4: {  	[sflag:s29] =	ssyncadd.s32 $0xFFFFFFFF  }
0xb5: {  	_ =	strace $0x9000004B  }
0xb6: {  	_ =	sfence  }
0xb7: {  	s30 =	sld [smem:$0x0];
	_ =	sdelay $0x2  }
0xb8: {  	s31 =	sshll.u32 s1, $0xD;
	s1 =	sshrl.u32 s1, $0x2  }
0xb9: {  	s3 =	sand.u32 $0x4000, s31;
	s1 =	sadd.s32 s1, s30  }
0xba: {  	s0 =	sor.u32 s3, s0;
	s1 =	sshll.u32 s1, $0x11  }
0xbb: {  	s0 =	sor.u32 s1, s0  }
0xbc: {  	s0 =	sadd.s32 $0x8F2B, s0  }
0xbd: {  	[sflag:s0] =	ssyncadd.remote.s32 $0x1  }
0xbe: {  	_ =	sfence.sel $0xFFFF  }
0xbf: {  	[dreg:$0x0] =	wrdreg $0xFFFFFFFF;
	(pc) =	sbr.abs _section_cstart, $3  }
0xc0: {  	[dreg:$0x1] =	wrdreg $0xFFFFFFFF  }
0xc1: {  	_ =	task.clear_ibuf [dreg:s6], $0x2FFFF;
	_ =	strace $0x9FFFFFFF  }
0xc2: {  	(tm) =	ssettm $0x7FFFFFFF  }
0xc3: {  	_ =	shalt  }
tec
execute0_lowered:
.L_overlay_start_1:
0x0: {  	(tag) =	ssettag $0x1  }
0x1: {  	s4 =	rddreg [dreg:$0x0]  }
0x2: {  	s2 =	rddreg [dreg:$0x1]  }
0x3: {  	s0 =	srdreg.scid;
	s1 =	rddreg [dreg:$0x2];
	s3 =	simm.s32 $0x0  }
0x4: {  	s15 =	simm.s32 $0x3;
	s16 =	simm.s32 $0x4F00;
	s5 =	sand.u32 $0x1, s0  }
0x5: {  	s17 =	simm.s32 $0x80;
	s0 =	stileid.u32;
	s6 =	smul.u32 $0x1D4C0, s5  }
0x6: {  	s18 =	simm.s32 $0xCE00;
	s19 =	simm.s32 $0x1;
	s7 =	smul.u32 $0x9E0, s0  }
0x7: {  	s20 =	simm.s32 $0x2;
	s21 =	simm.s32 $0x4E80;
	s8 =	smul.u32 $0xF000, s0  }
0x8: {  	s22 =	simm.s32 $0x9D00;
	s23 =	simm.s32 $0x9D80;
	s9 =	smul.u32 $0xF0000, s5  }
0x9: {  	[smem:$0x7FF] =	sst s3;
	s10 =	smul.u32 $0x3C000, s0;
	s5 =	ssub.s32 $0x2, s5  }
0xa: {  	_ =	strace $0x8000004A;
	s30 =	sshrl.u32 s5, $0x1;
	s11 =	sadd.s32 s6, s4  }
0xb: {  	s12 =	sadd.s32 s7, s4;
	s28 =	sadd.s32 s8, s9;
	s29 =	sshrl.u32 s10, $0x2  }
0xc: {  	s14 =	ssub.s32 s5, s30;
	s6 =	sshrl.u32 s28, $0x3;
	s31 =	sadd.s32 s29, s2  }
0xd: {  	s9 =	sadd.s32 $0x18200, s12;
	s10 =	sadd.s32 $0x4400, s12;
	s11 =	sadd.s32 $0x97400, s11  }
0xe: {  	s13 =	sadd.s32 s6, s4;
	s4 =	sadd.s32 s8, s2;
	s5 =	sadd.s32 $0x3000, s31  }
0xf: {  	s6 =	sadd.s32 $0x6000, s31;
	s7 =	sadd.s32 $0x9000, s31;
	s8 =	sadd.s32 $0xC000, s31  }
0x10: {  	v0 =	vimm.f32 $0.0e+00;
	s12 =	sadd.s32 $0xD1E00, s13;
	s13 =	smax.u32 s14, $0x1;
	s14 =	simm.s32 $0x9E00  }
.LBB2_1:
0x11: {  	s24 =	simm.s32 $0x0  }
0x12: {  	[tilespmem:s24+$0x9E50] =	vst v0  }
0x13: {  	[tilespmem:s24+$0x9E00] =	vst v0  }
0x14: {  	[tilespmem:s24+$0x9E10] =	vst v0  }
0x15: {  	[tilespmem:s24+$0x9E20] =	vst v0  }
0x16: {  	s25 =	simm.s32 $0x180;
	[tilespmem:s24+$0x9E30] =	vst v0  }
.LBB2_2:
0x17: {  	p0 =	sne.s32 s25, $0xBE80;
	[tilespmem:s24+$0x9E40] =	vst v0;
	s24 =	sshra.s32 s25, $0x2;
	s25 =	sadd.s32 $0x180, s25  }
.Ltmp0:
0x18: {  	[tilespmem:s24+$0x9E50] =	vst v0;
	(pc) =	sbr.rel @p0 .LBB2_2-.Ltmp0, $4  }
0x19: {  	[tilespmem:s24+$0x9E00] =	vst v0  }
0x1a: {  	[tilespmem:s24+$0x9E10] =	vst v0  }
0x1b: {  	[tilespmem:s24+$0x9E20] =	vst v0  }
0x1c: {  	[tilespmem:s24+$0x9E30] =	vst v0  }
0x1d: {  	[tilespmem:s24+$0x9E40] =	vst v0  }
0x1e: {  	[spmem:s4] =	stream.linear.scatter [tilespmem:s14], [sflag:$0x3], $0x3000, $0x38;
	[tilespmem:$0x1EE00] =	vst v63  }
0x1f: {  	_ =	swait.ge [sflag:s15], $0x3000  }
0x20: {  	[sflag:s15] =	ssyncset.done $0x0  }
0x21: {  	[sflag:s15] =	ssyncadd.s32 $0xFFFFD000  }
0x22: {  	[spmem:s5] =	stream.linear.scatter [tilespmem:s14], [sflag:$0x3], $0x3000, $0x38;
	[tilespmem:$0x1EE00] =	vst v63  }
0x23: {  	_ =	swait.ge [sflag:s15], $0x3000  }
0x24: {  	[sflag:s15] =	ssyncset.done $0x0  }
0x25: {  	[sflag:s15] =	ssyncadd.s32 $0xFFFFD000  }
0x26: {  	[spmem:s6] =	stream.linear.scatter [tilespmem:s14], [sflag:$0x3], $0x3000, $0x38;
	[tilespmem:$0x1EE00] =	vst v63  }
0x27: {  	_ =	swait.ge [sflag:s15], $0x3000  }
0x28: {  	[sflag:s15] =	ssyncset.done $0x0  }
0x29: {  	[sflag:s15] =	ssyncadd.s32 $0xFFFFD000  }
0x2a: {  	[spmem:s7] =	stream.linear.scatter [tilespmem:s14], [sflag:$0x3], $0x3000, $0x38;
	[tilespmem:$0x1EE00] =	vst v63  }
0x2b: {  	_ =	swait.ge [sflag:s15], $0x3000  }
0x2c: {  	[sflag:s15] =	ssyncset.done $0x0  }
0x2d: {  	[sflag:s15] =	ssyncadd.s32 $0xFFFFD000  }
0x2e: {  	[spmem:s8] =	stream.linear.scatter [tilespmem:s14], [sflag:$0x3], $0x3000, $0x38;
	[tilespmem:$0x1EE00] =	vst v63  }
0x2f: {  	_ =	swait.ge [sflag:s15], $0x3000  }
0x30: {  	[sflag:s15] =	ssyncset.done $0x0  }
0x31: {  	[sflag:s15] =	ssyncadd.s32 $0xFFFFD000  }
0x32: {  	s26 =	simm.s32 $0x0;
	[bflag:$0x0] =	sbarrier.arrive $0xFFFF  }
0x33: {  	[tilespmem:s26], [sflag:$0x3] =	stream.linear.gather [hbm4b:s9+s26], $0x4F00, $0x38;
	[tilespmem:$0x1EE00] =	vst v63  }
0x34: {  	_ =	swait.ge [sflag:s15], $0x4F00  }
0x35: {  	[sflag:s15] =	ssyncset.done $0x0  }
0x36: {  	[sflag:s15] =	ssyncadd.s32 $0xFFFFB100  }
0x37: {  	[tilespmem:s16], [sflag:$0x3] =	stream.linear.gather [hbm4b:s10+s26], $0x4F00, $0x38;
	[tilespmem:$0x1EE00] =	vst v63  }
0x38: {  	_ =	swait.ge [sflag:s15], $0x4F00  }
0x39: {  	[sflag:s15] =	ssyncset.done $0x0  }
0x3a: {  	[sflag:s15] =	ssyncadd.s32 $0xFFFFB100  }
0x3b: {  	[tilespmem:s14], [sflag:$0x1] =	stream.indirect.gather [hbm4b:s11+s17], $0x60, s26, s17, $0xb8;
	[tilespmem:$0x1EE00] =	vst v63  }
0x3c: {  	s28 =	simm.s32 $0x80  }
0x3d: {  	[tilespmem:s18], [sflag:$0x2] =	stream.indirect.gather [hbm4b:s11+s17], $0x60, s28, s17, $0xb8;
	[tilespmem:$0x1EE00] =	vst v63  }
0x3e: {  	_ =	swait.ge [sflag:s19], $0x3000  }
0x3f: {  	[sflag:s19] =	ssyncset.done $0x0  }
0x40: {  	s29 =	simm.s32 $0x4F00;
	[sflag:s19] =	ssyncadd.s32 $0xFFFFD000  }
0x41: {  	[spmem:s2] =	stream.indirect.scatter.add.f32 [tilespmem:s14], [sflag:$0x3], $0x60, s29, s17, $0xb8;
	[tilespmem:$0x1EE00] =	vst v63  }
0x42: {  	_ =	swait.ge [sflag:s15], $0x3000  }
0x43: {  	[sflag:s15] =	ssyncset.done $0x0  }
0x44: {  	s30 =	simm.s32 $0x100;
	[sflag:s15] =	ssyncadd.s32 $0xFFFFD000  }
0x45: {  	[tilespmem:s14], [sflag:$0x1] =	stream.indirect.gather [hbm4b:s11+s17], $0x60, s30, s17, $0xb8;
	[tilespmem:$0x1EE00] =	vst v63  }
0x46: {  	_ =	swait.ge [sflag:s20], $0x3000  }
0x47: {  	[sflag:s20] =	ssyncset.done $0x0  }
0x48: {  	s31 =	simm.s32 $0x4F80;
	[sflag:s20] =	ssyncadd.s32 $0xFFFFD000  }
0x49: {  	[spmem:s2] =	stream.indirect.scatter.add.f32 [tilespmem:s18], [sflag:$0x3], $0x60, s31, s17, $0xb8;
	[tilespmem:$0x1EE00] =	vst v63  }
0x4a: {  	_ =	swait.ge [sflag:s15], $0x3000  }
0x4b: {  	s25 =	simm.s32 $0x800;
	s24 =	simm.s32 $0x100;
	[sflag:s15] =	ssyncset.done $0x0  }
.LBB2_4:
0x4c: {  	s26 =	sadd.s32 $0x80, s24  }
0x4d: {  	[sflag:s15] =	ssyncadd.s32 $0xFFFFD000;
	s28 =	smov.u32 s25;
	s29 =	sadd.s32 $0x400, s25  }
0x4e: {  	[tilespmem:s18], [sflag:$0x2] =	stream.indirect.gather [hbm4b:s11+s17], $0x60, s26, s17, $0xb8;
	[tilespmem:$0x1EE00] =	vst v63  }
0x4f: {  	p0 =	sne.s32 s25, $0x13400;
	_ =	swait.ge [sflag:s19], $0x3000  }
0x50: {  	[sflag:s19] =	ssyncset.done $0x0  }
0x51: {  	s25 =	sadd.s32 $0x4F00, s24;
	[sflag:s19] =	ssyncadd.s32 $0xFFFFD000  }
0x52: {  	[spmem:s2] =	stream.indirect.scatter.add.f32 [tilespmem:s14], [sflag:$0x3], $0x60, s25, s17, $0xb8;
	[tilespmem:$0x1EE00] =	vst v63  }
0x53: {  	_ =	swait.ge [sflag:s15], $0x3000  }
0x54: {  	[sflag:s15] =	ssyncset.done $0x0  }
0x55: {  	s25 =	sadd.s32 $0x100, s24;
	[sflag:s15] =	ssyncadd.s32 $0xFFFFD000  }
0x56: {  	[tilespmem:s14], [sflag:$0x1] =	stream.indirect.gather [hbm4b:s11+s17], $0x60, s25, s17, $0xb8;
	[tilespmem:$0x1EE00] =	vst v63  }
0x57: {  	_ =	swait.ge [sflag:s20], $0x3000  }
.Ltmp1:
0x58: {  	[sflag:s20] =	ssyncset.done $0x0;
	(pc) =	sbr.rel @p0 .LBB2_4-.Ltmp1, $4  }
0x59: {  	s24 =	sadd.s32 $0x4F80, s24;
	[sflag:s20] =	ssyncadd.s32 $0xFFFFD000  }
0x5a: {  	[spmem:s2] =	stream.indirect.scatter.add.f32 [tilespmem:s18], [sflag:$0x3], $0x60, s24, s17, $0xb8;
	[tilespmem:$0x1EE00] =	vst v63  }
0x5b: {  	_ =	swait.ge [sflag:s15], $0x3000  }
0x5c: {  	s25 =	smov.u32 s29;
	s24 =	sshra.s32 s28, $0x2;
	[sflag:s15] =	ssyncset.done $0x0  }
0x5d: {  	s25 =	sadd.s32 $0x80, s24;
	[sflag:s15] =	ssyncadd.s32 $0xFFFFD000  }
0x5e: {  	[tilespmem:s18], [sflag:$0x2] =	stream.indirect.gather [hbm4b:s11+s17], $0x60, s25, s17, $0xb8;
	[tilespmem:$0x1EE00] =	vst v63  }
0x5f: {  	_ =	swait.ge [sflag:s19], $0x3000  }
0x60: {  	[sflag:s19] =	ssyncset.done $0x0  }
0x61: {  	s26 =	sadd.s32 $0x4F00, s24;
	[sflag:s19] =	ssyncadd.s32 $0xFFFFD000  }
0x62: {  	[spmem:s2] =	stream.indirect.scatter.add.f32 [tilespmem:s14], [sflag:$0x3], $0x60, s26, s17, $0xb8;
	[tilespmem:$0x1EE00] =	vst v63  }
0x63: {  	_ =	swait.ge [sflag:s15], $0x3000  }
0x64: {  	[sflag:s15] =	ssyncset.done $0x0  }
0x65: {  	s28 =	sadd.s32 $0x100, s24;
	[sflag:s15] =	ssyncadd.s32 $0xFFFFD000  }
0x66: {  	[tilespmem:s14], [sflag:$0x1] =	stream.indirect.gather [hbm4b:s11+s17], $0x60, s28, s17, $0xb8;
	[tilespmem:$0x1EE00] =	vst v63  }
0x67: {  	_ =	swait.ge [sflag:s20], $0x3000  }
0x68: {  	[sflag:s20] =	ssyncset.done $0x0  }
0x69: {  	s29 =	sadd.s32 $0x4F80, s24;
	[sflag:s20] =	ssyncadd.s32 $0xFFFFD000  }
0x6a: {  	[spmem:s2] =	stream.indirect.scatter.add.f32 [tilespmem:s18], [sflag:$0x3], $0x60, s29, s17, $0xb8;
	[tilespmem:$0x1EE00] =	vst v63  }
0x6b: {  	_ =	swait.ge [sflag:s15], $0x3000  }
0x6c: {  	[sflag:s15] =	ssyncset.done $0x0  }
0x6d: {  	[sflag:s15] =	ssyncadd.s32 $0xFFFFD000  }
0x6e: {  	[tilespmem:s18], [sflag:$0x2] =	stream.indirect.gather [hbm4b:s11+s17], $0x60, s21, s17, $0xb8;
	[tilespmem:$0x1EE00] =	vst v63  }
0x6f: {  	_ =	swait.ge [sflag:s19], $0x3000  }
0x70: {  	[sflag:s19] =	ssyncset.done $0x0  }
0x71: {  	[sflag:s19] =	ssyncadd.s32 $0xFFFFD000  }
0x72: {  	[spmem:s2] =	stream.indirect.scatter.add.f32 [tilespmem:s14], [sflag:$0x3], $0x60, s22, s17, $0xb8;
	[tilespmem:$0x1EE00] =	vst v63  }
0x73: {  	_ =	swait.ge [sflag:s15], $0x3000  }
0x74: {  	[sflag:s15] =	ssyncset.done $0x0  }
0x75: {  	[sflag:s15] =	ssyncadd.s32 $0xFFFFD000  }
0x76: {  	[tilespmem:s14], [sflag:$0x1] =	stream.indirect.gather [hbm4b:s11+s17], $0x60, s21, s17, $0xb8;
	[tilespmem:$0x1EE00] =	vst v63  }
0x77: {  	_ =	swait.ge [sflag:s20], $0x3000  }
0x78: {  	[sflag:s20] =	ssyncset.done $0x0  }
0x79: {  	[sflag:s20] =	ssyncadd.s32 $0xFFFFD000  }
0x7a: {  	[spmem:s2] =	stream.indirect.scatter.add.f32 [tilespmem:s18], [sflag:$0x3], $0x60, s23, s17, $0xb8;
	[tilespmem:$0x1EE00] =	vst v63  }
0x7b: {  	_ =	swait.ge [sflag:s15], $0x3000  }
0x7c: {  	[sflag:s15] =	ssyncset.done $0x0  }
0x7d: {  	[sflag:s15] =	ssyncadd.s32 $0xFFFFD000  }
0x7e: {  	_ =	swait.ge [sflag:s19], $0x3000  }
0x7f: {  	s30 =	sshll.u32 s0, $0x6;
	s3 =	sadd.s32 $0x1, s3;
	[sflag:s19] =	ssyncset.done $0x0  }
0x80: {  	s31 =	sshrl.u32 s4, $0x3;
	p0 =	sne.s32 s3, s13;
	[sflag:s19] =	ssyncadd.s32 $0xFFFFD000  }
.Ltmp2:
0x81: {  	s24 =	sor.u32 $0x1C03, s30;
	[bflag:$0x0] =	sbarrier.arrive $0xFFFF;
	(pc) =	sbr.rel @p0 .LBB2_1-.Ltmp2, $4  }
0x82: {  	[hbm:s12], [sflag:s24] =	dma.local [spmem:s31], $0x1E00  }
0x83: {  	_ =	swait.ge [sflag:s15], $0x1E00  }
0x84: {  	[sflag:s15] =	ssyncset.done $0x0  }
0x85: {  	[sflag:s15] =	ssyncadd.s32 $0xFFFFE200  }
0x86: {  	_ =	sfence.sel $0x180000  }
0x87: {  	[bflag:$0x0] =	sbarrier.arrive $0xFFFF  }
0x88: {  	p0 =	sne.s32 s0, $0x0;
	_ =	strace $0x9000004A  }
0x89: {  	s0 =	sadd.s32 @!p0 $0x100000, s1;
	[bflag:$0x2] =	sbarrier.arrive $0xFFFF  }
0x8a: {  	[sflag:s0] =	ssyncadd.tile.s32 @!p0 $0x1;
	_ =	shalt  }
.Lfunc_end2:
_tile_overlayer_lowered:
.L_overlay_start_2:
0x8b: {  	(tag) =	ssettag $0x2  }
0x8c: {  	s0 =	rddreg [dreg:$0x0];
	s2 =	stileid.u32  }
0x8d: {  	s1 =	rddreg [dreg:$0x1];
	p0 =	sne.s32 s2, $0x0  }
0x8e: {  	s3 =	rddreg [dreg:$0x2];
	[bflag:$0x3] =	sbarrier.arrive $0xFFFF;
	s2 =	simm.s32 @!p0 $0x1C03  }
0x8f: {  	[timem:s3], [sflag:s2] =	dma.local @!p0 [hbm:s0], s1  }
0x90: {  	s0 =	simm.s32 @!p0 $0x3  }
0x91: {  	_ =	swait.ge @!p0 [sflag:s0], s1  }
0x92: {  	s1 =	ssub.s32 @!p0 $0x0, s1;
	[sflag:s0] =	ssyncset.done @!p0 $0x0  }
0x93: {  	[sflag:s0] =	ssyncadd.s32 @!p0 s1  }
0x94: {  	[bflag:$0x3] =	sbarrier.arrive $0xFFFF  }
0x95: {  	_ =	shalt  }

// kernel: kernel.17.cloned.1.call-start
scs
__scs_entry_jumppad:
0x0: {  	(pc) =	sbr.rel $0x88, $3  }
0x1: {  	(tag) =	ssettag $0x0;
	lr =	simm.s32 $0x1  }
0x2: {  	[smem:$0x3F8E] =	sst lr;
	_ =	strace $0xD0000000  }
0x3: {  	_ = 	snop  }
0x4: {  	_ = 	snop  }
0x5: {  	_ = 	snop  }
0x6: {  	_ = 	snop  }
0x7: {  	_ = 	snop  }
__scs_overlays_trampoline_lowered:
0x8: {  	[smem:$0x3F9D] =	sst s0  }
0x9: {  	[smem:$0x3F9E] =	sst s1  }
0xa: {  	[smem:$0x3F9F] =	sst s2  }
0xb: {  	[smem:$0x3FA0] =	sst s3  }
0xc: {  	[smem:$0x3FA1] =	sst s4  }
0xd: {  	[smem:$0x3FA2] =	sst s5  }
0xe: {  	[smem:$0x3FA3] =	sst s6  }
0xf: {  	[smem:$0x3FA4] =	sst s7  }
0x10: {  	[smem:$0x3FA5] =	sst s8  }
0x11: {  	[smem:$0x3FA6] =	sst s9;
	s0 =	simm.s32 @!p0 $0x0  }
0x12: {  	s1 =	sld [smem:$0x3F8C];
	s0 =	simm.s32 @p0 $0x1  }
0x13: {  	[smem:$0x3FA7] =	sst s0;
	s0 =	simm.s32 @!p1 $0x0  }
0x14: {  	s2 =	sld [smem:$0x3F8B];
	s0 =	simm.s32 @p1 $0x1  }
0x15: {  	[smem:$0x3FA8] =	sst s0;
	s0 =	simm.s32 @!p2 $0x0  }
0x16: {  	s3 =	sld [smem:$0x3FDB];
	s0 =	simm.s32 @p2 $0x1  }
0x17: {  	s4 =	simm.s32 $0x1BF5;
	[smem:$0x3FAA] =	sst s0  }
0x18: {  	s0 =	sld [smem:$0x3F8D];
	_ =	swait.ge [sflag:s4], $0x0  }
0x19: {  	s7 =	sld [smem:$0x3F8E]  }
0x1a: {  	s8 =	sadd.s32 $0xFFFFE003, lr  }
0x1b: {  	s9 =	sadd.s32 $0xFFFFFEF7, lr;
	s5 =	simm.s32 $0xFFFFFFFF;
	p2 =	slt.u32 s8, $0xFFFFF086  }
0x1c: {  	p1 =	slt.u32 s9, $0xF7A;
	s5 =	simm.s32 @!p2 $0x0  }
0x1d: {  	s5 =	simm.s32 @p1 $0x1;
	p0 =	seq.s32 s7, s2  }
0x1e: {  	s7 =	smul.u32 @!p0 $0xF7A, s2;
	p2 =	seq.s32 @!p0 s5, $0x0  }
0x1f: {  	s9 =	smul.u32 $0xF7A, s1;
	s8 =	simm.s32 @!p0 $0x1BF5;
	p2 =	por !p2, p0  }
0x20: {  	[sflag:s8] =	ssyncset.s32 @!p0 $0xFFFFF086;
	s6 =	sadd.s32 @!p0 s3, s7;
	s7 =	simm.s32 @!p0 $0x108  }
0x21: {  	s3 =	sadd.s32 s3, s9;
	s6 =	sadd.s32 @!p0 $0x88, s6;
	s7 =	simm.s32 @p2 $0x1082  }
0x22: {  	[simem:s7], [sflag:s8] =	dma.local @!p0 [hbm:s6], $0xF7A  }
0x23: {  	s9 =	sor.u32 $0xD0000000, s2;
	s6 =	simm.s32 $0x108;
	_ =	swait.ge @!p0 [sflag:s8], $0x0  }
0x24: {  	s3 =	sadd.s32 $0x88, s3;
	s6 =	simm.s32 @!p1 $0x1082;
	[sflag:s4] =	ssyncset.s32 $0xFFFFF086  }
0x25: {  	[simem:s6], [sflag:s4] =	dma.local [hbm:s3], $0xF7A  }
0x26: {  	[smem:$0x3F8E] =	sst s1;
	(tag) =	ssettag s2;
	_ =	strace s9  }
0x27: {  	s1 =	sld [smem:$0x3F9E]  }
0x28: {  	s2 =	sld [smem:$0x3F9F]  }
0x29: {  	s4 =	sld [smem:$0x3FA1]  }
0x2a: {  	p0 =	seq.s32 s5, $0x0;
	s5 =	sld [smem:$0x3FA2]  }
0x2b: {  	s6 =	sld [smem:$0x3FA3]  }
0x2c: {  	s7 =	sld [smem:$0x3FA4]  }
0x2d: {  	s3 =	simm.s32 $0x108;
	s8 =	sld [smem:$0x3FA5]  }
0x2e: {  	s3 =	simm.s32 @!p0 $0x1082;
	s9 =	sld [smem:$0x3FA6]  }
0x2f: {  	lr =	sadd.s32 s0, s3;
	s0 =	sld [smem:$0x3F9D]  }
0x30: {  	s3 =	sld [smem:$0x3FA0]  }
0x31: {  	[smem:$0x3FA9] =	sst s10  }
0x32: {  	s10 =	sld [smem:$0x3FA7];
	_ =	sdelay $0x3  }
0x33: {  	p0 =	seq.s32 s10, $0x1;
	s10 =	sld [smem:$0x3FA9];
	_ =	sdelay $0x3  }
0x34: {  	[smem:$0x3FA9] =	sst s10  }
0x35: {  	s10 =	sld [smem:$0x3FA8];
	_ =	sdelay $0x3  }
0x36: {  	p1 =	seq.s32 s10, $0x1;
	s10 =	sld [smem:$0x3FA9];
	_ =	sdelay $0x3  }
0x37: {  	[smem:$0x3FA9] =	sst s10  }
0x38: {  	s10 =	sld [smem:$0x3FAA]  }
0x39: {  	_ = 	snop;
	(pc) =	sbr.ind lr, $3  }
0x3a: {  	_ = 	snop  }
0x3b: {  	_ = 	snop  }
0x3c: {  	p2 =	seq.s32 s10, $0x1;
	s10 =	sld [smem:$0x3FA9]  }
0x3d: {  	_ =	shalt  }
0x3e: {  	_ =	shalt  }
0x3f: {  	_ =	shalt  }
0x40: {  	_ =	shalt  }
0x41: {  	_ =	shalt  }
0x42: {  	_ =	shalt  }
0x43: {  	_ =	shalt  }
0x44: {  	_ =	shalt  }
0x45: {  	_ =	shalt  }
0x46: {  	_ =	shalt  }
0x47: {  	_ =	shalt  }
0x48: {  	_ =	shalt  }
0x49: {  	_ =	shalt  }
0x4a: {  	_ =	shalt  }
0x4b: {  	_ =	shalt  }
0x4c: {  	_ =	shalt  }
0x4d: {  	_ =	shalt  }
0x4e: {  	_ =	shalt  }
0x4f: {  	_ =	shalt  }
0x50: {  	_ =	shalt  }
0x51: {  	_ =	shalt  }
0x52: {  	_ =	shalt  }
0x53: {  	_ =	shalt  }
0x54: {  	_ =	shalt  }
0x55: {  	_ =	shalt  }
0x56: {  	_ =	shalt  }
0x57: {  	_ =	shalt  }
0x58: {  	_ =	shalt  }
0x59: {  	_ =	shalt  }
0x5a: {  	_ =	shalt  }
0x5b: {  	_ =	shalt  }
0x5c: {  	_ =	shalt  }
0x5d: {  	_ =	shalt  }
0x5e: {  	_ =	shalt  }
0x5f: {  	_ =	shalt  }
0x60: {  	_ =	shalt  }
0x61: {  	_ =	shalt  }
0x62: {  	_ =	shalt  }
0x63: {  	_ =	shalt  }
0x64: {  	_ =	shalt  }
0x65: {  	_ =	shalt  }
0x66: {  	_ =	shalt  }
0x67: {  	_ =	shalt  }
0x68: {  	_ =	shalt  }
0x69: {  	_ =	shalt  }
0x6a: {  	_ =	shalt  }
0x6b: {  	_ =	shalt  }
0x6c: {  	_ =	shalt  }
0x6d: {  	_ =	shalt  }
0x6e: {  	_ =	shalt  }
0x6f: {  	_ =	shalt  }
0x70: {  	_ =	shalt  }
0x71: {  	_ =	shalt  }
0x72: {  	_ =	shalt  }
0x73: {  	_ =	shalt  }
0x74: {  	_ =	shalt  }
0x75: {  	_ =	shalt  }
0x76: {  	_ =	shalt  }
0x77: {  	_ =	shalt  }
0x78: {  	_ =	shalt  }
0x79: {  	_ =	shalt  }
0x7a: {  	_ =	shalt  }
0x7b: {  	_ =	shalt  }
0x7c: {  	_ =	shalt  }
0x7d: {  	_ =	shalt  }
0x7e: {  	_ =	shalt  }
0x7f: {  	_ =	shalt  }
0x80: {  	_ =	shalt  }
0x81: {  	_ =	shalt  }
0x82: {  	_ =	shalt  }
0x83: {  	_ =	shalt  }
0x84: {  	_ =	shalt  }
0x85: {  	_ =	shalt  }
0x86: {  	_ =	shalt  }
0x87: {  	_ =	shalt  }
.Lfunc_end0:
.L_simem_size_0:
called_computation.2_lowered:
.L_overlay_start_0:
0x88: {  	s2 =	sld [smem:$0x3FD9]  }
0x89: {  	s3 =	sld [smem:$0x3FFE];
	_ =	sdelay $0x1  }
0x8a: {  	s1 =	srdreg.scid  }
0x8b: {  	s0 =	sand.u32 $0x1, s1  }
0x8c: {  	s16 =	sshll.u32 s0, $0xA;
	s2 =	sadd.s32 s3, s2  }
0x8d: {  	s2 =	sadd.s32 s2, s16  }
0x8e: {  	[smem:$0x3FB5] =	sst s2  }
0x8f: {  	_ = 	snop  }
0x90: {  	(tm) =	ssettm $0x1  }
0x91: {  	s17 =	sld [smem:$0x3FFB];
	_ =	sdelay $0x3  }
0x92: {  	_ =	strace s17  }
0x93: {  	s2 =	sld [smem:$0x3FFC];
	_ =	sdelay $0x3  }
0x94: {  	_ =	strace s2  }
0x95: {  	s2 =	sld [smem:$0x3FFD];
	_ =	sdelay $0x3  }
0x96: {  	_ =	strace s2  }
0x97: {  	_ =	strace $0x8FFFFFFF  }
0x98: {  	s18 =	sld [smem:$0x3FDB];
	_ =	sdelay $0x1  }
0x99: {  	s19 =	simm.s32 $_scs_section_size  }
0x9a: {  	s4 =	simm.s32 $_size__tile_overlayer_lowered;
	s5 =	simm.s32 $_tile_overlayer_lowered  }
0x9b: {  	s22 =	simm.s32 $0x1BFF;
	s21 =	sshll.u32 s5, $0x1;
	s2 =	sadd.s32 s19, s18  }
0x9c: {  	s6 =	simm.s32 $0x0;
	s20 =	sshll.u32 s4, $0x1;
	s4 =	sadd.s32 s21, s2  }
0x9d: {  	[timem:s6], [sflag:s22] =	dma.local [hbm:s4], s20  }
0x9e: {  	_ =	swait.ge [sflag:s22], s20  }
0x9f: {  	s3 =	ssub.s32 $0x0, s20;
	[sflag:s22] =	ssyncset.done $0x0  }
0xa0: {  	[sflag:s22] =	ssyncadd.s32 s3;
	_ =	sdelay $0x1  }
0xa1: {  	s23 =	simm.s32 $0x1B8B  }
0xa2: {  	_ =	swait.ge [sflag:s23], $0x1  }
0xa3: {  	[sflag:s23] =	ssyncset.done $0x0  }
0xa4: {  	s25 =	simm.s32 $0x1B8E;
	s24 =	sld [smem:$0x3FFE];
	[sflag:s23] =	ssyncadd.s32 $0xFFFFFFFF  }
0xa5: {  	s26 =	simm.s32 $execute0_lowered;
	[smem:$0x3FD2] =	sst s25  }
0xa6: {  	s4 =	sshll.u32 s26, $0x1;
	_ =	strace $0x8000004C;
	[dreg:$0x1] =	wrdreg $0xFFFFFFFF  }
0xa7: {  	s28 =	simm.s32 $_size_execute0_lowered;
	s2 =	sadd.s32 s2, s4;
	[dreg:$0x0] =	wrdreg $0x0  }
0xa8: {  	s4 =	sshll.u32 s28, $0x1;
	[dreg:$0x2] =	wrdreg s2  }
0xa9: {  	[dreg:$0x3] =	wrdreg s4  }
0xaa: {  	[dreg:$0x4] =	wrdreg $0xC0  }
0xab: {  	_ =	task [dreg:s6], $0x5FFFF  }
0xac: {  	[dreg:$0x1] =	wrdreg $0xFFFFFFFF  }
0xad: {  	[dreg:$0x0] =	wrdreg $0x60  }
0xae: {  	[dreg:$0x2] =	wrdreg s24  }
0xaf: {  	[dreg:$0x3] =	wrdreg $0xEE000  }
0xb0: {  	[dreg:$0x4] =	wrdreg $0x9  }
0xb1: {  	_ =	task.clear_ibuf [dreg:s6], $0x5FFFF;
	_ =	strace $0x9000004C  }
0xb2: {  	s29 =	simm.s32 $0x9;
	_ =	strace $0x8000004E  }
0xb3: {  	_ =	swait.ge [sflag:s29], $0x1  }
0xb4: {  	[sflag:s29] =	ssyncadd.s32 $0xFFFFFFFF  }
0xb5: {  	_ =	strace $0x9000004E  }
0xb6: {  	_ =	sfence  }
0xb7: {  	s30 =	sld [smem:$0x0];
	_ =	sdelay $0x2  }
0xb8: {  	s31 =	sshll.u32 s1, $0xD;
	s1 =	sshrl.u32 s1, $0x2  }
0xb9: {  	s3 =	sand.u32 $0x4000, s31;
	s1 =	sadd.s32 s1, s30  }
0xba: {  	s0 =	sor.u32 s3, s0;
	s1 =	sshll.u32 s1, $0x11  }
0xbb: {  	s0 =	sor.u32 s1, s0  }
0xbc: {  	s0 =	sadd.s32 $0x8F2B, s0  }
0xbd: {  	[sflag:s0] =	ssyncadd.remote.s32 $0x1  }
0xbe: {  	_ =	sfence.sel $0xFFFF  }
0xbf: {  	[dreg:$0x0] =	wrdreg $0xFFFFFFFF;
	(pc) =	sbr.abs _section_cstart, $3  }
0xc0: {  	[dreg:$0x1] =	wrdreg $0xFFFFFFFF  }
0xc1: {  	_ =	task.clear_ibuf [dreg:s6], $0x2FFFF;
	_ =	strace $0x9FFFFFFF  }
0xc2: {  	(tm) =	ssettm $0x7FFFFFFF  }
0xc3: {  	_ =	shalt  }
tec
execute0_lowered:
.L_overlay_start_1:
0x0: {  	(tag) =	ssettag $0x1  }
0x1: {  	s4 =	rddreg [dreg:$0x0]  }
0x2: {  	s2 =	rddreg [dreg:$0x1]  }
0x3: {  	s0 =	srdreg.scid;
	s1 =	rddreg [dreg:$0x2];
	s3 =	simm.s32 $0x0  }
0x4: {  	s15 =	simm.s32 $0x3;
	s16 =	simm.s32 $0x4F00;
	s5 =	sand.u32 $0x1, s0  }
0x5: {  	s17 =	simm.s32 $0x80;
	s0 =	stileid.u32;
	s6 =	smul.u32 $0x186A0, s5  }
0x6: {  	s18 =	simm.s32 $0xC600;
	s19 =	simm.s32 $0x1;
	s7 =	smul.u32 $0x9E0, s0  }
0x7: {  	s20 =	simm.s32 $0x2;
	s21 =	simm.s32 $0x4E80;
	s8 =	smul.u32 $0xC800, s0  }
0x8: {  	s22 =	simm.s32 $0x9D00;
	s23 =	simm.s32 $0x9D80;
	s9 =	smul.u32 $0xC8000, s5  }
0x9: {  	[smem:$0x7FF] =	sst s3;
	s10 =	smul.u32 $0x32000, s0;
	s5 =	ssub.s32 $0x2, s5  }
0xa: {  	_ =	strace $0x8000004D;
	s30 =	sshrl.u32 s5, $0x1;
	s11 =	sadd.s32 s6, s4  }
0xb: {  	s12 =	sadd.s32 s7, s4;
	s28 =	sadd.s32 s8, s9;
	s29 =	sshrl.u32 s10, $0x2  }
0xc: {  	s14 =	ssub.s32 s5, s30;
	s6 =	sshrl.u32 s28, $0x3;
	s31 =	sadd.s32 s29, s2  }
0xd: {  	s9 =	sadd.s32 $0x18200, s12;
	s10 =	sadd.s32 $0x4400, s12;
	s11 =	sadd.s32 $0x97400, s11  }
0xe: {  	s13 =	sadd.s32 s6, s4;
	s4 =	sadd.s32 s8, s2;
	s5 =	sadd.s32 $0x2800, s31  }
0xf: {  	s6 =	sadd.s32 $0x5000, s31;
	s7 =	sadd.s32 $0x7800, s31;
	s8 =	sadd.s32 $0xA000, s31  }
0x10: {  	v0 =	vimm.f32 $0.0e+00;
	s12 =	sadd.s32 $0xC8200, s13;
	s13 =	smax.u32 s14, $0x1;
	s14 =	simm.s32 $0x9E00  }
.LBB2_1:
0x11: {  	s25 =	simm.s32 $0x140;
	s24 =	simm.s32 $0x0  }
.LBB2_2:
0x12: {  	p0 =	sne.s32 s25, $0x9EC0;
	[tilespmem:s24+$0x9E40] =	vst v0;
	s26 =	smov.u32 s25;
	s25 =	sadd.s32 $0x140, s25  }
.Ltmp0:
0x13: {  	[tilespmem:s24+$0x9E30] =	vst v0;
	(pc) =	sbr.rel @p0 .LBB2_2-.Ltmp0, $4  }
0x14: {  	[tilespmem:s24+$0x9E20] =	vst v0  }
0x15: {  	[tilespmem:s24+$0x9E00] =	vst v0  }
0x16: {  	[tilespmem:s24+$0x9E10] =	vst v0  }
0x17: {  	s24 =	sshra.s32 s26, $0x2  }
0x18: {  	[tilespmem:s24+$0x9E40] =	vst v0  }
0x19: {  	[tilespmem:s24+$0x9E30] =	vst v0  }
0x1a: {  	[tilespmem:s24+$0x9E20] =	vst v0  }
0x1b: {  	[tilespmem:s24+$0x9E00] =	vst v0  }
0x1c: {  	[tilespmem:s24+$0x9E10] =	vst v0  }
0x1d: {  	[spmem:s4] =	stream.linear.scatter [tilespmem:s14], [sflag:$0x3], $0x2800, $0x38;
	[tilespmem:$0x1B600] =	vst v63  }
0x1e: {  	_ =	swait.ge [sflag:s15], $0x2800  }
0x1f: {  	[sflag:s15] =	ssyncset.done $0x0  }
0x20: {  	[sflag:s15] =	ssyncadd.s32 $0xFFFFD800  }
0x21: {  	[spmem:s5] =	stream.linear.scatter [tilespmem:s14], [sflag:$0x3], $0x2800, $0x38;
	[tilespmem:$0x1B600] =	vst v63  }
0x22: {  	_ =	swait.ge [sflag:s15], $0x2800  }
0x23: {  	[sflag:s15] =	ssyncset.done $0x0  }
0x24: {  	[sflag:s15] =	ssyncadd.s32 $0xFFFFD800  }
0x25: {  	[spmem:s6] =	stream.linear.scatter [tilespmem:s14], [sflag:$0x3], $0x2800, $0x38;
	[tilespmem:$0x1B600] =	vst v63  }
0x26: {  	_ =	swait.ge [sflag:s15], $0x2800  }
0x27: {  	[sflag:s15] =	ssyncset.done $0x0  }
0x28: {  	[sflag:s15] =	ssyncadd.s32 $0xFFFFD800  }
0x29: {  	[spmem:s7] =	stream.linear.scatter [tilespmem:s14], [sflag:$0x3], $0x2800, $0x38;
	[tilespmem:$0x1B600] =	vst v63  }
0x2a: {  	_ =	swait.ge [sflag:s15], $0x2800  }
0x2b: {  	[sflag:s15] =	ssyncset.done $0x0  }
0x2c: {  	[sflag:s15] =	ssyncadd.s32 $0xFFFFD800  }
0x2d: {  	[spmem:s8] =	stream.linear.scatter [tilespmem:s14], [sflag:$0x3], $0x2800, $0x38;
	[tilespmem:$0x1B600] =	vst v63  }
0x2e: {  	_ =	swait.ge [sflag:s15], $0x2800  }
0x2f: {  	[sflag:s15] =	ssyncset.done $0x0  }
0x30: {  	[sflag:s15] =	ssyncadd.s32 $0xFFFFD800  }
0x31: {  	s26 =	simm.s32 $0x0;
	[bflag:$0x0] =	sbarrier.arrive $0xFFFF  }
0x32: {  	[tilespmem:s26], [sflag:$0x3] =	stream.linear.gather [hbm4b:s9+s26], $0x4F00, $0x38;
	[tilespmem:$0x1B600] =	vst v63  }
0x33: {  	_ =	swait.ge [sflag:s15], $0x4F00  }
0x34: {  	[sflag:s15] =	ssyncset.done $0x0  }
0x35: {  	[sflag:s15] =	ssyncadd.s32 $0xFFFFB100  }
0x36: {  	[tilespmem:s16], [sflag:$0x3] =	stream.linear.gather [hbm4b:s10+s26], $0x4F00, $0x38;
	[tilespmem:$0x1B600] =	vst v63  }
0x37: {  	_ =	swait.ge [sflag:s15], $0x4F00  }
0x38: {  	[sflag:s15] =	ssyncset.done $0x0  }
0x39: {  	[sflag:s15] =	ssyncadd.s32 $0xFFFFB100  }
0x3a: {  	[tilespmem:s14], [sflag:$0x1] =	stream.indirect.gather [hbm4b:s11+s17], $0x50, s26, s17, $0xb8;
	[tilespmem:$0x1B600] =	vst v63  }
0x3b: {  	s28 =	simm.s32 $0x80  }
0x3c: {  	[tilespmem:s18], [sflag:$0x2] =	stream.indirect.gather [hbm4b:s11+s17], $0x50, s28, s17, $0xb8;
	[tilespmem:$0x1B600] =	vst v63  }
0x3d: {  	_ =	swait.ge [sflag:s19], $0x2800  }
0x3e: {  	[sflag:s19] =	ssyncset.done $0x0  }
0x3f: {  	s29 =	simm.s32 $0x4F00;
	[sflag:s19] =	ssyncadd.s32 $0xFFFFD800  }
0x40: {  	[spmem:s2] =	stream.indirect.scatter.add.f32 [tilespmem:s14], [sflag:$0x3], $0x50, s29, s17, $0xb8;
	[tilespmem:$0x1B600] =	vst v63  }
0x41: {  	_ =	swait.ge [sflag:s15], $0x2800  }
0x42: {  	[sflag:s15] =	ssyncset.done $0x0  }
0x43: {  	s30 =	simm.s32 $0x100;
	[sflag:s15] =	ssyncadd.s32 $0xFFFFD800  }
0x44: {  	[tilespmem:s14], [sflag:$0x1] =	stream.indirect.gather [hbm4b:s11+s17], $0x50, s30, s17, $0xb8;
	[tilespmem:$0x1B600] =	vst v63  }
0x45: {  	_ =	swait.ge [sflag:s20], $0x2800  }
0x46: {  	[sflag:s20] =	ssyncset.done $0x0  }
0x47: {  	s31 =	simm.s32 $0x4F80;
	[sflag:s20] =	ssyncadd.s32 $0xFFFFD800  }
0x48: {  	[spmem:s2] =	stream.indirect.scatter.add.f32 [tilespmem:s18], [sflag:$0x3], $0x50, s31, s17, $0xb8;
	[tilespmem:$0x1B600] =	vst v63  }
0x49: {  	_ =	swait.ge [sflag:s15], $0x2800  }
0x4a: {  	s25 =	simm.s32 $0x800;
	s24 =	simm.s32 $0x100;
	[sflag:s15] =	ssyncset.done $0x0  }
.LBB2_4:
0x4b: {  	s26 =	sadd.s32 $0x80, s24  }
0x4c: {  	[sflag:s15] =	ssyncadd.s32 $0xFFFFD800;
	s28 =	smov.u32 s25;
	s29 =	sadd.s32 $0x400, s25  }
0x4d: {  	[tilespmem:s18], [sflag:$0x2] =	stream.indirect.gather [hbm4b:s11+s17], $0x50, s26, s17, $0xb8;
	[tilespmem:$0x1B600] =	vst v63  }
0x4e: {  	p0 =	sne.s32 s25, $0x13400;
	_ =	swait.ge [sflag:s19], $0x2800  }
0x4f: {  	[sflag:s19] =	ssyncset.done $0x0  }
0x50: {  	s25 =	sadd.s32 $0x4F00, s24;
	[sflag:s19] =	ssyncadd.s32 $0xFFFFD800  }
0x51: {  	[spmem:s2] =	stream.indirect.scatter.add.f32 [tilespmem:s14], [sflag:$0x3], $0x50, s25, s17, $0xb8;
	[tilespmem:$0x1B600] =	vst v63  }
0x52: {  	_ =	swait.ge [sflag:s15], $0x2800  }
0x53: {  	[sflag:s15] =	ssyncset.done $0x0  }
0x54: {  	s25 =	sadd.s32 $0x100, s24;
	[sflag:s15] =	ssyncadd.s32 $0xFFFFD800  }
0x55: {  	[tilespmem:s14], [sflag:$0x1] =	stream.indirect.gather [hbm4b:s11+s17], $0x50, s25, s17, $0xb8;
	[tilespmem:$0x1B600] =	vst v63  }
0x56: {  	_ =	swait.ge [sflag:s20], $0x2800  }
.Ltmp1:
0x57: {  	[sflag:s20] =	ssyncset.done $0x0;
	(pc) =	sbr.rel @p0 .LBB2_4-.Ltmp1, $4  }
0x58: {  	s24 =	sadd.s32 $0x4F80, s24;
	[sflag:s20] =	ssyncadd.s32 $0xFFFFD800  }
0x59: {  	[spmem:s2] =	stream.indirect.scatter.add.f32 [tilespmem:s18], [sflag:$0x3], $0x50, s24, s17, $0xb8;
	[tilespmem:$0x1B600] =	vst v63  }
0x5a: {  	_ =	swait.ge [sflag:s15], $0x2800  }
0x5b: {  	s25 =	smov.u32 s29;
	s24 =	sshra.s32 s28, $0x2;
	[sflag:s15] =	ssyncset.done $0x0  }
0x5c: {  	s25 =	sadd.s32 $0x80, s24;
	[sflag:s15] =	ssyncadd.s32 $0xFFFFD800  }
0x5d: {  	[tilespmem:s18], [sflag:$0x2] =	stream.indirect.gather [hbm4b:s11+s17], $0x50, s25, s17, $0xb8;
	[tilespmem:$0x1B600] =	vst v63  }
0x5e: {  	_ =	swait.ge [sflag:s19], $0x2800  }
0x5f: {  	[sflag:s19] =	ssyncset.done $0x0  }
0x60: {  	s26 =	sadd.s32 $0x4F00, s24;
	[sflag:s19] =	ssyncadd.s32 $0xFFFFD800  }
0x61: {  	[spmem:s2] =	stream.indirect.scatter.add.f32 [tilespmem:s14], [sflag:$0x3], $0x50, s26, s17, $0xb8;
	[tilespmem:$0x1B600] =	vst v63  }
0x62: {  	_ =	swait.ge [sflag:s15], $0x2800  }
0x63: {  	[sflag:s15] =	ssyncset.done $0x0  }
0x64: {  	s28 =	sadd.s32 $0x100, s24;
	[sflag:s15] =	ssyncadd.s32 $0xFFFFD800  }
0x65: {  	[tilespmem:s14], [sflag:$0x1] =	stream.indirect.gather [hbm4b:s11+s17], $0x50, s28, s17, $0xb8;
	[tilespmem:$0x1B600] =	vst v63  }
0x66: {  	_ =	swait.ge [sflag:s20], $0x2800  }
0x67: {  	[sflag:s20] =	ssyncset.done $0x0  }
0x68: {  	s29 =	sadd.s32 $0x4F80, s24;
	[sflag:s20] =	ssyncadd.s32 $0xFFFFD800  }
0x69: {  	[spmem:s2] =	stream.indirect.scatter.add.f32 [tilespmem:s18], [sflag:$0x3], $0x50, s29, s17, $0xb8;
	[tilespmem:$0x1B600] =	vst v63  }
0x6a: {  	_ =	swait.ge [sflag:s15], $0x2800  }
0x6b: {  	[sflag:s15] =	ssyncset.done $0x0  }
0x6c: {  	[sflag:s15] =	ssyncadd.s32 $0xFFFFD800  }
0x6d: {  	[tilespmem:s18], [sflag:$0x2] =	stream.indirect.gather [hbm4b:s11+s17], $0x50, s21, s17, $0xb8;
	[tilespmem:$0x1B600] =	vst v63  }
0x6e: {  	_ =	swait.ge [sflag:s19], $0x2800  }
0x6f: {  	[sflag:s19] =	ssyncset.done $0x0  }
0x70: {  	[sflag:s19] =	ssyncadd.s32 $0xFFFFD800  }
0x71: {  	[spmem:s2] =	stream.indirect.scatter.add.f32 [tilespmem:s14], [sflag:$0x3], $0x50, s22, s17, $0xb8;
	[tilespmem:$0x1B600] =	vst v63  }
0x72: {  	_ =	swait.ge [sflag:s15], $0x2800  }
0x73: {  	[sflag:s15] =	ssyncset.done $0x0  }
0x74: {  	[sflag:s15] =	ssyncadd.s32 $0xFFFFD800  }
0x75: {  	[tilespmem:s14], [sflag:$0x1] =	stream.indirect.gather [hbm4b:s11+s17], $0x50, s21, s17, $0xb8;
	[tilespmem:$0x1B600] =	vst v63  }
0x76: {  	_ =	swait.ge [sflag:s20], $0x2800  }
0x77: {  	[sflag:s20] =	ssyncset.done $0x0  }
0x78: {  	[sflag:s20] =	ssyncadd.s32 $0xFFFFD800  }
0x79: {  	[spmem:s2] =	stream.indirect.scatter.add.f32 [tilespmem:s18], [sflag:$0x3], $0x50, s23, s17, $0xb8;
	[tilespmem:$0x1B600] =	vst v63  }
0x7a: {  	_ =	swait.ge [sflag:s15], $0x2800  }
0x7b: {  	[sflag:s15] =	ssyncset.done $0x0  }
0x7c: {  	[sflag:s15] =	ssyncadd.s32 $0xFFFFD800  }
0x7d: {  	_ =	swait.ge [sflag:s19], $0x2800  }
0x7e: {  	s30 =	sshll.u32 s0, $0x6;
	s3 =	sadd.s32 $0x1, s3;
	[sflag:s19] =	ssyncset.done $0x0  }
0x7f: {  	s31 =	sshrl.u32 s4, $0x3;
	p0 =	sne.s32 s3, s13;
	[sflag:s19] =	ssyncadd.s32 $0xFFFFD800  }
.Ltmp2:
0x80: {  	s24 =	sor.u32 $0x1C03, s30;
	[bflag:$0x0] =	sbarrier.arrive $0xFFFF;
	(pc) =	sbr.rel @p0 .LBB2_1-.Ltmp2, $4  }
0x81: {  	[hbm:s12], [sflag:s24] =	dma.local [spmem:s31], $0x1900  }
0x82: {  	_ =	swait.ge [sflag:s15], $0x1900  }
0x83: {  	[sflag:s15] =	ssyncset.done $0x0  }
0x84: {  	[sflag:s15] =	ssyncadd.s32 $0xFFFFE700  }
0x85: {  	_ =	sfence.sel $0x180000  }
0x86: {  	[bflag:$0x0] =	sbarrier.arrive $0xFFFF  }
0x87: {  	p0 =	sne.s32 s0, $0x0;
	_ =	strace $0x9000004D  }
0x88: {  	s0 =	sadd.s32 @!p0 $0x100000, s1;
	[bflag:$0x2] =	sbarrier.arrive $0xFFFF  }
0x89: {  	[sflag:s0] =	ssyncadd.tile.s32 @!p0 $0x1;
	_ =	shalt  }
.Lfunc_end2:
_tile_overlayer_lowered:
.L_overlay_start_2:
0x8a: {  	(tag) =	ssettag $0x2  }
0x8b: {  	s0 =	rddreg [dreg:$0x0];
	s2 =	stileid.u32  }
0x8c: {  	s1 =	rddreg [dreg:$0x1];
	p0 =	sne.s32 s2, $0x0  }
0x8d: {  	s3 =	rddreg [dreg:$0x2];
	[bflag:$0x3] =	sbarrier.arrive $0xFFFF;
	s2 =	simm.s32 @!p0 $0x1C03  }
0x8e: {  	[timem:s3], [sflag:s2] =	dma.local @!p0 [hbm:s0], s1  }
0x8f: {  	s0 =	simm.s32 @!p0 $0x3  }
0x90: {  	_ =	swait.ge @!p0 [sflag:s0], s1  }
0x91: {  	s1 =	ssub.s32 @!p0 $0x0, s1;
	[sflag:s0] =	ssyncset.done @!p0 $0x0  }
0x92: {  	[sflag:s0] =	ssyncadd.s32 @!p0 s1  }
0x93: {  	[bflag:$0x3] =	sbarrier.arrive $0xFFFF  }
0x94: {  	_ =	shalt  }

// kernel: kernel.20.cloned.1.call-start
scs
__scs_entry_jumppad:
0x0: {  	(pc) =	sbr.rel $0x88, $3  }
0x1: {  	(tag) =	ssettag $0x0;
	lr =	simm.s32 $0x1  }
0x2: {  	[smem:$0x3F8E] =	sst lr;
	_ =	strace $0xD0000000  }
0x3: {  	_ = 	snop  }
0x4: {  	_ = 	snop  }
0x5: {  	_ = 	snop  }
0x6: {  	_ = 	snop  }
0x7: {  	_ = 	snop  }
__scs_overlays_trampoline_lowered:
0x8: {  	[smem:$0x3F9D] =	sst s0  }
0x9: {  	[smem:$0x3F9E] =	sst s1  }
0xa: {  	[smem:$0x3F9F] =	sst s2  }
0xb: {  	[smem:$0x3FA0] =	sst s3  }
0xc: {  	[smem:$0x3FA1] =	sst s4  }
0xd: {  	[smem:$0x3FA2] =	sst s5  }
0xe: {  	[smem:$0x3FA3] =	sst s6  }
0xf: {  	[smem:$0x3FA4] =	sst s7  }
0x10: {  	[smem:$0x3FA5] =	sst s8  }
0x11: {  	[smem:$0x3FA6] =	sst s9;
	s0 =	simm.s32 @!p0 $0x0  }
0x12: {  	s1 =	sld [smem:$0x3F8C];
	s0 =	simm.s32 @p0 $0x1  }
0x13: {  	[smem:$0x3FA7] =	sst s0;
	s0 =	simm.s32 @!p1 $0x0  }
0x14: {  	s2 =	sld [smem:$0x3F8B];
	s0 =	simm.s32 @p1 $0x1  }
0x15: {  	[smem:$0x3FA8] =	sst s0;
	s0 =	simm.s32 @!p2 $0x0  }
0x16: {  	s3 =	sld [smem:$0x3FDB];
	s0 =	simm.s32 @p2 $0x1  }
0x17: {  	s4 =	simm.s32 $0x1BF5;
	[smem:$0x3FAA] =	sst s0  }
0x18: {  	s0 =	sld [smem:$0x3F8D];
	_ =	swait.ge [sflag:s4], $0x0  }
0x19: {  	s7 =	sld [smem:$0x3F8E]  }
0x1a: {  	s8 =	sadd.s32 $0xFFFFE003, lr  }
0x1b: {  	s9 =	sadd.s32 $0xFFFFFEF7, lr;
	s5 =	simm.s32 $0xFFFFFFFF;
	p2 =	slt.u32 s8, $0xFFFFF086  }
0x1c: {  	p1 =	slt.u32 s9, $0xF7A;
	s5 =	simm.s32 @!p2 $0x0  }
0x1d: {  	s5 =	simm.s32 @p1 $0x1;
	p0 =	seq.s32 s7, s2  }
0x1e: {  	s7 =	smul.u32 @!p0 $0xF7A, s2;
	p2 =	seq.s32 @!p0 s5, $0x0  }
0x1f: {  	s9 =	smul.u32 $0xF7A, s1;
	s8 =	simm.s32 @!p0 $0x1BF5;
	p2 =	por !p2, p0  }
0x20: {  	[sflag:s8] =	ssyncset.s32 @!p0 $0xFFFFF086;
	s6 =	sadd.s32 @!p0 s3, s7;
	s7 =	simm.s32 @!p0 $0x108  }
0x21: {  	s3 =	sadd.s32 s3, s9;
	s6 =	sadd.s32 @!p0 $0x88, s6;
	s7 =	simm.s32 @p2 $0x1082  }
0x22: {  	[simem:s7], [sflag:s8] =	dma.local @!p0 [hbm:s6], $0xF7A  }
0x23: {  	s9 =	sor.u32 $0xD0000000, s2;
	s6 =	simm.s32 $0x108;
	_ =	swait.ge @!p0 [sflag:s8], $0x0  }
0x24: {  	s3 =	sadd.s32 $0x88, s3;
	s6 =	simm.s32 @!p1 $0x1082;
	[sflag:s4] =	ssyncset.s32 $0xFFFFF086  }
0x25: {  	[simem:s6], [sflag:s4] =	dma.local [hbm:s3], $0xF7A  }
0x26: {  	[smem:$0x3F8E] =	sst s1;
	(tag) =	ssettag s2;
	_ =	strace s9  }
0x27: {  	s1 =	sld [smem:$0x3F9E]  }
0x28: {  	s2 =	sld [smem:$0x3F9F]  }
0x29: {  	s4 =	sld [smem:$0x3FA1]  }
0x2a: {  	p0 =	seq.s32 s5, $0x0;
	s5 =	sld [smem:$0x3FA2]  }
0x2b: {  	s6 =	sld [smem:$0x3FA3]  }
0x2c: {  	s7 =	sld [smem:$0x3FA4]  }
0x2d: {  	s3 =	simm.s32 $0x108;
	s8 =	sld [smem:$0x3FA5]  }
0x2e: {  	s3 =	simm.s32 @!p0 $0x1082;
	s9 =	sld [smem:$0x3FA6]  }
0x2f: {  	lr =	sadd.s32 s0, s3;
	s0 =	sld [smem:$0x3F9D]  }
0x30: {  	s3 =	sld [smem:$0x3FA0]  }
0x31: {  	[smem:$0x3FA9] =	sst s10  }
0x32: {  	s10 =	sld [smem:$0x3FA7];
	_ =	sdelay $0x3  }
0x33: {  	p0 =	seq.s32 s10, $0x1;
	s10 =	sld [smem:$0x3FA9];
	_ =	sdelay $0x3  }
0x34: {  	[smem:$0x3FA9] =	sst s10  }
0x35: {  	s10 =	sld [smem:$0x3FA8];
	_ =	sdelay $0x3  }
0x36: {  	p1 =	seq.s32 s10, $0x1;
	s10 =	sld [smem:$0x3FA9];
	_ =	sdelay $0x3  }
0x37: {  	[smem:$0x3FA9] =	sst s10  }
0x38: {  	s10 =	sld [smem:$0x3FAA]  }
0x39: {  	_ = 	snop;
	(pc) =	sbr.ind lr, $3  }
0x3a: {  	_ = 	snop  }
0x3b: {  	_ = 	snop  }
0x3c: {  	p2 =	seq.s32 s10, $0x1;
	s10 =	sld [smem:$0x3FA9]  }
0x3d: {  	_ =	shalt  }
0x3e: {  	_ =	shalt  }
0x3f: {  	_ =	shalt  }
0x40: {  	_ =	shalt  }
0x41: {  	_ =	shalt  }
0x42: {  	_ =	shalt  }
0x43: {  	_ =	shalt  }
0x44: {  	_ =	shalt  }
0x45: {  	_ =	shalt  }
0x46: {  	_ =	shalt  }
0x47: {  	_ =	shalt  }
0x48: {  	_ =	shalt  }
0x49: {  	_ =	shalt  }
0x4a: {  	_ =	shalt  }
0x4b: {  	_ =	shalt  }
0x4c: {  	_ =	shalt  }
0x4d: {  	_ =	shalt  }
0x4e: {  	_ =	shalt  }
0x4f: {  	_ =	shalt  }
0x50: {  	_ =	shalt  }
0x51: {  	_ =	shalt  }
0x52: {  	_ =	shalt  }
0x53: {  	_ =	shalt  }
0x54: {  	_ =	shalt  }
0x55: {  	_ =	shalt  }
0x56: {  	_ =	shalt  }
0x57: {  	_ =	shalt  }
0x58: {  	_ =	shalt  }
0x59: {  	_ =	shalt  }
0x5a: {  	_ =	shalt  }
0x5b: {  	_ =	shalt  }
0x5c: {  	_ =	shalt  }
0x5d: {  	_ =	shalt  }
0x5e: {  	_ =	shalt  }
0x5f: {  	_ =	shalt  }
0x60: {  	_ =	shalt  }
0x61: {  	_ =	shalt  }
0x62: {  	_ =	shalt  }
0x63: {  	_ =	shalt  }
0x64: {  	_ =	shalt  }
0x65: {  	_ =	shalt  }
0x66: {  	_ =	shalt  }
0x67: {  	_ =	shalt  }
0x68: {  	_ =	shalt  }
0x69: {  	_ =	shalt  }
0x6a: {  	_ =	shalt  }
0x6b: {  	_ =	shalt  }
0x6c: {  	_ =	shalt  }
0x6d: {  	_ =	shalt  }
0x6e: {  	_ =	shalt  }
0x6f: {  	_ =	shalt  }
0x70: {  	_ =	shalt  }
0x71: {  	_ =	shalt  }
0x72: {  	_ =	shalt  }
0x73: {  	_ =	shalt  }
0x74: {  	_ =	shalt  }
0x75: {  	_ =	shalt  }
0x76: {  	_ =	shalt  }
0x77: {  	_ =	shalt  }
0x78: {  	_ =	shalt  }
0x79: {  	_ =	shalt  }
0x7a: {  	_ =	shalt  }
0x7b: {  	_ =	shalt  }
0x7c: {  	_ =	shalt  }
0x7d: {  	_ =	shalt  }
0x7e: {  	_ =	shalt  }
0x7f: {  	_ =	shalt  }
0x80: {  	_ =	shalt  }
0x81: {  	_ =	shalt  }
0x82: {  	_ =	shalt  }
0x83: {  	_ =	shalt  }
0x84: {  	_ =	shalt  }
0x85: {  	_ =	shalt  }
0x86: {  	_ =	shalt  }
0x87: {  	_ =	shalt  }
.Lfunc_end0:
.L_simem_size_0:
called_computation.3_lowered:
.L_overlay_start_0:
0x88: {  	s2 =	sld [smem:$0x3FD9]  }
0x89: {  	s3 =	sld [smem:$0x3FFE];
	_ =	sdelay $0x1  }
0x8a: {  	s1 =	srdreg.scid  }
0x8b: {  	s0 =	sand.u32 $0x1, s1  }
0x8c: {  	s16 =	sshll.u32 s0, $0xA;
	s2 =	sadd.s32 s3, s2  }
0x8d: {  	s2 =	sadd.s32 s2, s16  }
0x8e: {  	[smem:$0x3FB5] =	sst s2  }
0x8f: {  	_ = 	snop  }
0x90: {  	(tm) =	ssettm $0x1  }
0x91: {  	s17 =	sld [smem:$0x3FFB];
	_ =	sdelay $0x3  }
0x92: {  	_ =	strace s17  }
0x93: {  	s2 =	sld [smem:$0x3FFC];
	_ =	sdelay $0x3  }
0x94: {  	_ =	strace s2  }
0x95: {  	s2 =	sld [smem:$0x3FFD];
	_ =	sdelay $0x3  }
0x96: {  	_ =	strace s2  }
0x97: {  	_ =	strace $0x8FFFFFFF  }
0x98: {  	s18 =	sld [smem:$0x3FDB];
	_ =	sdelay $0x1  }
0x99: {  	s19 =	simm.s32 $_scs_section_size  }
0x9a: {  	s4 =	simm.s32 $_size__tile_overlayer_lowered;
	s5 =	simm.s32 $_tile_overlayer_lowered  }
0x9b: {  	s22 =	simm.s32 $0x1BFF;
	s21 =	sshll.u32 s5, $0x1;
	s2 =	sadd.s32 s19, s18  }
0x9c: {  	s6 =	simm.s32 $0x0;
	s20 =	sshll.u32 s4, $0x1;
	s4 =	sadd.s32 s21, s2  }
0x9d: {  	[timem:s6], [sflag:s22] =	dma.local [hbm:s4], s20  }
0x9e: {  	_ =	swait.ge [sflag:s22], s20  }
0x9f: {  	s3 =	ssub.s32 $0x0, s20;
	[sflag:s22] =	ssyncset.done $0x0  }
0xa0: {  	[sflag:s22] =	ssyncadd.s32 s3;
	_ =	sdelay $0x1  }
0xa1: {  	s23 =	simm.s32 $0x1B8B  }
0xa2: {  	_ =	swait.ge [sflag:s23], $0x1  }
0xa3: {  	[sflag:s23] =	ssyncset.done $0x0  }
0xa4: {  	s25 =	simm.s32 $0x1B8E;
	s24 =	sld [smem:$0x3FFE];
	[sflag:s23] =	ssyncadd.s32 $0xFFFFFFFF  }
0xa5: {  	s26 =	simm.s32 $execute0_lowered;
	[smem:$0x3FD2] =	sst s25  }
0xa6: {  	s4 =	sshll.u32 s26, $0x1;
	_ =	strace $0x8000004F;
	[dreg:$0x1] =	wrdreg $0xFFFFFFFF  }
0xa7: {  	s28 =	simm.s32 $_size_execute0_lowered;
	s2 =	sadd.s32 s2, s4;
	[dreg:$0x0] =	wrdreg $0x0  }
0xa8: {  	s4 =	sshll.u32 s28, $0x1;
	[dreg:$0x2] =	wrdreg s2  }
0xa9: {  	[dreg:$0x3] =	wrdreg s4  }
0xaa: {  	[dreg:$0x4] =	wrdreg $0xC0  }
0xab: {  	_ =	task [dreg:s6], $0x5FFFF  }
0xac: {  	[dreg:$0x1] =	wrdreg $0xFFFFFFFF  }
0xad: {  	[dreg:$0x0] =	wrdreg $0x60  }
0xae: {  	[dreg:$0x2] =	wrdreg s24  }
0xaf: {  	[dreg:$0x3] =	wrdreg $0xEE000  }
0xb0: {  	[dreg:$0x4] =	wrdreg $0x9  }
0xb1: {  	_ =	task.clear_ibuf [dreg:s6], $0x5FFFF;
	_ =	strace $0x9000004F  }
0xb2: {  	s29 =	simm.s32 $0x9;
	_ =	strace $0x80000051  }
0xb3: {  	_ =	swait.ge [sflag:s29], $0x1  }
0xb4: {  	[sflag:s29] =	ssyncadd.s32 $0xFFFFFFFF  }
0xb5: {  	_ =	strace $0x90000051  }
0xb6: {  	_ =	sfence  }
0xb7: {  	s30 =	sld [smem:$0x0];
	_ =	sdelay $0x2  }
0xb8: {  	s31 =	sshll.u32 s1, $0xD;
	s1 =	sshrl.u32 s1, $0x2  }
0xb9: {  	s3 =	sand.u32 $0x4000, s31;
	s1 =	sadd.s32 s1, s30  }
0xba: {  	s0 =	sor.u32 s3, s0;
	s1 =	sshll.u32 s1, $0x11  }
0xbb: {  	s0 =	sor.u32 s1, s0  }
0xbc: {  	s0 =	sadd.s32 $0x8F2B, s0  }
0xbd: {  	[sflag:s0] =	ssyncadd.remote.s32 $0x1  }
0xbe: {  	_ =	sfence.sel $0xFFFF  }
0xbf: {  	[dreg:$0x0] =	wrdreg $0xFFFFFFFF;
	(pc) =	sbr.abs _section_cstart, $3  }
0xc0: {  	[dreg:$0x1] =	wrdreg $0xFFFFFFFF  }
0xc1: {  	_ =	task.clear_ibuf [dreg:s6], $0x2FFFF;
	_ =	strace $0x9FFFFFFF  }
0xc2: {  	(tm) =	ssettm $0x7FFFFFFF  }
0xc3: {  	_ =	shalt  }
tec
execute0_lowered:
.L_overlay_start_1:
0x0: {  	(tag) =	ssettag $0x1  }
0x1: {  	s4 =	rddreg [dreg:$0x0]  }
0x2: {  	s2 =	rddreg [dreg:$0x1]  }
0x3: {  	s0 =	srdreg.scid;
	s1 =	rddreg [dreg:$0x2];
	s3 =	simm.s32 $0x0  }
0x4: {  	s15 =	simm.s32 $0x3;
	s16 =	simm.s32 $0x4F00;
	s5 =	sand.u32 $0x1, s0  }
0x5: {  	s17 =	simm.s32 $0x80;
	s0 =	stileid.u32;
	s6 =	smul.u32 $0x186A0, s5  }
0x6: {  	s18 =	simm.s32 $0xC600;
	s19 =	simm.s32 $0x1;
	s7 =	smul.u32 $0x9E0, s0  }
0x7: {  	s20 =	simm.s32 $0x2;
	s21 =	simm.s32 $0x4E80;
	s8 =	smul.u32 $0xC800, s0  }
0x8: {  	s22 =	simm.s32 $0x9D00;
	s23 =	simm.s32 $0x9D80;
	s9 =	smul.u32 $0xC8000, s5  }
0x9: {  	[smem:$0x7FF] =	sst s3;
	s10 =	smul.u32 $0x32000, s0;
	s5 =	ssub.s32 $0x2, s5  }
0xa: {  	_ =	strace $0x80000050;
	s30 =	sshrl.u32 s5, $0x1;
	s11 =	sadd.s32 s6, s4  }
0xb: {  	s12 =	sadd.s32 s7, s4;
	s28 =	sadd.s32 s8, s9;
	s29 =	sshrl.u32 s10, $0x2  }
0xc: {  	s14 =	ssub.s32 s5, s30;
	s6 =	sshrl.u32 s28, $0x3;
	s31 =	sadd.s32 s29, s2  }
0xd: {  	s9 =	sadd.s32 $0x18200, s12;
	s10 =	sadd.s32 $0x4400, s12;
	s11 =	sadd.s32 $0x70200, s11  }
0xe: {  	s13 =	sadd.s32 s6, s4;
	s4 =	sadd.s32 s8, s2;
	s5 =	sadd.s32 $0x2800, s31  }
0xf: {  	s6 =	sadd.s32 $0x5000, s31;
	s7 =	sadd.s32 $0x7800, s31;
	s8 =	sadd.s32 $0xA000, s31  }
0x10: {  	v0 =	vimm.f32 $0.0e+00;
	s12 =	sadd.s32 $0xA1000, s13;
	s13 =	smax.u32 s14, $0x1;
	s14 =	simm.s32 $0x9E00  }
.LBB2_1:
0x11: {  	s25 =	simm.s32 $0x140;
	s24 =	simm.s32 $0x0  }
.LBB2_2:
0x12: {  	p0 =	sne.s32 s25, $0x9EC0;
	[tilespmem:s24+$0x9E40] =	vst v0;
	s26 =	smov.u32 s25;
	s25 =	sadd.s32 $0x140, s25  }
.Ltmp0:
0x13: {  	[tilespmem:s24+$0x9E30] =	vst v0;
	(pc) =	sbr.rel @p0 .LBB2_2-.Ltmp0, $4  }
0x14: {  	[tilespmem:s24+$0x9E20] =	vst v0  }
0x15: {  	[tilespmem:s24+$0x9E00] =	vst v0  }
0x16: {  	[tilespmem:s24+$0x9E10] =	vst v0  }
0x17: {  	s24 =	sshra.s32 s26, $0x2  }
0x18: {  	[tilespmem:s24+$0x9E40] =	vst v0  }
0x19: {  	[tilespmem:s24+$0x9E30] =	vst v0  }
0x1a: {  	[tilespmem:s24+$0x9E20] =	vst v0  }
0x1b: {  	[tilespmem:s24+$0x9E00] =	vst v0  }
0x1c: {  	[tilespmem:s24+$0x9E10] =	vst v0  }
0x1d: {  	[spmem:s4] =	stream.linear.scatter [tilespmem:s14], [sflag:$0x3], $0x2800, $0x38;
	[tilespmem:$0x1B600] =	vst v63  }
0x1e: {  	_ =	swait.ge [sflag:s15], $0x2800  }
0x1f: {  	[sflag:s15] =	ssyncset.done $0x0  }
0x20: {  	[sflag:s15] =	ssyncadd.s32 $0xFFFFD800  }
0x21: {  	[spmem:s5] =	stream.linear.scatter [tilespmem:s14], [sflag:$0x3], $0x2800, $0x38;
	[tilespmem:$0x1B600] =	vst v63  }
0x22: {  	_ =	swait.ge [sflag:s15], $0x2800  }
0x23: {  	[sflag:s15] =	ssyncset.done $0x0  }
0x24: {  	[sflag:s15] =	ssyncadd.s32 $0xFFFFD800  }
0x25: {  	[spmem:s6] =	stream.linear.scatter [tilespmem:s14], [sflag:$0x3], $0x2800, $0x38;
	[tilespmem:$0x1B600] =	vst v63  }
0x26: {  	_ =	swait.ge [sflag:s15], $0x2800  }
0x27: {  	[sflag:s15] =	ssyncset.done $0x0  }
0x28: {  	[sflag:s15] =	ssyncadd.s32 $0xFFFFD800  }
0x29: {  	[spmem:s7] =	stream.linear.scatter [tilespmem:s14], [sflag:$0x3], $0x2800, $0x38;
	[tilespmem:$0x1B600] =	vst v63  }
0x2a: {  	_ =	swait.ge [sflag:s15], $0x2800  }
0x2b: {  	[sflag:s15] =	ssyncset.done $0x0  }
0x2c: {  	[sflag:s15] =	ssyncadd.s32 $0xFFFFD800  }
0x2d: {  	[spmem:s8] =	stream.linear.scatter [tilespmem:s14], [sflag:$0x3], $0x2800, $0x38;
	[tilespmem:$0x1B600] =	vst v63  }
0x2e: {  	_ =	swait.ge [sflag:s15], $0x2800  }
0x2f: {  	[sflag:s15] =	ssyncset.done $0x0  }
0x30: {  	[sflag:s15] =	ssyncadd.s32 $0xFFFFD800  }
0x31: {  	s26 =	simm.s32 $0x0;
	[bflag:$0x0] =	sbarrier.arrive $0xFFFF  }
0x32: {  	[tilespmem:s26], [sflag:$0x3] =	stream.linear.gather [hbm4b:s9+s26], $0x4F00, $0x38;
	[tilespmem:$0x1B600] =	vst v63  }
0x33: {  	_ =	swait.ge [sflag:s15], $0x4F00  }
0x34: {  	[sflag:s15] =	ssyncset.done $0x0  }
0x35: {  	[sflag:s15] =	ssyncadd.s32 $0xFFFFB100  }
0x36: {  	[tilespmem:s16], [sflag:$0x3] =	stream.linear.gather [hbm4b:s10+s26], $0x4F00, $0x38;
	[tilespmem:$0x1B600] =	vst v63  }
0x37: {  	_ =	swait.ge [sflag:s15], $0x4F00  }
0x38: {  	[sflag:s15] =	ssyncset.done $0x0  }
0x39: {  	[sflag:s15] =	ssyncadd.s32 $0xFFFFB100  }
0x3a: {  	[tilespmem:s14], [sflag:$0x1] =	stream.indirect.gather [hbm4b:s11+s17], $0x50, s26, s17, $0xb8;
	[tilespmem:$0x1B600] =	vst v63  }
0x3b: {  	s28 =	simm.s32 $0x80  }
0x3c: {  	[tilespmem:s18], [sflag:$0x2] =	stream.indirect.gather [hbm4b:s11+s17], $0x50, s28, s17, $0xb8;
	[tilespmem:$0x1B600] =	vst v63  }
0x3d: {  	_ =	swait.ge [sflag:s19], $0x2800  }
0x3e: {  	[sflag:s19] =	ssyncset.done $0x0  }
0x3f: {  	s29 =	simm.s32 $0x4F00;
	[sflag:s19] =	ssyncadd.s32 $0xFFFFD800  }
0x40: {  	[spmem:s2] =	stream.indirect.scatter.add.f32 [tilespmem:s14], [sflag:$0x3], $0x50, s29, s17, $0xb8;
	[tilespmem:$0x1B600] =	vst v63  }
0x41: {  	_ =	swait.ge [sflag:s15], $0x2800  }
0x42: {  	[sflag:s15] =	ssyncset.done $0x0  }
0x43: {  	s30 =	simm.s32 $0x100;
	[sflag:s15] =	ssyncadd.s32 $0xFFFFD800  }
0x44: {  	[tilespmem:s14], [sflag:$0x1] =	stream.indirect.gather [hbm4b:s11+s17], $0x50, s30, s17, $0xb8;
	[tilespmem:$0x1B600] =	vst v63  }
0x45: {  	_ =	swait.ge [sflag:s20], $0x2800  }
0x46: {  	[sflag:s20] =	ssyncset.done $0x0  }
0x47: {  	s31 =	simm.s32 $0x4F80;
	[sflag:s20] =	ssyncadd.s32 $0xFFFFD800  }
0x48: {  	[spmem:s2] =	stream.indirect.scatter.add.f32 [tilespmem:s18], [sflag:$0x3], $0x50, s31, s17, $0xb8;
	[tilespmem:$0x1B600] =	vst v63  }
0x49: {  	_ =	swait.ge [sflag:s15], $0x2800  }
0x4a: {  	s25 =	simm.s32 $0x800;
	s24 =	simm.s32 $0x100;
	[sflag:s15] =	ssyncset.done $0x0  }
.LBB2_4:
0x4b: {  	s26 =	sadd.s32 $0x80, s24  }
0x4c: {  	[sflag:s15] =	ssyncadd.s32 $0xFFFFD800;
	s28 =	smov.u32 s25;
	s29 =	sadd.s32 $0x400, s25  }
0x4d: {  	[tilespmem:s18], [sflag:$0x2] =	stream.indirect.gather [hbm4b:s11+s17], $0x50, s26, s17, $0xb8;
	[tilespmem:$0x1B600] =	vst v63  }
0x4e: {  	p0 =	sne.s32 s25, $0x13400;
	_ =	swait.ge [sflag:s19], $0x2800  }
0x4f: {  	[sflag:s19] =	ssyncset.done $0x0  }
0x50: {  	s25 =	sadd.s32 $0x4F00, s24;
	[sflag:s19] =	ssyncadd.s32 $0xFFFFD800  }
0x51: {  	[spmem:s2] =	stream.indirect.scatter.add.f32 [tilespmem:s14], [sflag:$0x3], $0x50, s25, s17, $0xb8;
	[tilespmem:$0x1B600] =	vst v63  }
0x52: {  	_ =	swait.ge [sflag:s15], $0x2800  }
0x53: {  	[sflag:s15] =	ssyncset.done $0x0  }
0x54: {  	s25 =	sadd.s32 $0x100, s24;
	[sflag:s15] =	ssyncadd.s32 $0xFFFFD800  }
0x55: {  	[tilespmem:s14], [sflag:$0x1] =	stream.indirect.gather [hbm4b:s11+s17], $0x50, s25, s17, $0xb8;
	[tilespmem:$0x1B600] =	vst v63  }
0x56: {  	_ =	swait.ge [sflag:s20], $0x2800  }
.Ltmp1:
0x57: {  	[sflag:s20] =	ssyncset.done $0x0;
	(pc) =	sbr.rel @p0 .LBB2_4-.Ltmp1, $4  }
0x58: {  	s24 =	sadd.s32 $0x4F80, s24;
	[sflag:s20] =	ssyncadd.s32 $0xFFFFD800  }
0x59: {  	[spmem:s2] =	stream.indirect.scatter.add.f32 [tilespmem:s18], [sflag:$0x3], $0x50, s24, s17, $0xb8;
	[tilespmem:$0x1B600] =	vst v63  }
0x5a: {  	_ =	swait.ge [sflag:s15], $0x2800  }
0x5b: {  	s25 =	smov.u32 s29;
	s24 =	sshra.s32 s28, $0x2;
	[sflag:s15] =	ssyncset.done $0x0  }
0x5c: {  	s25 =	sadd.s32 $0x80, s24;
	[sflag:s15] =	ssyncadd.s32 $0xFFFFD800  }
0x5d: {  	[tilespmem:s18], [sflag:$0x2] =	stream.indirect.gather [hbm4b:s11+s17], $0x50, s25, s17, $0xb8;
	[tilespmem:$0x1B600] =	vst v63  }
0x5e: {  	_ =	swait.ge [sflag:s19], $0x2800  }
0x5f: {  	[sflag:s19] =	ssyncset.done $0x0  }
0x60: {  	s26 =	sadd.s32 $0x4F00, s24;
	[sflag:s19] =	ssyncadd.s32 $0xFFFFD800  }
0x61: {  	[spmem:s2] =	stream.indirect.scatter.add.f32 [tilespmem:s14], [sflag:$0x3], $0x50, s26, s17, $0xb8;
	[tilespmem:$0x1B600] =	vst v63  }
0x62: {  	_ =	swait.ge [sflag:s15], $0x2800  }
0x63: {  	[sflag:s15] =	ssyncset.done $0x0  }
0x64: {  	s28 =	sadd.s32 $0x100, s24;
	[sflag:s15] =	ssyncadd.s32 $0xFFFFD800  }
0x65: {  	[tilespmem:s14], [sflag:$0x1] =	stream.indirect.gather [hbm4b:s11+s17], $0x50, s28, s17, $0xb8;
	[tilespmem:$0x1B600] =	vst v63  }
0x66: {  	_ =	swait.ge [sflag:s20], $0x2800  }
0x67: {  	[sflag:s20] =	ssyncset.done $0x0  }
0x68: {  	s29 =	sadd.s32 $0x4F80, s24;
	[sflag:s20] =	ssyncadd.s32 $0xFFFFD800  }
0x69: {  	[spmem:s2] =	stream.indirect.scatter.add.f32 [tilespmem:s18], [sflag:$0x3], $0x50, s29, s17, $0xb8;
	[tilespmem:$0x1B600] =	vst v63  }
0x6a: {  	_ =	swait.ge [sflag:s15], $0x2800  }
0x6b: {  	[sflag:s15] =	ssyncset.done $0x0  }
0x6c: {  	[sflag:s15] =	ssyncadd.s32 $0xFFFFD800  }
0x6d: {  	[tilespmem:s18], [sflag:$0x2] =	stream.indirect.gather [hbm4b:s11+s17], $0x50, s21, s17, $0xb8;
	[tilespmem:$0x1B600] =	vst v63  }
0x6e: {  	_ =	swait.ge [sflag:s19], $0x2800  }
0x6f: {  	[sflag:s19] =	ssyncset.done $0x0  }
0x70: {  	[sflag:s19] =	ssyncadd.s32 $0xFFFFD800  }
0x71: {  	[spmem:s2] =	stream.indirect.scatter.add.f32 [tilespmem:s14], [sflag:$0x3], $0x50, s22, s17, $0xb8;
	[tilespmem:$0x1B600] =	vst v63  }
0x72: {  	_ =	swait.ge [sflag:s15], $0x2800  }
0x73: {  	[sflag:s15] =	ssyncset.done $0x0  }
0x74: {  	[sflag:s15] =	ssyncadd.s32 $0xFFFFD800  }
0x75: {  	[tilespmem:s14], [sflag:$0x1] =	stream.indirect.gather [hbm4b:s11+s17], $0x50, s21, s17, $0xb8;
	[tilespmem:$0x1B600] =	vst v63  }
0x76: {  	_ =	swait.ge [sflag:s20], $0x2800  }
0x77: {  	[sflag:s20] =	ssyncset.done $0x0  }
0x78: {  	[sflag:s20] =	ssyncadd.s32 $0xFFFFD800  }
0x79: {  	[spmem:s2] =	stream.indirect.scatter.add.f32 [tilespmem:s18], [sflag:$0x3], $0x50, s23, s17, $0xb8;
	[tilespmem:$0x1B600] =	vst v63  }
0x7a: {  	_ =	swait.ge [sflag:s15], $0x2800  }
0x7b: {  	[sflag:s15] =	ssyncset.done $0x0  }
0x7c: {  	[sflag:s15] =	ssyncadd.s32 $0xFFFFD800  }
0x7d: {  	_ =	swait.ge [sflag:s19], $0x2800  }
0x7e: {  	s30 =	sshll.u32 s0, $0x6;
	s3 =	sadd.s32 $0x1, s3;
	[sflag:s19] =	ssyncset.done $0x0  }
0x7f: {  	s31 =	sshrl.u32 s4, $0x3;
	p0 =	sne.s32 s3, s13;
	[sflag:s19] =	ssyncadd.s32 $0xFFFFD800  }
.Ltmp2:
0x80: {  	s24 =	sor.u32 $0x1C03, s30;
	[bflag:$0x0] =	sbarrier.arrive $0xFFFF;
	(pc) =	sbr.rel @p0 .LBB2_1-.Ltmp2, $4  }
0x81: {  	[hbm:s12], [sflag:s24] =	dma.local [spmem:s31], $0x1900  }
0x82: {  	_ =	swait.ge [sflag:s15], $0x1900  }
0x83: {  	[sflag:s15] =	ssyncset.done $0x0  }
0x84: {  	[sflag:s15] =	ssyncadd.s32 $0xFFFFE700  }
0x85: {  	_ =	sfence.sel $0x180000  }
0x86: {  	[bflag:$0x0] =	sbarrier.arrive $0xFFFF  }
0x87: {  	p0 =	sne.s32 s0, $0x0;
	_ =	strace $0x90000050  }
0x88: {  	s0 =	sadd.s32 @!p0 $0x100000, s1;
	[bflag:$0x2] =	sbarrier.arrive $0xFFFF  }
0x89: {  	[sflag:s0] =	ssyncadd.tile.s32 @!p0 $0x1;
	_ =	shalt  }
.Lfunc_end2:
_tile_overlayer_lowered:
.L_overlay_start_2:
0x8a: {  	(tag) =	ssettag $0x2  }
0x8b: {  	s0 =	rddreg [dreg:$0x0];
	s2 =	stileid.u32  }
0x8c: {  	s1 =	rddreg [dreg:$0x1];
	p0 =	sne.s32 s2, $0x0  }
0x8d: {  	s3 =	rddreg [dreg:$0x2];
	[bflag:$0x3] =	sbarrier.arrive $0xFFFF;
	s2 =	simm.s32 @!p0 $0x1C03  }
0x8e: {  	[timem:s3], [sflag:s2] =	dma.local @!p0 [hbm:s0], s1  }
0x8f: {  	s0 =	simm.s32 @!p0 $0x3  }
0x90: {  	_ =	swait.ge @!p0 [sflag:s0], s1  }
0x91: {  	s1 =	ssub.s32 @!p0 $0x0, s1;
	[sflag:s0] =	ssyncset.done @!p0 $0x0  }
0x92: {  	[sflag:s0] =	ssyncadd.s32 @!p0 s1  }
0x93: {  	[bflag:$0x3] =	sbarrier.arrive $0xFFFF  }
0x94: {  	_ =	shalt  }

</sc_bundles>
